<compile_context>
chip_gen: v7x
topology: tpu7x:2x2x1
jax: 0.10.2.dev20260603
libtpu: 0.0.44.dev20260713+nightly
codegen_flags: <defaults>
</compile_context>

<pallas_src>
import functools

import jax
import jax.numpy as jnp
from jax import lax
from jax.experimental import pallas as pl
from jax.experimental.pallas import tpu as pltpu
from jax.experimental.pallas import tpu_sc as plsc

N = 10000
E = 160000
D = 256
R = 3

SLAB = 10240
ACC_ROWS = 3 * SLAB
CBLK = 64
NCB = D // CBLK
ACC_DT = jnp.bfloat16
NTILES = 16
K = 128
CHUNKS = 80
EPT = CHUNKS * K
E_PAD = NTILES * EPT
NBUF = 4
ZROWS = 1920
DUMMY_ROW = N


def _sc_scatter_kernel(x4_hbm, g_hbm, s_hbm, z_hbm, out_hbm,
                       gidx_v, sidx_v, bufs_v, zbuf_v, acc_sh, gsem, ssem, zsem):
    cid = lax.axis_index("c")
    sid = lax.axis_index("s")
    row0 = sid * ZROWS

    pltpu.sync_copy(s_hbm.at[sid], sidx_v)
    pltpu.sync_copy(z_hbm, zbuf_v)

    def gather_issue(j, b):
        return pltpu.async_copy(x4_hbm.at[gidx_v.at[j]], bufs_v.at[b],
                                gsem.at[b])

    def gather_wait(j, b):
        pltpu.make_async_copy(x4_hbm.at[gidx_v.at[j]], bufs_v.at[b],
                              gsem.at[b]).wait()

    def scatter_issue(j, b):
        return pltpu.async_copy(bufs_v.at[b], acc_sh.at[sidx_v.at[j]],
                                ssem.at[b], add=True)

    def scatter_wait(j, b):
        pltpu.make_async_copy(bufs_v.at[b], acc_sh.at[sidx_v.at[j]],
                              ssem.at[b]).wait()

    for p in range(NCB // 2):
        for c in range(2):
            @pl.when(cid == c)
            def _load_gidx(p=p, c=c):
                pltpu.sync_copy(g_hbm.at[2 * p + c, sid], gidx_v)

        gather_issue(0, 0)
        gather_issue(1, 1)
        for k in range(ZROWS // K):
            pltpu.async_copy(zbuf_v, acc_sh.at[pl.ds(row0 + K * k, K)], zsem)
        for k in range(ZROWS // K):
            pltpu.make_async_copy(zbuf_v, acc_sh.at[pl.ds(K, K)], zsem).wait()
        plsc.subcore_barrier()

        @pl.loop(0, CHUNKS // NBUF)
        def _group(i):
            for b in range(NBUF):
                j = NBUF * i + b
                b2 = (b + 2) % NBUF
                gather_wait(j, b)
                scatter_issue(j, b)

                @pl.when(j >= 2)
                def _retire():
                    scatter_wait(j - 2, b2)

                @pl.when(j + 2 < CHUNKS)
                def _prefetch():
                    gather_issue(j + 2, b2)

        scatter_wait(CHUNKS - 2, (CHUNKS - 2) % NBUF)
        scatter_wait(CHUNKS - 1, (CHUNKS - 1) % NBUF)
        plsc.subcore_barrier()

        for c in range(2):
            @pl.when(cid == c)
            def _drain(p=p, c=c):
                cb = 2 * p + c
                pltpu.sync_copy(
                    acc_sh.at[pl.ds(row0, ZROWS)],
                    out_hbm.at[pl.ds(row0, ZROWS), pl.ds(cb * CBLK, CBLK)])

        if p != NCB // 2 - 1:
            plsc.subcore_barrier()


def _sc_scatter(x, gidx, sidx):
    x4 = x.astype(ACC_DT).reshape(N * NCB, CBLK)
    zeros = jnp.zeros((K, CBLK), ACC_DT)
    mesh = plsc.VectorSubcoreMesh(core_axis_name="c", subcore_axis_name="s")
    f = pl.kernel(
        _sc_scatter_kernel,
        out_type=jax.ShapeDtypeStruct((ACC_ROWS, D), ACC_DT),
        mesh=mesh,
        scratch_types=[
            pltpu.VMEM((CHUNKS, K), jnp.int32),
            pltpu.VMEM((CHUNKS, K), jnp.int32),
            pltpu.VMEM((NBUF, K, CBLK), ACC_DT),
            pltpu.VMEM((K, CBLK), ACC_DT),
            pltpu.VMEM_SHARED((ACC_ROWS, CBLK), ACC_DT),
            pltpu.SemaphoreType.DMA((NBUF,)),
            pltpu.SemaphoreType.DMA((NBUF,)),
            pltpu.SemaphoreType.DMA,
        ],
        compiler_params=pltpu.CompilerParams(use_tc_tiling_on_sc=False),
    )
    return f(x4, gidx, sidx, zeros)


def _mlp_kernel(acc_ref, x_ref, w1_ref, b1_ref, w2_ref, b2_ref,
                wf1_ref, bf1_ref, wf2_ref, bf2_ref, out_ref):
    xr = x_ref[...]
    f = jnp.zeros_like(xr)
    for r in range(R):
        m = acc_ref[r].astype(jnp.float32) + xr
        h = jnp.maximum(jnp.dot(m, w1_ref[r],
                                preferred_element_type=jnp.float32) + b1_ref[r], 0.0)
        h = jnp.maximum(jnp.dot(h, w2_ref[r],
                                preferred_element_type=jnp.float32) + b2_ref[r], 0.0)
        f = f + jnp.dot(h, wf1_ref[r], preferred_element_type=jnp.float32)
    g = jnp.maximum(f + bf1_ref[...], 0.0)
    out_ref[...] = jnp.maximum(
        jnp.dot(g, wf2_ref[...], preferred_element_type=jnp.float32)
        + bf2_ref[...], 0.0)


def _mlp(acc, x, W1, b1, W2, b2, Wf1, bf1, Wf2, bf2):
    BN = 1000
    grid = (N // BN,)
    acc3 = acc.reshape(R, SLAB, D)
    return pl.pallas_call(
        _mlp_kernel,
        grid=grid,
        in_specs=[
            pl.BlockSpec((R, BN, D), lambda i: (0, i, 0)),
            pl.BlockSpec((BN, D), lambda i: (i, 0)),
            pl.BlockSpec((R, D, D), lambda i: (0, 0, 0)),
            pl.BlockSpec((R, 1, D), lambda i: (0, 0, 0)),
            pl.BlockSpec((R, D, D), lambda i: (0, 0, 0)),
            pl.BlockSpec((R, 1, D), lambda i: (0, 0, 0)),
            pl.BlockSpec((R, D, D), lambda i: (0, 0, 0)),
            pl.BlockSpec((1, D), lambda i: (0, 0)),
            pl.BlockSpec((D, D), lambda i: (0, 0)),
            pl.BlockSpec((1, D), lambda i: (0, 0)),
        ],
        out_specs=pl.BlockSpec((BN, D), lambda i: (i, 0)),
        out_shape=jax.ShapeDtypeStruct((N, D), jnp.float32),
    )(acc3, x, W1, b1.reshape(R, 1, D), W2, b2.reshape(R, 1, D),
      Wf1.reshape(R, D, D), bf1.reshape(1, D), Wf2, bf2.reshape(1, D))


def kernel(x, edge_index, edge_type, cell_dimensions,
           W1, b1, W2, b2, Wf1, bf1, Wf2, bf2):
    del cell_dimensions
    src = edge_index[0]
    dst = edge_index[1]
    pad = E_PAD - E
    srcp = jnp.concatenate([src, jnp.zeros((pad,), jnp.int32)])
    comb = edge_type * SLAB + dst
    combp = jnp.concatenate([comb, jnp.full((pad,), DUMMY_ROW, jnp.int32)])
    gidx = (srcp * NCB)[None, :] + jnp.arange(NCB, dtype=jnp.int32)[:, None]
    gidx = gidx.reshape(NCB, NTILES, CHUNKS, K)
    sidx = combp.reshape(NTILES, CHUNKS, K)

    acc = _sc_scatter(x, gidx, sidx)
    return _mlp(acc, x, W1, b1, W2, b2, Wf1, bf1, Wf2, bf2)

# --- scband reference (transcript-rebuilt; emitter-appended) ---
"""Pipeline reference for scband-sinconv-8280696947361 (READ-ONLY COPY).

The authoritative reference and input builder live on the scoring server;
editing this copy changes nothing except your own understanding.
"""

import jax, jax.numpy as jnp
import numpy as np

N = 10000
E = 160000
D = 256
H = 256
O = 256
R = 3  # num_relations; relations='bur' -> allowed_relations = [0, 1, 2]
EPS = 0.0  # train_eps=False -> eps is a constant per relation


def setup_inputs(seed: int = 0) -> dict:
    key = jax.random.key(seed)
    ks = jax.random.split(key, 12)
    x = jax.random.normal(ks[0], (N, D), dtype=jnp.float32)
    edge_index = jax.random.randint(ks[1], (2, E), 0, N, dtype=jnp.int32)
    edge_type = jax.random.randint(ks[2], (E,), 0, R, dtype=jnp.int32)
    cell_dimensions = jax.random.randint(ks[3], (N,), 0, 3, dtype=jnp.int32)
    # Per-relation update nets (make_base_net: Linear->ReLU->Linear->ReLU)
    W1 = jax.random.normal(ks[4], (R, D, H), dtype=jnp.float32) / np.sqrt(D)
    b1 = jnp.zeros((R, H), dtype=jnp.float32)
    W2 = jax.random.normal(ks[5], (R, H, H), dtype=jnp.float32) / np.sqrt(H)
    b2 = jnp.zeros((R, H), dtype=jnp.float32)
    # Final net on concatenation of the R relation outputs
    Wf1 = jax.random.normal(ks[6], (R * H, O), dtype=jnp.float32) / np.sqrt(R * H)
    bf1 = jnp.zeros((O,), dtype=jnp.float32)
    Wf2 = jax.random.normal(ks[7], (O, O), dtype=jnp.float32) / np.sqrt(O)
    bf2 = jnp.zeros((O,), dtype=jnp.float32)
    return {"x": x, "edge_index": edge_index, "edge_type": edge_type,
            "cell_dimensions": cell_dimensions, "W1": W1, "b1": b1,
            "W2": W2, "b2": b2, "Wf1": Wf1, "bf1": bf1, "Wf2": Wf2, "bf2": bf2}


def reference(x, edge_index, edge_type, cell_dimensions, W1, b1, W2, b2, Wf1, bf1, Wf2, bf2):
    src = edge_index[0]
    dst = edge_index[1]
    gathered = jnp.take(x, src, axis=0)  # [E, D]
    tmp = []
    for i in range(R):
        # Messenger with Identity message_fn + sum aggregation, per relation type
        mask = (edge_type == i).astype(x.dtype)[:, None]
        msg = jnp.zeros_like(x).at[dst].add(gathered * mask)
        msg = msg + (1.0 + EPS) * x
        h = jax.nn.relu(msg @ W1[i] + b1[i])
        h = jax.nn.relu(h @ W2[i] + b2[i])
        tmp.append(h)
    out = jnp.concatenate(tmp, axis=-1)  # [N, R*H]
    h = jax.nn.relu(out @ Wf1 + bf1)
    return jax.nn.relu(h @ Wf2 + bf2)

if __name__ == "__main__":
    import jax
    _d = setup_inputs()
    print(jax.jit(kernel)(*tuple(_d.values())))

</pallas_src>

<mosaic_0001>
#map = affine_map<(d0, d1) -> (0, 0)>
#map1 = affine_map<(d0, d1) -> (0, 0, 0, 0)>
#map2 = affine_map<(d0, d1) -> (0, 0, 0)>
module attributes {stable_mosaic.version = 14 : i64} {
  func.func @_sc_scatter_kernel(%arg0: i32, %arg1: i32, %arg2: memref<40000x64xbf16, #tpu.memory_space<hbm>>, %arg3: memref<4x16x80x128xi32, #tpu.memory_space<hbm>>, %arg4: memref<16x80x128xi32, #tpu.memory_space<hbm>>, %arg5: memref<128x64xbf16, #tpu.memory_space<hbm>>, %arg6: memref<30720x256xbf16, #tpu.memory_space<hbm>>, %arg7: memref<80x128xi32, #tpu.memory_space<vmem>>, %arg8: memref<80x128xi32, #tpu.memory_space<vmem>>, %arg9: memref<4x128x64xbf16, #tpu.memory_space<vmem>>, %arg10: memref<128x64xbf16, #tpu.memory_space<vmem>>, %arg11: memref<30720x64xbf16, #tpu.memory_space<vmem_shared>>, %arg12: memref<4x!tpu.dma_semaphore, #tpu.memory_space<semaphore_mem>>, %arg13: memref<4x!tpu.dma_semaphore, #tpu.memory_space<semaphore_mem>>, %arg14: memref<!tpu.dma_semaphore, #tpu.memory_space<semaphore_mem>>) attributes {dimension_semantics = [#tpu.dimension_semantics<core_parallel>, #tpu.dimension_semantics<subcore_parallel>], iteration_bounds = array<i64: 2, 16>, scalar_prefetch = 0 : i64, scratch_operands = 8 : i64, tpu.core_type = #tpu.core_type<sc_vector_subcore>, window_params = [{transform_indices = #map}, {transform_indices = #map1}, {transform_indices = #map2}, {transform_indices = #map}, {transform_indices = #map}]} {
    %mul3A = arith.constant 1920 : i32
    %mul3A_0 = arith.muli %arg1, %mul3A : i32
    "tpu.region"() ({
      %run_scoped3A = tpu.sem_alloc : memref<!tpu.dma_semaphore, #tpu.memory_space<semaphore_mem>>
      %dma_start3A_528 = arith.constant 0 : i32
      %dma_start3A_529 = arith.constant 0 : i32
      %dma_start3A_530 = tpu.memref_slice %arg4[%arg1, %dma_start3A_528, %dma_start3A_529] : memref<16x80x128xi32, #tpu.memory_space<hbm>> -> memref<1x80x128xi32, #tpu.memory_space<hbm>>
      %dma_start3A_531 = tpu.memref_squeeze %dma_start3A_530 : memref<1x80x128xi32, #tpu.memory_space<hbm>> -> memref<80x128xi32, #tpu.memory_space<hbm>>
      %dma_start3A_532 = arith.constant 0 : i32
      %dma_start3A_533 = arith.constant 0 : i32
      %dma_start3A_534 = tpu.memref_slice %arg4[%arg1, %dma_start3A_532, %dma_start3A_533] : memref<16x80x128xi32, #tpu.memory_space<hbm>> -> memref<1x80x128xi32, #tpu.memory_space<hbm>>
      %dma_start3A_535 = tpu.memref_squeeze %dma_start3A_534 : memref<1x80x128xi32, #tpu.memory_space<hbm>> -> memref<80x128xi32, #tpu.memory_space<hbm>>
      tpu.enqueue_dma source(%dma_start3A_535 : memref<80x128xi32, #tpu.memory_space<hbm>>) target(%arg8 : memref<80x128xi32, #tpu.memory_space<vmem>>) target_semaphore(%run_scoped3A : memref<!tpu.dma_semaphore, #tpu.memory_space<semaphore_mem>>)
      %dma_wait3A_536 = arith.constant 0 : i32
      %dma_wait3A_537 = arith.constant 0 : i32
      %dma_wait3A_538 = tpu.memref_slice %arg4[%arg1, %dma_wait3A_536, %dma_wait3A_537] : memref<16x80x128xi32, #tpu.memory_space<hbm>> -> memref<1x80x128xi32, #tpu.memory_space<hbm>>
      %dma_wait3A_539 = tpu.memref_squeeze %dma_wait3A_538 : memref<1x80x128xi32, #tpu.memory_space<hbm>> -> memref<80x128xi32, #tpu.memory_space<hbm>>
      %dma_wait3A_540 = arith.constant 0 : i32
      %dma_wait3A_541 = arith.constant 0 : i32
      %dma_wait3A_542 = tpu.memref_slice %arg4[%arg1, %dma_wait3A_540, %dma_wait3A_541] : memref<16x80x128xi32, #tpu.memory_space<hbm>> -> memref<1x80x128xi32, #tpu.memory_space<hbm>>
      %dma_wait3A_543 = tpu.memref_squeeze %dma_wait3A_542 : memref<1x80x128xi32, #tpu.memory_space<hbm>> -> memref<80x128xi32, #tpu.memory_space<hbm>>
      tpu.wait_dma2 semaphore(%run_scoped3A : memref<!tpu.dma_semaphore, #tpu.memory_space<semaphore_mem>>) src(%dma_wait3A_543 : memref<80x128xi32, #tpu.memory_space<hbm>>) dst(%arg8 : memref<80x128xi32, #tpu.memory_space<vmem>>)
      tpu.yield
    }) : () -> ()
    "tpu.region"() ({
      %run_scoped3A = tpu.sem_alloc : memref<!tpu.dma_semaphore, #tpu.memory_space<semaphore_mem>>
      tpu.enqueue_dma source(%arg5 : memref<128x64xbf16, #tpu.memory_space<hbm>>) target(%arg10 : memref<128x64xbf16, #tpu.memory_space<vmem>>) target_semaphore(%run_scoped3A : memref<!tpu.dma_semaphore, #tpu.memory_space<semaphore_mem>>)
      tpu.wait_dma2 semaphore(%run_scoped3A : memref<!tpu.dma_semaphore, #tpu.memory_space<semaphore_mem>>) src(%arg5 : memref<128x64xbf16, #tpu.memory_space<hbm>>) dst(%arg10 : memref<128x64xbf16, #tpu.memory_space<vmem>>)
      tpu.yield
    }) : () -> ()
    %eq3A = arith.constant 0 : i32
    %eq3A_1 = arith.cmpi eq, %arg0, %eq3A : i32
    %convert_element_type3A = arith.extui %eq3A_1 : i1 to i32
    %cond3A = arith.constant 0 : i32
    %cond3A_2 = arith.cmpi ne, %convert_element_type3A, %cond3A : i32
    scf.if %cond3A_2 {
      %run_scoped3A = arith.constant 0 : i32
      "tpu.region"() ({
        %run_scoped3A_528 = tpu.sem_alloc : memref<!tpu.dma_semaphore, #tpu.memory_space<semaphore_mem>>
        %dma_start3A_529 = arith.constant 0 : i32
        %dma_start3A_530 = arith.constant 0 : i32
        %dma_start3A_531 = tpu.memref_slice %arg3[%run_scoped3A, %arg1, %dma_start3A_529, %dma_start3A_530] : memref<4x16x80x128xi32, #tpu.memory_space<hbm>> -> memref<1x1x80x128xi32, #tpu.memory_space<hbm>>
        %dma_start3A_532 = tpu.memref_squeeze %dma_start3A_531 : memref<1x1x80x128xi32, #tpu.memory_space<hbm>> -> memref<80x128xi32, #tpu.memory_space<hbm>>
        %dma_start3A_533 = arith.constant 0 : i32
        %dma_start3A_534 = arith.constant 0 : i32
        %dma_start3A_535 = tpu.memref_slice %arg3[%run_scoped3A, %arg1, %dma_start3A_533, %dma_start3A_534] : memref<4x16x80x128xi32, #tpu.memory_space<hbm>> -> memref<1x1x80x128xi32, #tpu.memory_space<hbm>>
        %dma_start3A_536 = tpu.memref_squeeze %dma_start3A_535 : memref<1x1x80x128xi32, #tpu.memory_space<hbm>> -> memref<80x128xi32, #tpu.memory_space<hbm>>
        tpu.enqueue_dma source(%dma_start3A_536 : memref<80x128xi32, #tpu.memory_space<hbm>>) target(%arg7 : memref<80x128xi32, #tpu.memory_space<vmem>>) target_semaphore(%run_scoped3A_528 : memref<!tpu.dma_semaphore, #tpu.memory_space<semaphore_mem>>)
        %dma_wait3A_537 = arith.constant 0 : i32
        %dma_wait3A_538 = arith.constant 0 : i32
        %dma_wait3A_539 = tpu.memref_slice %arg3[%run_scoped3A, %arg1, %dma_wait3A_537, %dma_wait3A_538] : memref<4x16x80x128xi32, #tpu.memory_space<hbm>> -> memref<1x1x80x128xi32, #tpu.memory_space<hbm>>
        %dma_wait3A_540 = tpu.memref_squeeze %dma_wait3A_539 : memref<1x1x80x128xi32, #tpu.memory_space<hbm>> -> memref<80x128xi32, #tpu.memory_space<hbm>>
        %dma_wait3A_541 = arith.constant 0 : i32
        %dma_wait3A_542 = arith.constant 0 : i32
        %dma_wait3A_543 = tpu.memref_slice %arg3[%run_scoped3A, %arg1, %dma_wait3A_541, %dma_wait3A_542] : memref<4x16x80x128xi32, #tpu.memory_space<hbm>> -> memref<1x1x80x128xi32, #tpu.memory_space<hbm>>
        %dma_wait3A_544 = tpu.memref_squeeze %dma_wait3A_543 : memref<1x1x80x128xi32, #tpu.memory_space<hbm>> -> memref<80x128xi32, #tpu.memory_space<hbm>>
        tpu.wait_dma2 semaphore(%run_scoped3A_528 : memref<!tpu.dma_semaphore, #tpu.memory_space<semaphore_mem>>) src(%dma_wait3A_544 : memref<80x128xi32, #tpu.memory_space<hbm>>) dst(%arg7 : memref<80x128xi32, #tpu.memory_space<vmem>>)
        tpu.yield
      }) : () -> ()
    } else {
    }
    %eq3A_3 = arith.constant 1 : i32
    %eq3A_4 = arith.cmpi eq, %arg0, %eq3A_3 : i32
    %convert_element_type3A_5 = arith.extui %eq3A_4 : i1 to i32
    %cond3A_6 = arith.constant 0 : i32
    %cond3A_7 = arith.cmpi ne, %convert_element_type3A_5, %cond3A_6 : i32
    scf.if %cond3A_7 {
      %run_scoped3A = arith.constant 1 : i32
      "tpu.region"() ({
        %run_scoped3A_528 = tpu.sem_alloc : memref<!tpu.dma_semaphore, #tpu.memory_space<semaphore_mem>>
        %dma_start3A_529 = arith.constant 0 : i32
        %dma_start3A_530 = arith.constant 0 : i32
        %dma_start3A_531 = tpu.memref_slice %arg3[%run_scoped3A, %arg1, %dma_start3A_529, %dma_start3A_530] : memref<4x16x80x128xi32, #tpu.memory_space<hbm>> -> memref<1x1x80x128xi32, #tpu.memory_space<hbm>>
        %dma_start3A_532 = tpu.memref_squeeze %dma_start3A_531 : memref<1x1x80x128xi32, #tpu.memory_space<hbm>> -> memref<80x128xi32, #tpu.memory_space<hbm>>
        %dma_start3A_533 = arith.constant 0 : i32
        %dma_start3A_534 = arith.constant 0 : i32
        %dma_start3A_535 = tpu.memref_slice %arg3[%run_scoped3A, %arg1, %dma_start3A_533, %dma_start3A_534] : memref<4x16x80x128xi32, #tpu.memory_space<hbm>> -> memref<1x1x80x128xi32, #tpu.memory_space<hbm>>
        %dma_start3A_536 = tpu.memref_squeeze %dma_start3A_535 : memref<1x1x80x128xi32, #tpu.memory_space<hbm>> -> memref<80x128xi32, #tpu.memory_space<hbm>>
        tpu.enqueue_dma source(%dma_start3A_536 : memref<80x128xi32, #tpu.memory_space<hbm>>) target(%arg7 : memref<80x128xi32, #tpu.memory_space<vmem>>) target_semaphore(%run_scoped3A_528 : memref<!tpu.dma_semaphore, #tpu.memory_space<semaphore_mem>>)
        %dma_wait3A_537 = arith.constant 0 : i32
        %dma_wait3A_538 = arith.constant 0 : i32
        %dma_wait3A_539 = tpu.memref_slice %arg3[%run_scoped3A, %arg1, %dma_wait3A_537, %dma_wait3A_538] : memref<4x16x80x128xi32, #tpu.memory_space<hbm>> -> memref<1x1x80x128xi32, #tpu.memory_space<hbm>>
        %dma_wait3A_540 = tpu.memref_squeeze %dma_wait3A_539 : memref<1x1x80x128xi32, #tpu.memory_space<hbm>> -> memref<80x128xi32, #tpu.memory_space<hbm>>
        %dma_wait3A_541 = arith.constant 0 : i32
        %dma_wait3A_542 = arith.constant 0 : i32
        %dma_wait3A_543 = tpu.memref_slice %arg3[%run_scoped3A, %arg1, %dma_wait3A_541, %dma_wait3A_542] : memref<4x16x80x128xi32, #tpu.memory_space<hbm>> -> memref<1x1x80x128xi32, #tpu.memory_space<hbm>>
        %dma_wait3A_544 = tpu.memref_squeeze %dma_wait3A_543 : memref<1x1x80x128xi32, #tpu.memory_space<hbm>> -> memref<80x128xi32, #tpu.memory_space<hbm>>
        tpu.wait_dma2 semaphore(%run_scoped3A_528 : memref<!tpu.dma_semaphore, #tpu.memory_space<semaphore_mem>>) src(%dma_wait3A_544 : memref<80x128xi32, #tpu.memory_space<hbm>>) dst(%arg7 : memref<80x128xi32, #tpu.memory_space<vmem>>)
        tpu.yield
      }) : () -> ()
    } else {
    }
    %dma_start3A = arith.constant 0 : i32
    %dma_start3A_8 = arith.constant 0 : i32
    %dma_start3A_9 = arith.constant 0 : i32
    %dma_start3A_10 = arith.constant 0 : i32
    %dma_start3A_11 = arith.constant 0 : i32
    %dma_start3A_12 = tpu.memref_slice %arg9[%dma_start3A_8, %dma_start3A_10, %dma_start3A_11] : memref<4x128x64xbf16, #tpu.memory_space<vmem>> -> memref<1x128x64xbf16, #tpu.memory_space<vmem>>
    %dma_start3A_13 = tpu.memref_squeeze %dma_start3A_12 : memref<1x128x64xbf16, #tpu.memory_space<vmem>> -> memref<128x64xbf16, #tpu.memory_space<vmem>>
    %dma_start3A_14 = arith.constant 0 : i32
    %dma_start3A_15 = tpu.memref_slice %arg7[%dma_start3A, %dma_start3A_14] : memref<80x128xi32, #tpu.memory_space<vmem>> -> memref<1x128xi32, #tpu.memory_space<vmem>>
    %dma_start3A_16 = tpu.memref_squeeze %dma_start3A_15 : memref<1x128xi32, #tpu.memory_space<vmem>> -> memref<128xi32, #tpu.memory_space<vmem>>
    %dma_start3A_17 = arith.constant 0 : i32
    %dma_start3A_18 = arith.constant 0 : i32
    %dma_start3A_19 = tpu.memref_slice %arg2[%dma_start3A_17, %dma_start3A_18] : memref<40000x64xbf16, #tpu.memory_space<hbm>> -> memref<40000x64xbf16, #tpu.memory_space<hbm>>
    %dma_start3A_20 = tpu.memref_slice %arg12[%dma_start3A_9] : memref<4x!tpu.dma_semaphore, #tpu.memory_space<semaphore_mem>> -> memref<1x!tpu.dma_semaphore, #tpu.memory_space<semaphore_mem>>
    %dma_start3A_21 = tpu.memref_squeeze %dma_start3A_20 : memref<1x!tpu.dma_semaphore, #tpu.memory_space<semaphore_mem>> -> memref<!tpu.dma_semaphore, #tpu.memory_space<semaphore_mem>>
    tpu.enqueue_indirect_dma source(%dma_start3A_19 : memref<40000x64xbf16, #tpu.memory_space<hbm>>) target(%dma_start3A_13 : memref<128x64xbf16, #tpu.memory_space<vmem>>) offsets(%dma_start3A_16 : memref<128xi32, #tpu.memory_space<vmem>>) semaphore(%dma_start3A_21 : memref<!tpu.dma_semaphore, #tpu.memory_space<semaphore_mem>>)
    %dma_start3A_22 = arith.constant 1 : i32
    %dma_start3A_23 = arith.constant 1 : i32
    %dma_start3A_24 = arith.constant 1 : i32
    %dma_start3A_25 = arith.constant 0 : i32
    %dma_start3A_26 = arith.constant 0 : i32
    %dma_start3A_27 = tpu.memref_slice %arg9[%dma_start3A_23, %dma_start3A_25, %dma_start3A_26] : memref<4x128x64xbf16, #tpu.memory_space<vmem>> -> memref<1x128x64xbf16, #tpu.memory_space<vmem>>
    %dma_start3A_28 = tpu.memref_squeeze %dma_start3A_27 : memref<1x128x64xbf16, #tpu.memory_space<vmem>> -> memref<128x64xbf16, #tpu.memory_space<vmem>>
    %dma_start3A_29 = arith.constant 0 : i32
    %dma_start3A_30 = tpu.memref_slice %arg7[%dma_start3A_22, %dma_start3A_29] : memref<80x128xi32, #tpu.memory_space<vmem>> -> memref<1x128xi32, #tpu.memory_space<vmem>>
    %dma_start3A_31 = tpu.memref_squeeze %dma_start3A_30 : memref<1x128xi32, #tpu.memory_space<vmem>> -> memref<128xi32, #tpu.memory_space<vmem>>
    %dma_start3A_32 = arith.constant 0 : i32
    %dma_start3A_33 = arith.constant 0 : i32
    %dma_start3A_34 = tpu.memref_slice %arg2[%dma_start3A_32, %dma_start3A_33] : memref<40000x64xbf16, #tpu.memory_space<hbm>> -> memref<40000x64xbf16, #tpu.memory_space<hbm>>
    %dma_start3A_35 = tpu.memref_slice %arg12[%dma_start3A_24] : memref<4x!tpu.dma_semaphore, #tpu.memory_space<semaphore_mem>> -> memref<1x!tpu.dma_semaphore, #tpu.memory_space<semaphore_mem>>
    %dma_start3A_36 = tpu.memref_squeeze %dma_start3A_35 : memref<1x!tpu.dma_semaphore, #tpu.memory_space<semaphore_mem>> -> memref<!tpu.dma_semaphore, #tpu.memory_space<semaphore_mem>>
    tpu.enqueue_indirect_dma source(%dma_start3A_34 : memref<40000x64xbf16, #tpu.memory_space<hbm>>) target(%dma_start3A_28 : memref<128x64xbf16, #tpu.memory_space<vmem>>) offsets(%dma_start3A_31 : memref<128xi32, #tpu.memory_space<vmem>>) semaphore(%dma_start3A_36 : memref<!tpu.dma_semaphore, #tpu.memory_space<semaphore_mem>>)
    %add3A = arith.constant 0 : i32
    %add3A_37 = arith.addi %mul3A_0, %add3A : i32
    %dma_start3A_38 = arith.constant 0 : i32
    %dma_start3A_39 = tpu.memref_slice %arg11[%add3A_37, %dma_start3A_38] : memref<30720x64xbf16, #tpu.memory_space<vmem_shared>> -> memref<128x64xbf16, #tpu.memory_space<vmem_shared>>
    %dma_start3A_40 = arith.constant 0 : i32
    %dma_start3A_41 = tpu.memref_slice %arg11[%add3A_37, %dma_start3A_40] : memref<30720x64xbf16, #tpu.memory_space<vmem_shared>> -> memref<128x64xbf16, #tpu.memory_space<vmem_shared>>
    tpu.enqueue_dma source(%arg10 : memref<128x64xbf16, #tpu.memory_space<vmem>>) target(%dma_start3A_41 : memref<128x64xbf16, #tpu.memory_space<vmem_shared>>) target_semaphore(%arg14 : memref<!tpu.dma_semaphore, #tpu.memory_space<semaphore_mem>>)
    %add3A_42 = arith.constant 128 : i32
    %add3A_43 = arith.addi %mul3A_0, %add3A_42 : i32
    %dma_start3A_44 = arith.constant 0 : i32
    %dma_start3A_45 = tpu.memref_slice %arg11[%add3A_43, %dma_start3A_44] : memref<30720x64xbf16, #tpu.memory_space<vmem_shared>> -> memref<128x64xbf16, #tpu.memory_space<vmem_shared>>
    %dma_start3A_46 = arith.constant 0 : i32
    %dma_start3A_47 = tpu.memref_slice %arg11[%add3A_43, %dma_start3A_46] : memref<30720x64xbf16, #tpu.memory_space<vmem_shared>> -> memref<128x64xbf16, #tpu.memory_space<vmem_shared>>
    tpu.enqueue_dma source(%arg10 : memref<128x64xbf16, #tpu.memory_space<vmem>>) target(%dma_start3A_47 : memref<128x64xbf16, #tpu.memory_space<vmem_shared>>) target_semaphore(%arg14 : memref<!tpu.dma_semaphore, #tpu.memory_space<semaphore_mem>>)
    %add3A_48 = arith.constant 256 : i32
    %add3A_49 = arith.addi %mul3A_0, %add3A_48 : i32
    %dma_start3A_50 = arith.constant 0 : i32
    %dma_start3A_51 = tpu.memref_slice %arg11[%add3A_49, %dma_start3A_50] : memref<30720x64xbf16, #tpu.memory_space<vmem_shared>> -> memref<128x64xbf16, #tpu.memory_space<vmem_shared>>
    %dma_start3A_52 = arith.constant 0 : i32
    %dma_start3A_53 = tpu.memref_slice %arg11[%add3A_49, %dma_start3A_52] : memref<30720x64xbf16, #tpu.memory_space<vmem_shared>> -> memref<128x64xbf16, #tpu.memory_space<vmem_shared>>
    tpu.enqueue_dma source(%arg10 : memref<128x64xbf16, #tpu.memory_space<vmem>>) target(%dma_start3A_53 : memref<128x64xbf16, #tpu.memory_space<vmem_shared>>) target_semaphore(%arg14 : memref<!tpu.dma_semaphore, #tpu.memory_space<semaphore_mem>>)
    %add3A_54 = arith.constant 384 : i32
    %add3A_55 = arith.addi %mul3A_0, %add3A_54 : i32
    %dma_start3A_56 = arith.constant 0 : i32
    %dma_start3A_57 = tpu.memref_slice %arg11[%add3A_55, %dma_start3A_56] : memref<30720x64xbf16, #tpu.memory_space<vmem_shared>> -> memref<128x64xbf16, #tpu.memory_space<vmem_shared>>
    %dma_start3A_58 = arith.constant 0 : i32
    %dma_start3A_59 = tpu.memref_slice %arg11[%add3A_55, %dma_start3A_58] : memref<30720x64xbf16, #tpu.memory_space<vmem_shared>> -> memref<128x64xbf16, #tpu.memory_space<vmem_shared>>
    tpu.enqueue_dma source(%arg10 : memref<128x64xbf16, #tpu.memory_space<vmem>>) target(%dma_start3A_59 : memref<128x64xbf16, #tpu.memory_space<vmem_shared>>) target_semaphore(%arg14 : memref<!tpu.dma_semaphore, #tpu.memory_space<semaphore_mem>>)
    %add3A_60 = arith.constant 512 : i32
    %add3A_61 = arith.addi %mul3A_0, %add3A_60 : i32
    %dma_start3A_62 = arith.constant 0 : i32
    %dma_start3A_63 = tpu.memref_slice %arg11[%add3A_61, %dma_start3A_62] : memref<30720x64xbf16, #tpu.memory_space<vmem_shared>> -> memref<128x64xbf16, #tpu.memory_space<vmem_shared>>
    %dma_start3A_64 = arith.constant 0 : i32
    %dma_start3A_65 = tpu.memref_slice %arg11[%add3A_61, %dma_start3A_64] : memref<30720x64xbf16, #tpu.memory_space<vmem_shared>> -> memref<128x64xbf16, #tpu.memory_space<vmem_shared>>
    tpu.enqueue_dma source(%arg10 : memref<128x64xbf16, #tpu.memory_space<vmem>>) target(%dma_start3A_65 : memref<128x64xbf16, #tpu.memory_space<vmem_shared>>) target_semaphore(%arg14 : memref<!tpu.dma_semaphore, #tpu.memory_space<semaphore_mem>>)
    %add3A_66 = arith.constant 640 : i32
    %add3A_67 = arith.addi %mul3A_0, %add3A_66 : i32
    %dma_start3A_68 = arith.constant 0 : i32
    %dma_start3A_69 = tpu.memref_slice %arg11[%add3A_67, %dma_start3A_68] : memref<30720x64xbf16, #tpu.memory_space<vmem_shared>> -> memref<128x64xbf16, #tpu.memory_space<vmem_shared>>
    %dma_start3A_70 = arith.constant 0 : i32
    %dma_start3A_71 = tpu.memref_slice %arg11[%add3A_67, %dma_start3A_70] : memref<30720x64xbf16, #tpu.memory_space<vmem_shared>> -> memref<128x64xbf16, #tpu.memory_space<vmem_shared>>
    tpu.enqueue_dma source(%arg10 : memref<128x64xbf16, #tpu.memory_space<vmem>>) target(%dma_start3A_71 : memref<128x64xbf16, #tpu.memory_space<vmem_shared>>) target_semaphore(%arg14 : memref<!tpu.dma_semaphore, #tpu.memory_space<semaphore_mem>>)
    %add3A_72 = arith.constant 768 : i32
    %add3A_73 = arith.addi %mul3A_0, %add3A_72 : i32
    %dma_start3A_74 = arith.constant 0 : i32
    %dma_start3A_75 = tpu.memref_slice %arg11[%add3A_73, %dma_start3A_74] : memref<30720x64xbf16, #tpu.memory_space<vmem_shared>> -> memref<128x64xbf16, #tpu.memory_space<vmem_shared>>
    %dma_start3A_76 = arith.constant 0 : i32
    %dma_start3A_77 = tpu.memref_slice %arg11[%add3A_73, %dma_start3A_76] : memref<30720x64xbf16, #tpu.memory_space<vmem_shared>> -> memref<128x64xbf16, #tpu.memory_space<vmem_shared>>
    tpu.enqueue_dma source(%arg10 : memref<128x64xbf16, #tpu.memory_space<vmem>>) target(%dma_start3A_77 : memref<128x64xbf16, #tpu.memory_space<vmem_shared>>) target_semaphore(%arg14 : memref<!tpu.dma_semaphore, #tpu.memory_space<semaphore_mem>>)
    %add3A_78 = arith.constant 896 : i32
    %add3A_79 = arith.addi %mul3A_0, %add3A_78 : i32
    %dma_start3A_80 = arith.constant 0 : i32
    %dma_start3A_81 = tpu.memref_slice %arg11[%add3A_79, %dma_start3A_80] : memref<30720x64xbf16, #tpu.memory_space<vmem_shared>> -> memref<128x64xbf16, #tpu.memory_space<vmem_shared>>
    %dma_start3A_82 = arith.constant 0 : i32
    %dma_start3A_83 = tpu.memref_slice %arg11[%add3A_79, %dma_start3A_82] : memref<30720x64xbf16, #tpu.memory_space<vmem_shared>> -> memref<128x64xbf16, #tpu.memory_space<vmem_shared>>
    tpu.enqueue_dma source(%arg10 : memref<128x64xbf16, #tpu.memory_space<vmem>>) target(%dma_start3A_83 : memref<128x64xbf16, #tpu.memory_space<vmem_shared>>) target_semaphore(%arg14 : memref<!tpu.dma_semaphore, #tpu.memory_space<semaphore_mem>>)
    %add3A_84 = arith.constant 1024 : i32
    %add3A_85 = arith.addi %mul3A_0, %add3A_84 : i32
    %dma_start3A_86 = arith.constant 0 : i32
    %dma_start3A_87 = tpu.memref_slice %arg11[%add3A_85, %dma_start3A_86] : memref<30720x64xbf16, #tpu.memory_space<vmem_shared>> -> memref<128x64xbf16, #tpu.memory_space<vmem_shared>>
    %dma_start3A_88 = arith.constant 0 : i32
    %dma_start3A_89 = tpu.memref_slice %arg11[%add3A_85, %dma_start3A_88] : memref<30720x64xbf16, #tpu.memory_space<vmem_shared>> -> memref<128x64xbf16, #tpu.memory_space<vmem_shared>>
    tpu.enqueue_dma source(%arg10 : memref<128x64xbf16, #tpu.memory_space<vmem>>) target(%dma_start3A_89 : memref<128x64xbf16, #tpu.memory_space<vmem_shared>>) target_semaphore(%arg14 : memref<!tpu.dma_semaphore, #tpu.memory_space<semaphore_mem>>)
    %add3A_90 = arith.constant 1152 : i32
    %add3A_91 = arith.addi %mul3A_0, %add3A_90 : i32
    %dma_start3A_92 = arith.constant 0 : i32
    %dma_start3A_93 = tpu.memref_slice %arg11[%add3A_91, %dma_start3A_92] : memref<30720x64xbf16, #tpu.memory_space<vmem_shared>> -> memref<128x64xbf16, #tpu.memory_space<vmem_shared>>
    %dma_start3A_94 = arith.constant 0 : i32
    %dma_start3A_95 = tpu.memref_slice %arg11[%add3A_91, %dma_start3A_94] : memref<30720x64xbf16, #tpu.memory_space<vmem_shared>> -> memref<128x64xbf16, #tpu.memory_space<vmem_shared>>
    tpu.enqueue_dma source(%arg10 : memref<128x64xbf16, #tpu.memory_space<vmem>>) target(%dma_start3A_95 : memref<128x64xbf16, #tpu.memory_space<vmem_shared>>) target_semaphore(%arg14 : memref<!tpu.dma_semaphore, #tpu.memory_space<semaphore_mem>>)
    %add3A_96 = arith.constant 1280 : i32
    %add3A_97 = arith.addi %mul3A_0, %add3A_96 : i32
    %dma_start3A_98 = arith.constant 0 : i32
    %dma_start3A_99 = tpu.memref_slice %arg11[%add3A_97, %dma_start3A_98] : memref<30720x64xbf16, #tpu.memory_space<vmem_shared>> -> memref<128x64xbf16, #tpu.memory_space<vmem_shared>>
    %dma_start3A_100 = arith.constant 0 : i32
    %dma_start3A_101 = tpu.memref_slice %arg11[%add3A_97, %dma_start3A_100] : memref<30720x64xbf16, #tpu.memory_space<vmem_shared>> -> memref<128x64xbf16, #tpu.memory_space<vmem_shared>>
    tpu.enqueue_dma source(%arg10 : memref<128x64xbf16, #tpu.memory_space<vmem>>) target(%dma_start3A_101 : memref<128x64xbf16, #tpu.memory_space<vmem_shared>>) target_semaphore(%arg14 : memref<!tpu.dma_semaphore, #tpu.memory_space<semaphore_mem>>)
    %add3A_102 = arith.constant 1408 : i32
    %add3A_103 = arith.addi %mul3A_0, %add3A_102 : i32
    %dma_start3A_104 = arith.constant 0 : i32
    %dma_start3A_105 = tpu.memref_slice %arg11[%add3A_103, %dma_start3A_104] : memref<30720x64xbf16, #tpu.memory_space<vmem_shared>> -> memref<128x64xbf16, #tpu.memory_space<vmem_shared>>
    %dma_start3A_106 = arith.constant 0 : i32
    %dma_start3A_107 = tpu.memref_slice %arg11[%add3A_103, %dma_start3A_106] : memref<30720x64xbf16, #tpu.memory_space<vmem_shared>> -> memref<128x64xbf16, #tpu.memory_space<vmem_shared>>
    tpu.enqueue_dma source(%arg10 : memref<128x64xbf16, #tpu.memory_space<vmem>>) target(%dma_start3A_107 : memref<128x64xbf16, #tpu.memory_space<vmem_shared>>) target_semaphore(%arg14 : memref<!tpu.dma_semaphore, #tpu.memory_space<semaphore_mem>>)
    %add3A_108 = arith.constant 1536 : i32
    %add3A_109 = arith.addi %mul3A_0, %add3A_108 : i32
    %dma_start3A_110 = arith.constant 0 : i32
    %dma_start3A_111 = tpu.memref_slice %arg11[%add3A_109, %dma_start3A_110] : memref<30720x64xbf16, #tpu.memory_space<vmem_shared>> -> memref<128x64xbf16, #tpu.memory_space<vmem_shared>>
    %dma_start3A_112 = arith.constant 0 : i32
    %dma_start3A_113 = tpu.memref_slice %arg11[%add3A_109, %dma_start3A_112] : memref<30720x64xbf16, #tpu.memory_space<vmem_shared>> -> memref<128x64xbf16, #tpu.memory_space<vmem_shared>>
    tpu.enqueue_dma source(%arg10 : memref<128x64xbf16, #tpu.memory_space<vmem>>) target(%dma_start3A_113 : memref<128x64xbf16, #tpu.memory_space<vmem_shared>>) target_semaphore(%arg14 : memref<!tpu.dma_semaphore, #tpu.memory_space<semaphore_mem>>)
    %add3A_114 = arith.constant 1664 : i32
    %add3A_115 = arith.addi %mul3A_0, %add3A_114 : i32
    %dma_start3A_116 = arith.constant 0 : i32
    %dma_start3A_117 = tpu.memref_slice %arg11[%add3A_115, %dma_start3A_116] : memref<30720x64xbf16, #tpu.memory_space<vmem_shared>> -> memref<128x64xbf16, #tpu.memory_space<vmem_shared>>
    %dma_start3A_118 = arith.constant 0 : i32
    %dma_start3A_119 = tpu.memref_slice %arg11[%add3A_115, %dma_start3A_118] : memref<30720x64xbf16, #tpu.memory_space<vmem_shared>> -> memref<128x64xbf16, #tpu.memory_space<vmem_shared>>
    tpu.enqueue_dma source(%arg10 : memref<128x64xbf16, #tpu.memory_space<vmem>>) target(%dma_start3A_119 : memref<128x64xbf16, #tpu.memory_space<vmem_shared>>) target_semaphore(%arg14 : memref<!tpu.dma_semaphore, #tpu.memory_space<semaphore_mem>>)
    %add3A_120 = arith.constant 1792 : i32
    %add3A_121 = arith.addi %mul3A_0, %add3A_120 : i32
    %dma_start3A_122 = arith.constant 0 : i32
    %dma_start3A_123 = tpu.memref_slice %arg11[%add3A_121, %dma_start3A_122] : memref<30720x64xbf16, #tpu.memory_space<vmem_shared>> -> memref<128x64xbf16, #tpu.memory_space<vmem_shared>>
    %dma_start3A_124 = arith.constant 0 : i32
    %dma_start3A_125 = tpu.memref_slice %arg11[%add3A_121, %dma_start3A_124] : memref<30720x64xbf16, #tpu.memory_space<vmem_shared>> -> memref<128x64xbf16, #tpu.memory_space<vmem_shared>>
    tpu.enqueue_dma source(%arg10 : memref<128x64xbf16, #tpu.memory_space<vmem>>) target(%dma_start3A_125 : memref<128x64xbf16, #tpu.memory_space<vmem_shared>>) target_semaphore(%arg14 : memref<!tpu.dma_semaphore, #tpu.memory_space<semaphore_mem>>)
    %dma_wait3A = arith.constant 128 : i32
    %dma_wait3A_126 = arith.constant 0 : i32
    %dma_wait3A_127 = tpu.memref_slice %arg11[%dma_wait3A, %dma_wait3A_126] : memref<30720x64xbf16, #tpu.memory_space<vmem_shared>> -> memref<128x64xbf16, #tpu.memory_space<vmem_shared>>
    %dma_wait3A_128 = arith.constant 128 : i32
    %dma_wait3A_129 = arith.constant 0 : i32
    %dma_wait3A_130 = tpu.memref_slice %arg11[%dma_wait3A_128, %dma_wait3A_129] : memref<30720x64xbf16, #tpu.memory_space<vmem_shared>> -> memref<128x64xbf16, #tpu.memory_space<vmem_shared>>
    tpu.wait_dma2 semaphore(%arg14 : memref<!tpu.dma_semaphore, #tpu.memory_space<semaphore_mem>>) src(%arg10 : memref<128x64xbf16, #tpu.memory_space<vmem>>) dst(%dma_wait3A_130 : memref<128x64xbf16, #tpu.memory_space<vmem_shared>>)
    %dma_wait3A_131 = arith.constant 128 : i32
    %dma_wait3A_132 = arith.constant 0 : i32
    %dma_wait3A_133 = tpu.memref_slice %arg11[%dma_wait3A_131, %dma_wait3A_132] : memref<30720x64xbf16, #tpu.memory_space<vmem_shared>> -> memref<128x64xbf16, #tpu.memory_space<vmem_shared>>
    %dma_wait3A_134 = arith.constant 128 : i32
    %dma_wait3A_135 = arith.constant 0 : i32
    %dma_wait3A_136 = tpu.memref_slice %arg11[%dma_wait3A_134, %dma_wait3A_135] : memref<30720x64xbf16, #tpu.memory_space<vmem_shared>> -> memref<128x64xbf16, #tpu.memory_space<vmem_shared>>
    tpu.wait_dma2 semaphore(%arg14 : memref<!tpu.dma_semaphore, #tpu.memory_space<semaphore_mem>>) src(%arg10 : memref<128x64xbf16, #tpu.memory_space<vmem>>) dst(%dma_wait3A_136 : memref<128x64xbf16, #tpu.memory_space<vmem_shared>>)
    %dma_wait3A_137 = arith.constant 128 : i32
    %dma_wait3A_138 = arith.constant 0 : i32
    %dma_wait3A_139 = tpu.memref_slice %arg11[%dma_wait3A_137, %dma_wait3A_138] : memref<30720x64xbf16, #tpu.memory_space<vmem_shared>> -> memref<128x64xbf16, #tpu.memory_space<vmem_shared>>
    %dma_wait3A_140 = arith.constant 128 : i32
    %dma_wait3A_141 = arith.constant 0 : i32
    %dma_wait3A_142 = tpu.memref_slice %arg11[%dma_wait3A_140, %dma_wait3A_141] : memref<30720x64xbf16, #tpu.memory_space<vmem_shared>> -> memref<128x64xbf16, #tpu.memory_space<vmem_shared>>
    tpu.wait_dma2 semaphore(%arg14 : memref<!tpu.dma_semaphore, #tpu.memory_space<semaphore_mem>>) src(%arg10 : memref<128x64xbf16, #tpu.memory_space<vmem>>) dst(%dma_wait3A_142 : memref<128x64xbf16, #tpu.memory_space<vmem_shared>>)
    %dma_wait3A_143 = arith.constant 128 : i32
    %dma_wait3A_144 = arith.constant 0 : i32
    %dma_wait3A_145 = tpu.memref_slice %arg11[%dma_wait3A_143, %dma_wait3A_144] : memref<30720x64xbf16, #tpu.memory_space<vmem_shared>> -> memref<128x64xbf16, #tpu.memory_space<vmem_shared>>
    %dma_wait3A_146 = arith.constant 128 : i32
    %dma_wait3A_147 = arith.constant 0 : i32
    %dma_wait3A_148 = tpu.memref_slice %arg11[%dma_wait3A_146, %dma_wait3A_147] : memref<30720x64xbf16, #tpu.memory_space<vmem_shared>> -> memref<128x64xbf16, #tpu.memory_space<vmem_shared>>
    tpu.wait_dma2 semaphore(%arg14 : memref<!tpu.dma_semaphore, #tpu.memory_space<semaphore_mem>>) src(%arg10 : memref<128x64xbf16, #tpu.memory_space<vmem>>) dst(%dma_wait3A_148 : memref<128x64xbf16, #tpu.memory_space<vmem_shared>>)
    %dma_wait3A_149 = arith.constant 128 : i32
    %dma_wait3A_150 = arith.constant 0 : i32
    %dma_wait3A_151 = tpu.memref_slice %arg11[%dma_wait3A_149, %dma_wait3A_150] : memref<30720x64xbf16, #tpu.memory_space<vmem_shared>> -> memref<128x64xbf16, #tpu.memory_space<vmem_shared>>
    %dma_wait3A_152 = arith.constant 128 : i32
    %dma_wait3A_153 = arith.constant 0 : i32
    %dma_wait3A_154 = tpu.memref_slice %arg11[%dma_wait3A_152, %dma_wait3A_153] : memref<30720x64xbf16, #tpu.memory_space<vmem_shared>> -> memref<128x64xbf16, #tpu.memory_space<vmem_shared>>
    tpu.wait_dma2 semaphore(%arg14 : memref<!tpu.dma_semaphore, #tpu.memory_space<semaphore_mem>>) src(%arg10 : memref<128x64xbf16, #tpu.memory_space<vmem>>) dst(%dma_wait3A_154 : memref<128x64xbf16, #tpu.memory_space<vmem_shared>>)
    %dma_wait3A_155 = arith.constant 128 : i32
    %dma_wait3A_156 = arith.constant 0 : i32
    %dma_wait3A_157 = tpu.memref_slice %arg11[%dma_wait3A_155, %dma_wait3A_156] : memref<30720x64xbf16, #tpu.memory_space<vmem_shared>> -> memref<128x64xbf16, #tpu.memory_space<vmem_shared>>
    %dma_wait3A_158 = arith.constant 128 : i32
    %dma_wait3A_159 = arith.constant 0 : i32
    %dma_wait3A_160 = tpu.memref_slice %arg11[%dma_wait3A_158, %dma_wait3A_159] : memref<30720x64xbf16, #tpu.memory_space<vmem_shared>> -> memref<128x64xbf16, #tpu.memory_space<vmem_shared>>
    tpu.wait_dma2 semaphore(%arg14 : memref<!tpu.dma_semaphore, #tpu.memory_space<semaphore_mem>>) src(%arg10 : memref<128x64xbf16, #tpu.memory_space<vmem>>) dst(%dma_wait3A_160 : memref<128x64xbf16, #tpu.memory_space<vmem_shared>>)
    %dma_wait3A_161 = arith.constant 128 : i32
    %dma_wait3A_162 = arith.constant 0 : i32
    %dma_wait3A_163 = tpu.memref_slice %arg11[%dma_wait3A_161, %dma_wait3A_162] : memref<30720x64xbf16, #tpu.memory_space<vmem_shared>> -> memref<128x64xbf16, #tpu.memory_space<vmem_shared>>
    %dma_wait3A_164 = arith.constant 128 : i32
    %dma_wait3A_165 = arith.constant 0 : i32
    %dma_wait3A_166 = tpu.memref_slice %arg11[%dma_wait3A_164, %dma_wait3A_165] : memref<30720x64xbf16, #tpu.memory_space<vmem_shared>> -> memref<128x64xbf16, #tpu.memory_space<vmem_shared>>
    tpu.wait_dma2 semaphore(%arg14 : memref<!tpu.dma_semaphore, #tpu.memory_space<semaphore_mem>>) src(%arg10 : memref<128x64xbf16, #tpu.memory_space<vmem>>) dst(%dma_wait3A_166 : memref<128x64xbf16, #tpu.memory_space<vmem_shared>>)
    %dma_wait3A_167 = arith.constant 128 : i32
    %dma_wait3A_168 = arith.constant 0 : i32
    %dma_wait3A_169 = tpu.memref_slice %arg11[%dma_wait3A_167, %dma_wait3A_168] : memref<30720x64xbf16, #tpu.memory_space<vmem_shared>> -> memref<128x64xbf16, #tpu.memory_space<vmem_shared>>
    %dma_wait3A_170 = arith.constant 128 : i32
    %dma_wait3A_171 = arith.constant 0 : i32
    %dma_wait3A_172 = tpu.memref_slice %arg11[%dma_wait3A_170, %dma_wait3A_171] : memref<30720x64xbf16, #tpu.memory_space<vmem_shared>> -> memref<128x64xbf16, #tpu.memory_space<vmem_shared>>
    tpu.wait_dma2 semaphore(%arg14 : memref<!tpu.dma_semaphore, #tpu.memory_space<semaphore_mem>>) src(%arg10 : memref<128x64xbf16, #tpu.memory_space<vmem>>) dst(%dma_wait3A_172 : memref<128x64xbf16, #tpu.memory_space<vmem_shared>>)
    %dma_wait3A_173 = arith.constant 128 : i32
    %dma_wait3A_174 = arith.constant 0 : i32
    %dma_wait3A_175 = tpu.memref_slice %arg11[%dma_wait3A_173, %dma_wait3A_174] : memref<30720x64xbf16, #tpu.memory_space<vmem_shared>> -> memref<128x64xbf16, #tpu.memory_space<vmem_shared>>
    %dma_wait3A_176 = arith.constant 128 : i32
    %dma_wait3A_177 = arith.constant 0 : i32
    %dma_wait3A_178 = tpu.memref_slice %arg11[%dma_wait3A_176, %dma_wait3A_177] : memref<30720x64xbf16, #tpu.memory_space<vmem_shared>> -> memref<128x64xbf16, #tpu.memory_space<vmem_shared>>
    tpu.wait_dma2 semaphore(%arg14 : memref<!tpu.dma_semaphore, #tpu.memory_space<semaphore_mem>>) src(%arg10 : memref<128x64xbf16, #tpu.memory_space<vmem>>) dst(%dma_wait3A_178 : memref<128x64xbf16, #tpu.memory_space<vmem_shared>>)
    %dma_wait3A_179 = arith.constant 128 : i32
    %dma_wait3A_180 = arith.constant 0 : i32
    %dma_wait3A_181 = tpu.memref_slice %arg11[%dma_wait3A_179, %dma_wait3A_180] : memref<30720x64xbf16, #tpu.memory_space<vmem_shared>> -> memref<128x64xbf16, #tpu.memory_space<vmem_shared>>
    %dma_wait3A_182 = arith.constant 128 : i32
    %dma_wait3A_183 = arith.constant 0 : i32
    %dma_wait3A_184 = tpu.memref_slice %arg11[%dma_wait3A_182, %dma_wait3A_183] : memref<30720x64xbf16, #tpu.memory_space<vmem_shared>> -> memref<128x64xbf16, #tpu.memory_space<vmem_shared>>
    tpu.wait_dma2 semaphore(%arg14 : memref<!tpu.dma_semaphore, #tpu.memory_space<semaphore_mem>>) src(%arg10 : memref<128x64xbf16, #tpu.memory_space<vmem>>) dst(%dma_wait3A_184 : memref<128x64xbf16, #tpu.memory_space<vmem_shared>>)
    %dma_wait3A_185 = arith.constant 128 : i32
    %dma_wait3A_186 = arith.constant 0 : i32
    %dma_wait3A_187 = tpu.memref_slice %arg11[%dma_wait3A_185, %dma_wait3A_186] : memref<30720x64xbf16, #tpu.memory_space<vmem_shared>> -> memref<128x64xbf16, #tpu.memory_space<vmem_shared>>
    %dma_wait3A_188 = arith.constant 128 : i32
    %dma_wait3A_189 = arith.constant 0 : i32
    %dma_wait3A_190 = tpu.memref_slice %arg11[%dma_wait3A_188, %dma_wait3A_189] : memref<30720x64xbf16, #tpu.memory_space<vmem_shared>> -> memref<128x64xbf16, #tpu.memory_space<vmem_shared>>
    tpu.wait_dma2 semaphore(%arg14 : memref<!tpu.dma_semaphore, #tpu.memory_space<semaphore_mem>>) src(%arg10 : memref<128x64xbf16, #tpu.memory_space<vmem>>) dst(%dma_wait3A_190 : memref<128x64xbf16, #tpu.memory_space<vmem_shared>>)
    %dma_wait3A_191 = arith.constant 128 : i32
    %dma_wait3A_192 = arith.constant 0 : i32
    %dma_wait3A_193 = tpu.memref_slice %arg11[%dma_wait3A_191, %dma_wait3A_192] : memref<30720x64xbf16, #tpu.memory_space<vmem_shared>> -> memref<128x64xbf16, #tpu.memory_space<vmem_shared>>
    %dma_wait3A_194 = arith.constant 128 : i32
    %dma_wait3A_195 = arith.constant 0 : i32
    %dma_wait3A_196 = tpu.memref_slice %arg11[%dma_wait3A_194, %dma_wait3A_195] : memref<30720x64xbf16, #tpu.memory_space<vmem_shared>> -> memref<128x64xbf16, #tpu.memory_space<vmem_shared>>
    tpu.wait_dma2 semaphore(%arg14 : memref<!tpu.dma_semaphore, #tpu.memory_space<semaphore_mem>>) src(%arg10 : memref<128x64xbf16, #tpu.memory_space<vmem>>) dst(%dma_wait3A_196 : memref<128x64xbf16, #tpu.memory_space<vmem_shared>>)
    %dma_wait3A_197 = arith.constant 128 : i32
    %dma_wait3A_198 = arith.constant 0 : i32
    %dma_wait3A_199 = tpu.memref_slice %arg11[%dma_wait3A_197, %dma_wait3A_198] : memref<30720x64xbf16, #tpu.memory_space<vmem_shared>> -> memref<128x64xbf16, #tpu.memory_space<vmem_shared>>
    %dma_wait3A_200 = arith.constant 128 : i32
    %dma_wait3A_201 = arith.constant 0 : i32
    %dma_wait3A_202 = tpu.memref_slice %arg11[%dma_wait3A_200, %dma_wait3A_201] : memref<30720x64xbf16, #tpu.memory_space<vmem_shared>> -> memref<128x64xbf16, #tpu.memory_space<vmem_shared>>
    tpu.wait_dma2 semaphore(%arg14 : memref<!tpu.dma_semaphore, #tpu.memory_space<semaphore_mem>>) src(%arg10 : memref<128x64xbf16, #tpu.memory_space<vmem>>) dst(%dma_wait3A_202 : memref<128x64xbf16, #tpu.memory_space<vmem_shared>>)
    %dma_wait3A_203 = arith.constant 128 : i32
    %dma_wait3A_204 = arith.constant 0 : i32
    %dma_wait3A_205 = tpu.memref_slice %arg11[%dma_wait3A_203, %dma_wait3A_204] : memref<30720x64xbf16, #tpu.memory_space<vmem_shared>> -> memref<128x64xbf16, #tpu.memory_space<vmem_shared>>
    %dma_wait3A_206 = arith.constant 128 : i32
    %dma_wait3A_207 = arith.constant 0 : i32
    %dma_wait3A_208 = tpu.memref_slice %arg11[%dma_wait3A_206, %dma_wait3A_207] : memref<30720x64xbf16, #tpu.memory_space<vmem_shared>> -> memref<128x64xbf16, #tpu.memory_space<vmem_shared>>
    tpu.wait_dma2 semaphore(%arg14 : memref<!tpu.dma_semaphore, #tpu.memory_space<semaphore_mem>>) src(%arg10 : memref<128x64xbf16, #tpu.memory_space<vmem>>) dst(%dma_wait3A_208 : memref<128x64xbf16, #tpu.memory_space<vmem_shared>>)
    %dma_wait3A_209 = arith.constant 128 : i32
    %dma_wait3A_210 = arith.constant 0 : i32
    %dma_wait3A_211 = tpu.memref_slice %arg11[%dma_wait3A_209, %dma_wait3A_210] : memref<30720x64xbf16, #tpu.memory_space<vmem_shared>> -> memref<128x64xbf16, #tpu.memory_space<vmem_shared>>
    %dma_wait3A_212 = arith.constant 128 : i32
    %dma_wait3A_213 = arith.constant 0 : i32
    %dma_wait3A_214 = tpu.memref_slice %arg11[%dma_wait3A_212, %dma_wait3A_213] : memref<30720x64xbf16, #tpu.memory_space<vmem_shared>> -> memref<128x64xbf16, #tpu.memory_space<vmem_shared>>
    tpu.wait_dma2 semaphore(%arg14 : memref<!tpu.dma_semaphore, #tpu.memory_space<semaphore_mem>>) src(%arg10 : memref<128x64xbf16, #tpu.memory_space<vmem>>) dst(%dma_wait3A_214 : memref<128x64xbf16, #tpu.memory_space<vmem_shared>>)
    %barrier3A = arith.constant 0 : index
    tpu.barrier barrier_id(%barrier3A)
    %scan3A = arith.constant 0 : i32
    %scan3A_215 = arith.constant 20 : i32
    %scan3A_216 = arith.addi %scan3A, %scan3A_215 : i32
    %scan3A_217 = arith.constant 1 : i32
    scf.for %scan3A_528 = %scan3A to %scan3A_216 step %scan3A_217  : i32 {
      %mul3A_529 = arith.constant 1 : i32
      %mul3A_530 = arith.muli %scan3A_528, %mul3A_529 : i32
      %add3A_531 = arith.constant 0 : i32
      %add3A_532 = arith.addi %add3A_531, %mul3A_530 : i32
      %mul3A_533 = arith.constant 4 : i32
      %mul3A_534 = arith.muli %mul3A_533, %add3A_532 : i32
      %add3A_535 = arith.constant 0 : i32
      %add3A_536 = arith.addi %mul3A_534, %add3A_535 : i32
      %dma_wait3A_537 = arith.constant 0 : i32
      %dma_wait3A_538 = arith.constant 0 : i32
      %dma_wait3A_539 = arith.constant 0 : i32
      %dma_wait3A_540 = arith.constant 0 : i32
      %dma_wait3A_541 = tpu.memref_slice %arg9[%dma_wait3A_537, %dma_wait3A_539, %dma_wait3A_540] : memref<4x128x64xbf16, #tpu.memory_space<vmem>> -> memref<1x128x64xbf16, #tpu.memory_space<vmem>>
      %dma_wait3A_542 = tpu.memref_squeeze %dma_wait3A_541 : memref<1x128x64xbf16, #tpu.memory_space<vmem>> -> memref<128x64xbf16, #tpu.memory_space<vmem>>
      %dma_wait3A_543 = arith.constant 0 : i32
      %dma_wait3A_544 = tpu.memref_slice %arg7[%add3A_536, %dma_wait3A_543] : memref<80x128xi32, #tpu.memory_space<vmem>> -> memref<1x128xi32, #tpu.memory_space<vmem>>
      %dma_wait3A_545 = tpu.memref_squeeze %dma_wait3A_544 : memref<1x128xi32, #tpu.memory_space<vmem>> -> memref<128xi32, #tpu.memory_space<vmem>>
      %dma_wait3A_546 = arith.constant 0 : i32
      %dma_wait3A_547 = arith.constant 0 : i32
      %dma_wait3A_548 = tpu.memref_slice %arg2[%dma_wait3A_546, %dma_wait3A_547] : memref<40000x64xbf16, #tpu.memory_space<hbm>> -> memref<40000x64xbf16, #tpu.memory_space<hbm>>
      %dma_wait3A_549 = tpu.memref_slice %arg12[%dma_wait3A_538] : memref<4x!tpu.dma_semaphore, #tpu.memory_space<semaphore_mem>> -> memref<1x!tpu.dma_semaphore, #tpu.memory_space<semaphore_mem>>
      %dma_wait3A_550 = tpu.memref_squeeze %dma_wait3A_549 : memref<1x!tpu.dma_semaphore, #tpu.memory_space<semaphore_mem>> -> memref<!tpu.dma_semaphore, #tpu.memory_space<semaphore_mem>>
      tpu.wait_indirect_dma semaphore(%dma_wait3A_550 : memref<!tpu.dma_semaphore, #tpu.memory_space<semaphore_mem>>) src(%dma_wait3A_548 : memref<40000x64xbf16, #tpu.memory_space<hbm>>) dst(%dma_wait3A_542 : memref<128x64xbf16, #tpu.memory_space<vmem>>)
      %dma_start3A_551 = arith.constant 0 : i32
      %dma_start3A_552 = arith.constant 0 : i32
      %dma_start3A_553 = arith.constant 0 : i32
      %dma_start3A_554 = arith.constant 0 : i32
      %dma_start3A_555 = tpu.memref_slice %arg9[%dma_start3A_551, %dma_start3A_553, %dma_start3A_554] : memref<4x128x64xbf16, #tpu.memory_space<vmem>> -> memref<1x128x64xbf16, #tpu.memory_space<vmem>>
      %dma_start3A_556 = tpu.memref_squeeze %dma_start3A_555 : memref<1x128x64xbf16, #tpu.memory_space<vmem>> -> memref<128x64xbf16, #tpu.memory_space<vmem>>
      %dma_start3A_557 = arith.constant 0 : i32
      %dma_start3A_558 = tpu.memref_slice %arg8[%add3A_536, %dma_start3A_557] : memref<80x128xi32, #tpu.memory_space<vmem>> -> memref<1x128xi32, #tpu.memory_space<vmem>>
      %dma_start3A_559 = tpu.memref_squeeze %dma_start3A_558 : memref<1x128xi32, #tpu.memory_space<vmem>> -> memref<128xi32, #tpu.memory_space<vmem>>
      %dma_start3A_560 = arith.constant 0 : i32
      %dma_start3A_561 = arith.constant 0 : i32
      %dma_start3A_562 = tpu.memref_slice %arg11[%dma_start3A_560, %dma_start3A_561] : memref<30720x64xbf16, #tpu.memory_space<vmem_shared>> -> memref<30720x64xbf16, #tpu.memory_space<vmem_shared>>
      %dma_start3A_563 = tpu.memref_slice %arg13[%dma_start3A_552] : memref<4x!tpu.dma_semaphore, #tpu.memory_space<semaphore_mem>> -> memref<1x!tpu.dma_semaphore, #tpu.memory_space<semaphore_mem>>
      %dma_start3A_564 = tpu.memref_squeeze %dma_start3A_563 : memref<1x!tpu.dma_semaphore, #tpu.memory_space<semaphore_mem>> -> memref<!tpu.dma_semaphore, #tpu.memory_space<semaphore_mem>>
      tpu.enqueue_indirect_dma source(%dma_start3A_556 : memref<128x64xbf16, #tpu.memory_space<vmem>>) target(%dma_start3A_562 : memref<30720x64xbf16, #tpu.memory_space<vmem_shared>>) offsets(%dma_start3A_559 : memref<128xi32, #tpu.memory_space<vmem>>) semaphore(%dma_start3A_564 : memref<!tpu.dma_semaphore, #tpu.memory_space<semaphore_mem>>) {add = true}
      %ge3A = arith.constant 2 : i32
      %ge3A_565 = arith.cmpi sge, %add3A_536, %ge3A : i32
      %convert_element_type3A_566 = arith.extui %ge3A_565 : i1 to i32
      %cond3A_567 = arith.constant 0 : i32
      %cond3A_568 = arith.cmpi ne, %convert_element_type3A_566, %cond3A_567 : i32
      scf.if %cond3A_568 {
        %sub3A = arith.constant 2 : i32
        %sub3A_707 = arith.subi %add3A_536, %sub3A : i32
        %dma_wait3A_708 = arith.constant 2 : i32
        %dma_wait3A_709 = arith.constant 2 : i32
        %dma_wait3A_710 = arith.constant 0 : i32
        %dma_wait3A_711 = arith.constant 0 : i32
        %dma_wait3A_712 = tpu.memref_slice %arg9[%dma_wait3A_708, %dma_wait3A_710, %dma_wait3A_711] : memref<4x128x64xbf16, #tpu.memory_space<vmem>> -> memref<1x128x64xbf16, #tpu.memory_space<vmem>>
        %dma_wait3A_713 = tpu.memref_squeeze %dma_wait3A_712 : memref<1x128x64xbf16, #tpu.memory_space<vmem>> -> memref<128x64xbf16, #tpu.memory_space<vmem>>
        %dma_wait3A_714 = arith.constant 0 : i32
        %dma_wait3A_715 = tpu.memref_slice %arg8[%sub3A_707, %dma_wait3A_714] : memref<80x128xi32, #tpu.memory_space<vmem>> -> memref<1x128xi32, #tpu.memory_space<vmem>>
        %dma_wait3A_716 = tpu.memref_squeeze %dma_wait3A_715 : memref<1x128xi32, #tpu.memory_space<vmem>> -> memref<128xi32, #tpu.memory_space<vmem>>
        %dma_wait3A_717 = arith.constant 0 : i32
        %dma_wait3A_718 = arith.constant 0 : i32
        %dma_wait3A_719 = tpu.memref_slice %arg11[%dma_wait3A_717, %dma_wait3A_718] : memref<30720x64xbf16, #tpu.memory_space<vmem_shared>> -> memref<30720x64xbf16, #tpu.memory_space<vmem_shared>>
        %dma_wait3A_720 = tpu.memref_slice %arg13[%dma_wait3A_709] : memref<4x!tpu.dma_semaphore, #tpu.memory_space<semaphore_mem>> -> memref<1x!tpu.dma_semaphore, #tpu.memory_space<semaphore_mem>>
        %dma_wait3A_721 = tpu.memref_squeeze %dma_wait3A_720 : memref<1x!tpu.dma_semaphore, #tpu.memory_space<semaphore_mem>> -> memref<!tpu.dma_semaphore, #tpu.memory_space<semaphore_mem>>
        tpu.wait_indirect_dma semaphore(%dma_wait3A_721 : memref<!tpu.dma_semaphore, #tpu.memory_space<semaphore_mem>>) src(%dma_wait3A_713 : memref<128x64xbf16, #tpu.memory_space<vmem>>) dst(%dma_wait3A_719 : memref<30720x64xbf16, #tpu.memory_space<vmem_shared>>)
      } else {
      }
      %add3A_569 = arith.constant 2 : i32
      %add3A_570 = arith.addi %add3A_536, %add3A_569 : i32
      %lt3A = arith.constant 80 : i32
      %lt3A_571 = arith.cmpi slt, %add3A_570, %lt3A : i32
      %convert_element_type3A_572 = arith.extui %lt3A_571 : i1 to i32
      %cond3A_573 = arith.constant 0 : i32
      %cond3A_574 = arith.cmpi ne, %convert_element_type3A_572, %cond3A_573 : i32
      scf.if %cond3A_574 {
        %add3A_707 = arith.constant 2 : i32
        %add3A_708 = arith.addi %add3A_536, %add3A_707 : i32
        %dma_start3A_709 = arith.constant 2 : i32
        %dma_start3A_710 = arith.constant 2 : i32
        %dma_start3A_711 = arith.constant 0 : i32
        %dma_start3A_712 = arith.constant 0 : i32
        %dma_start3A_713 = tpu.memref_slice %arg9[%dma_start3A_709, %dma_start3A_711, %dma_start3A_712] : memref<4x128x64xbf16, #tpu.memory_space<vmem>> -> memref<1x128x64xbf16, #tpu.memory_space<vmem>>
        %dma_start3A_714 = tpu.memref_squeeze %dma_start3A_713 : memref<1x128x64xbf16, #tpu.memory_space<vmem>> -> memref<128x64xbf16, #tpu.memory_space<vmem>>
        %dma_start3A_715 = arith.constant 0 : i32
        %dma_start3A_716 = tpu.memref_slice %arg7[%add3A_708, %dma_start3A_715] : memref<80x128xi32, #tpu.memory_space<vmem>> -> memref<1x128xi32, #tpu.memory_space<vmem>>
        %dma_start3A_717 = tpu.memref_squeeze %dma_start3A_716 : memref<1x128xi32, #tpu.memory_space<vmem>> -> memref<128xi32, #tpu.memory_space<vmem>>
        %dma_start3A_718 = arith.constant 0 : i32
        %dma_start3A_719 = arith.constant 0 : i32
        %dma_start3A_720 = tpu.memref_slice %arg2[%dma_start3A_718, %dma_start3A_719] : memref<40000x64xbf16, #tpu.memory_space<hbm>> -> memref<40000x64xbf16, #tpu.memory_space<hbm>>
        %dma_start3A_721 = tpu.memref_slice %arg12[%dma_start3A_710] : memref<4x!tpu.dma_semaphore, #tpu.memory_space<semaphore_mem>> -> memref<1x!tpu.dma_semaphore, #tpu.memory_space<semaphore_mem>>
        %dma_start3A_722 = tpu.memref_squeeze %dma_start3A_721 : memref<1x!tpu.dma_semaphore, #tpu.memory_space<semaphore_mem>> -> memref<!tpu.dma_semaphore, #tpu.memory_space<semaphore_mem>>
        tpu.enqueue_indirect_dma source(%dma_start3A_720 : memref<40000x64xbf16, #tpu.memory_space<hbm>>) target(%dma_start3A_714 : memref<128x64xbf16, #tpu.memory_space<vmem>>) offsets(%dma_start3A_717 : memref<128xi32, #tpu.memory_space<vmem>>) semaphore(%dma_start3A_722 : memref<!tpu.dma_semaphore, #tpu.memory_space<semaphore_mem>>)
      } else {
      }
      %mul3A_575 = arith.constant 4 : i32
      %mul3A_576 = arith.muli %mul3A_575, %add3A_532 : i32
      %add3A_577 = arith.constant 1 : i32
      %add3A_578 = arith.addi %mul3A_576, %add3A_577 : i32
      %dma_wait3A_579 = arith.constant 1 : i32
      %dma_wait3A_580 = arith.constant 1 : i32
      %dma_wait3A_581 = arith.constant 0 : i32
      %dma_wait3A_582 = arith.constant 0 : i32
      %dma_wait3A_583 = tpu.memref_slice %arg9[%dma_wait3A_579, %dma_wait3A_581, %dma_wait3A_582] : memref<4x128x64xbf16, #tpu.memory_space<vmem>> -> memref<1x128x64xbf16, #tpu.memory_space<vmem>>
      %dma_wait3A_584 = tpu.memref_squeeze %dma_wait3A_583 : memref<1x128x64xbf16, #tpu.memory_space<vmem>> -> memref<128x64xbf16, #tpu.memory_space<vmem>>
      %dma_wait3A_585 = arith.constant 0 : i32
      %dma_wait3A_586 = tpu.memref_slice %arg7[%add3A_578, %dma_wait3A_585] : memref<80x128xi32, #tpu.memory_space<vmem>> -> memref<1x128xi32, #tpu.memory_space<vmem>>
      %dma_wait3A_587 = tpu.memref_squeeze %dma_wait3A_586 : memref<1x128xi32, #tpu.memory_space<vmem>> -> memref<128xi32, #tpu.memory_space<vmem>>
      %dma_wait3A_588 = arith.constant 0 : i32
      %dma_wait3A_589 = arith.constant 0 : i32
      %dma_wait3A_590 = tpu.memref_slice %arg2[%dma_wait3A_588, %dma_wait3A_589] : memref<40000x64xbf16, #tpu.memory_space<hbm>> -> memref<40000x64xbf16, #tpu.memory_space<hbm>>
      %dma_wait3A_591 = tpu.memref_slice %arg12[%dma_wait3A_580] : memref<4x!tpu.dma_semaphore, #tpu.memory_space<semaphore_mem>> -> memref<1x!tpu.dma_semaphore, #tpu.memory_space<semaphore_mem>>
      %dma_wait3A_592 = tpu.memref_squeeze %dma_wait3A_591 : memref<1x!tpu.dma_semaphore, #tpu.memory_space<semaphore_mem>> -> memref<!tpu.dma_semaphore, #tpu.memory_space<semaphore_mem>>
      tpu.wait_indirect_dma semaphore(%dma_wait3A_592 : memref<!tpu.dma_semaphore, #tpu.memory_space<semaphore_mem>>) src(%dma_wait3A_590 : memref<40000x64xbf16, #tpu.memory_space<hbm>>) dst(%dma_wait3A_584 : memref<128x64xbf16, #tpu.memory_space<vmem>>)
      %dma_start3A_593 = arith.constant 1 : i32
      %dma_start3A_594 = arith.constant 1 : i32
      %dma_start3A_595 = arith.constant 0 : i32
      %dma_start3A_596 = arith.constant 0 : i32
      %dma_start3A_597 = tpu.memref_slice %arg9[%dma_start3A_593, %dma_start3A_595, %dma_start3A_596] : memref<4x128x64xbf16, #tpu.memory_space<vmem>> -> memref<1x128x64xbf16, #tpu.memory_space<vmem>>
      %dma_start3A_598 = tpu.memref_squeeze %dma_start3A_597 : memref<1x128x64xbf16, #tpu.memory_space<vmem>> -> memref<128x64xbf16, #tpu.memory_space<vmem>>
      %dma_start3A_599 = arith.constant 0 : i32
      %dma_start3A_600 = tpu.memref_slice %arg8[%add3A_578, %dma_start3A_599] : memref<80x128xi32, #tpu.memory_space<vmem>> -> memref<1x128xi32, #tpu.memory_space<vmem>>
      %dma_start3A_601 = tpu.memref_squeeze %dma_start3A_600 : memref<1x128xi32, #tpu.memory_space<vmem>> -> memref<128xi32, #tpu.memory_space<vmem>>
      %dma_start3A_602 = arith.constant 0 : i32
      %dma_start3A_603 = arith.constant 0 : i32
      %dma_start3A_604 = tpu.memref_slice %arg11[%dma_start3A_602, %dma_start3A_603] : memref<30720x64xbf16, #tpu.memory_space<vmem_shared>> -> memref<30720x64xbf16, #tpu.memory_space<vmem_shared>>
      %dma_start3A_605 = tpu.memref_slice %arg13[%dma_start3A_594] : memref<4x!tpu.dma_semaphore, #tpu.memory_space<semaphore_mem>> -> memref<1x!tpu.dma_semaphore, #tpu.memory_space<semaphore_mem>>
      %dma_start3A_606 = tpu.memref_squeeze %dma_start3A_605 : memref<1x!tpu.dma_semaphore, #tpu.memory_space<semaphore_mem>> -> memref<!tpu.dma_semaphore, #tpu.memory_space<semaphore_mem>>
      tpu.enqueue_indirect_dma source(%dma_start3A_598 : memref<128x64xbf16, #tpu.memory_space<vmem>>) target(%dma_start3A_604 : memref<30720x64xbf16, #tpu.memory_space<vmem_shared>>) offsets(%dma_start3A_601 : memref<128xi32, #tpu.memory_space<vmem>>) semaphore(%dma_start3A_606 : memref<!tpu.dma_semaphore, #tpu.memory_space<semaphore_mem>>) {add = true}
      %ge3A_607 = arith.constant 2 : i32
      %ge3A_608 = arith.cmpi sge, %add3A_578, %ge3A_607 : i32
      %convert_element_type3A_609 = arith.extui %ge3A_608 : i1 to i32
      %cond3A_610 = arith.constant 0 : i32
      %cond3A_611 = arith.cmpi ne, %convert_element_type3A_609, %cond3A_610 : i32
      scf.if %cond3A_611 {
        %sub3A = arith.constant 2 : i32
        %sub3A_707 = arith.subi %add3A_578, %sub3A : i32
        %dma_wait3A_708 = arith.constant 3 : i32
        %dma_wait3A_709 = arith.constant 3 : i32
        %dma_wait3A_710 = arith.constant 0 : i32
        %dma_wait3A_711 = arith.constant 0 : i32
        %dma_wait3A_712 = tpu.memref_slice %arg9[%dma_wait3A_708, %dma_wait3A_710, %dma_wait3A_711] : memref<4x128x64xbf16, #tpu.memory_space<vmem>> -> memref<1x128x64xbf16, #tpu.memory_space<vmem>>
        %dma_wait3A_713 = tpu.memref_squeeze %dma_wait3A_712 : memref<1x128x64xbf16, #tpu.memory_space<vmem>> -> memref<128x64xbf16, #tpu.memory_space<vmem>>
        %dma_wait3A_714 = arith.constant 0 : i32
        %dma_wait3A_715 = tpu.memref_slice %arg8[%sub3A_707, %dma_wait3A_714] : memref<80x128xi32, #tpu.memory_space<vmem>> -> memref<1x128xi32, #tpu.memory_space<vmem>>
        %dma_wait3A_716 = tpu.memref_squeeze %dma_wait3A_715 : memref<1x128xi32, #tpu.memory_space<vmem>> -> memref<128xi32, #tpu.memory_space<vmem>>
        %dma_wait3A_717 = arith.constant 0 : i32
        %dma_wait3A_718 = arith.constant 0 : i32
        %dma_wait3A_719 = tpu.memref_slice %arg11[%dma_wait3A_717, %dma_wait3A_718] : memref<30720x64xbf16, #tpu.memory_space<vmem_shared>> -> memref<30720x64xbf16, #tpu.memory_space<vmem_shared>>
        %dma_wait3A_720 = tpu.memref_slice %arg13[%dma_wait3A_709] : memref<4x!tpu.dma_semaphore, #tpu.memory_space<semaphore_mem>> -> memref<1x!tpu.dma_semaphore, #tpu.memory_space<semaphore_mem>>
        %dma_wait3A_721 = tpu.memref_squeeze %dma_wait3A_720 : memref<1x!tpu.dma_semaphore, #tpu.memory_space<semaphore_mem>> -> memref<!tpu.dma_semaphore, #tpu.memory_space<semaphore_mem>>
        tpu.wait_indirect_dma semaphore(%dma_wait3A_721 : memref<!tpu.dma_semaphore, #tpu.memory_space<semaphore_mem>>) src(%dma_wait3A_713 : memref<128x64xbf16, #tpu.memory_space<vmem>>) dst(%dma_wait3A_719 : memref<30720x64xbf16, #tpu.memory_space<vmem_shared>>)
      } else {
      }
      %add3A_612 = arith.constant 2 : i32
      %add3A_613 = arith.addi %add3A_578, %add3A_612 : i32
      %lt3A_614 = arith.constant 80 : i32
      %lt3A_615 = arith.cmpi slt, %add3A_613, %lt3A_614 : i32
      %convert_element_type3A_616 = arith.extui %lt3A_615 : i1 to i32
      %cond3A_617 = arith.constant 0 : i32
      %cond3A_618 = arith.cmpi ne, %convert_element_type3A_616, %cond3A_617 : i32
      scf.if %cond3A_618 {
        %add3A_707 = arith.constant 2 : i32
        %add3A_708 = arith.addi %add3A_578, %add3A_707 : i32
        %dma_start3A_709 = arith.constant 3 : i32
        %dma_start3A_710 = arith.constant 3 : i32
        %dma_start3A_711 = arith.constant 0 : i32
        %dma_start3A_712 = arith.constant 0 : i32
        %dma_start3A_713 = tpu.memref_slice %arg9[%dma_start3A_709, %dma_start3A_711, %dma_start3A_712] : memref<4x128x64xbf16, #tpu.memory_space<vmem>> -> memref<1x128x64xbf16, #tpu.memory_space<vmem>>
        %dma_start3A_714 = tpu.memref_squeeze %dma_start3A_713 : memref<1x128x64xbf16, #tpu.memory_space<vmem>> -> memref<128x64xbf16, #tpu.memory_space<vmem>>
        %dma_start3A_715 = arith.constant 0 : i32
        %dma_start3A_716 = tpu.memref_slice %arg7[%add3A_708, %dma_start3A_715] : memref<80x128xi32, #tpu.memory_space<vmem>> -> memref<1x128xi32, #tpu.memory_space<vmem>>
        %dma_start3A_717 = tpu.memref_squeeze %dma_start3A_716 : memref<1x128xi32, #tpu.memory_space<vmem>> -> memref<128xi32, #tpu.memory_space<vmem>>
        %dma_start3A_718 = arith.constant 0 : i32
        %dma_start3A_719 = arith.constant 0 : i32
        %dma_start3A_720 = tpu.memref_slice %arg2[%dma_start3A_718, %dma_start3A_719] : memref<40000x64xbf16, #tpu.memory_space<hbm>> -> memref<40000x64xbf16, #tpu.memory_space<hbm>>
        %dma_start3A_721 = tpu.memref_slice %arg12[%dma_start3A_710] : memref<4x!tpu.dma_semaphore, #tpu.memory_space<semaphore_mem>> -> memref<1x!tpu.dma_semaphore, #tpu.memory_space<semaphore_mem>>
        %dma_start3A_722 = tpu.memref_squeeze %dma_start3A_721 : memref<1x!tpu.dma_semaphore, #tpu.memory_space<semaphore_mem>> -> memref<!tpu.dma_semaphore, #tpu.memory_space<semaphore_mem>>
        tpu.enqueue_indirect_dma source(%dma_start3A_720 : memref<40000x64xbf16, #tpu.memory_space<hbm>>) target(%dma_start3A_714 : memref<128x64xbf16, #tpu.memory_space<vmem>>) offsets(%dma_start3A_717 : memref<128xi32, #tpu.memory_space<vmem>>) semaphore(%dma_start3A_722 : memref<!tpu.dma_semaphore, #tpu.memory_space<semaphore_mem>>)
      } else {
      }
      %mul3A_619 = arith.constant 4 : i32
      %mul3A_620 = arith.muli %mul3A_619, %add3A_532 : i32
      %add3A_621 = arith.constant 2 : i32
      %add3A_622 = arith.addi %mul3A_620, %add3A_621 : i32
      %dma_wait3A_623 = arith.constant 2 : i32
      %dma_wait3A_624 = arith.constant 2 : i32
      %dma_wait3A_625 = arith.constant 0 : i32
      %dma_wait3A_626 = arith.constant 0 : i32
      %dma_wait3A_627 = tpu.memref_slice %arg9[%dma_wait3A_623, %dma_wait3A_625, %dma_wait3A_626] : memref<4x128x64xbf16, #tpu.memory_space<vmem>> -> memref<1x128x64xbf16, #tpu.memory_space<vmem>>
      %dma_wait3A_628 = tpu.memref_squeeze %dma_wait3A_627 : memref<1x128x64xbf16, #tpu.memory_space<vmem>> -> memref<128x64xbf16, #tpu.memory_space<vmem>>
      %dma_wait3A_629 = arith.constant 0 : i32
      %dma_wait3A_630 = tpu.memref_slice %arg7[%add3A_622, %dma_wait3A_629] : memref<80x128xi32, #tpu.memory_space<vmem>> -> memref<1x128xi32, #tpu.memory_space<vmem>>
      %dma_wait3A_631 = tpu.memref_squeeze %dma_wait3A_630 : memref<1x128xi32, #tpu.memory_space<vmem>> -> memref<128xi32, #tpu.memory_space<vmem>>
      %dma_wait3A_632 = arith.constant 0 : i32
      %dma_wait3A_633 = arith.constant 0 : i32
      %dma_wait3A_634 = tpu.memref_slice %arg2[%dma_wait3A_632, %dma_wait3A_633] : memref<40000x64xbf16, #tpu.memory_space<hbm>> -> memref<40000x64xbf16, #tpu.memory_space<hbm>>
      %dma_wait3A_635 = tpu.memref_slice %arg12[%dma_wait3A_624] : memref<4x!tpu.dma_semaphore, #tpu.memory_space<semaphore_mem>> -> memref<1x!tpu.dma_semaphore, #tpu.memory_space<semaphore_mem>>
      %dma_wait3A_636 = tpu.memref_squeeze %dma_wait3A_635 : memref<1x!tpu.dma_semaphore, #tpu.memory_space<semaphore_mem>> -> memref<!tpu.dma_semaphore, #tpu.memory_space<semaphore_mem>>
      tpu.wait_indirect_dma semaphore(%dma_wait3A_636 : memref<!tpu.dma_semaphore, #tpu.memory_space<semaphore_mem>>) src(%dma_wait3A_634 : memref<40000x64xbf16, #tpu.memory_space<hbm>>) dst(%dma_wait3A_628 : memref<128x64xbf16, #tpu.memory_space<vmem>>)
      %dma_start3A_637 = arith.constant 2 : i32
      %dma_start3A_638 = arith.constant 2 : i32
      %dma_start3A_639 = arith.constant 0 : i32
      %dma_start3A_640 = arith.constant 0 : i32
      %dma_start3A_641 = tpu.memref_slice %arg9[%dma_start3A_637, %dma_start3A_639, %dma_start3A_640] : memref<4x128x64xbf16, #tpu.memory_space<vmem>> -> memref<1x128x64xbf16, #tpu.memory_space<vmem>>
      %dma_start3A_642 = tpu.memref_squeeze %dma_start3A_641 : memref<1x128x64xbf16, #tpu.memory_space<vmem>> -> memref<128x64xbf16, #tpu.memory_space<vmem>>
      %dma_start3A_643 = arith.constant 0 : i32
      %dma_start3A_644 = tpu.memref_slice %arg8[%add3A_622, %dma_start3A_643] : memref<80x128xi32, #tpu.memory_space<vmem>> -> memref<1x128xi32, #tpu.memory_space<vmem>>
      %dma_start3A_645 = tpu.memref_squeeze %dma_start3A_644 : memref<1x128xi32, #tpu.memory_space<vmem>> -> memref<128xi32, #tpu.memory_space<vmem>>
      %dma_start3A_646 = arith.constant 0 : i32
      %dma_start3A_647 = arith.constant 0 : i32
      %dma_start3A_648 = tpu.memref_slice %arg11[%dma_start3A_646, %dma_start3A_647] : memref<30720x64xbf16, #tpu.memory_space<vmem_shared>> -> memref<30720x64xbf16, #tpu.memory_space<vmem_shared>>
      %dma_start3A_649 = tpu.memref_slice %arg13[%dma_start3A_638] : memref<4x!tpu.dma_semaphore, #tpu.memory_space<semaphore_mem>> -> memref<1x!tpu.dma_semaphore, #tpu.memory_space<semaphore_mem>>
      %dma_start3A_650 = tpu.memref_squeeze %dma_start3A_649 : memref<1x!tpu.dma_semaphore, #tpu.memory_space<semaphore_mem>> -> memref<!tpu.dma_semaphore, #tpu.memory_space<semaphore_mem>>
      tpu.enqueue_indirect_dma source(%dma_start3A_642 : memref<128x64xbf16, #tpu.memory_space<vmem>>) target(%dma_start3A_648 : memref<30720x64xbf16, #tpu.memory_space<vmem_shared>>) offsets(%dma_start3A_645 : memref<128xi32, #tpu.memory_space<vmem>>) semaphore(%dma_start3A_650 : memref<!tpu.dma_semaphore, #tpu.memory_space<semaphore_mem>>) {add = true}
      %ge3A_651 = arith.constant 2 : i32
      %ge3A_652 = arith.cmpi sge, %add3A_622, %ge3A_651 : i32
      %convert_element_type3A_653 = arith.extui %ge3A_652 : i1 to i32
      %cond3A_654 = arith.constant 0 : i32
      %cond3A_655 = arith.cmpi ne, %convert_element_type3A_653, %cond3A_654 : i32
      scf.if %cond3A_655 {
        %sub3A = arith.constant 2 : i32
        %sub3A_707 = arith.subi %add3A_622, %sub3A : i32
        %dma_wait3A_708 = arith.constant 0 : i32
        %dma_wait3A_709 = arith.constant 0 : i32
        %dma_wait3A_710 = arith.constant 0 : i32
        %dma_wait3A_711 = arith.constant 0 : i32
        %dma_wait3A_712 = tpu.memref_slice %arg9[%dma_wait3A_708, %dma_wait3A_710, %dma_wait3A_711] : memref<4x128x64xbf16, #tpu.memory_space<vmem>> -> memref<1x128x64xbf16, #tpu.memory_space<vmem>>
        %dma_wait3A_713 = tpu.memref_squeeze %dma_wait3A_712 : memref<1x128x64xbf16, #tpu.memory_space<vmem>> -> memref<128x64xbf16, #tpu.memory_space<vmem>>
        %dma_wait3A_714 = arith.constant 0 : i32
        %dma_wait3A_715 = tpu.memref_slice %arg8[%sub3A_707, %dma_wait3A_714] : memref<80x128xi32, #tpu.memory_space<vmem>> -> memref<1x128xi32, #tpu.memory_space<vmem>>
        %dma_wait3A_716 = tpu.memref_squeeze %dma_wait3A_715 : memref<1x128xi32, #tpu.memory_space<vmem>> -> memref<128xi32, #tpu.memory_space<vmem>>
        %dma_wait3A_717 = arith.constant 0 : i32
        %dma_wait3A_718 = arith.constant 0 : i32
        %dma_wait3A_719 = tpu.memref_slice %arg11[%dma_wait3A_717, %dma_wait3A_718] : memref<30720x64xbf16, #tpu.memory_space<vmem_shared>> -> memref<30720x64xbf16, #tpu.memory_space<vmem_shared>>
        %dma_wait3A_720 = tpu.memref_slice %arg13[%dma_wait3A_709] : memref<4x!tpu.dma_semaphore, #tpu.memory_space<semaphore_mem>> -> memref<1x!tpu.dma_semaphore, #tpu.memory_space<semaphore_mem>>
        %dma_wait3A_721 = tpu.memref_squeeze %dma_wait3A_720 : memref<1x!tpu.dma_semaphore, #tpu.memory_space<semaphore_mem>> -> memref<!tpu.dma_semaphore, #tpu.memory_space<semaphore_mem>>
        tpu.wait_indirect_dma semaphore(%dma_wait3A_721 : memref<!tpu.dma_semaphore, #tpu.memory_space<semaphore_mem>>) src(%dma_wait3A_713 : memref<128x64xbf16, #tpu.memory_space<vmem>>) dst(%dma_wait3A_719 : memref<30720x64xbf16, #tpu.memory_space<vmem_shared>>)
      } else {
      }
      %add3A_656 = arith.constant 2 : i32
      %add3A_657 = arith.addi %add3A_622, %add3A_656 : i32
      %lt3A_658 = arith.constant 80 : i32
      %lt3A_659 = arith.cmpi slt, %add3A_657, %lt3A_658 : i32
      %convert_element_type3A_660 = arith.extui %lt3A_659 : i1 to i32
      %cond3A_661 = arith.constant 0 : i32
      %cond3A_662 = arith.cmpi ne, %convert_element_type3A_660, %cond3A_661 : i32
      scf.if %cond3A_662 {
        %add3A_707 = arith.constant 2 : i32
        %add3A_708 = arith.addi %add3A_622, %add3A_707 : i32
        %dma_start3A_709 = arith.constant 0 : i32
        %dma_start3A_710 = arith.constant 0 : i32
        %dma_start3A_711 = arith.constant 0 : i32
        %dma_start3A_712 = arith.constant 0 : i32
        %dma_start3A_713 = tpu.memref_slice %arg9[%dma_start3A_709, %dma_start3A_711, %dma_start3A_712] : memref<4x128x64xbf16, #tpu.memory_space<vmem>> -> memref<1x128x64xbf16, #tpu.memory_space<vmem>>
        %dma_start3A_714 = tpu.memref_squeeze %dma_start3A_713 : memref<1x128x64xbf16, #tpu.memory_space<vmem>> -> memref<128x64xbf16, #tpu.memory_space<vmem>>
        %dma_start3A_715 = arith.constant 0 : i32
        %dma_start3A_716 = tpu.memref_slice %arg7[%add3A_708, %dma_start3A_715] : memref<80x128xi32, #tpu.memory_space<vmem>> -> memref<1x128xi32, #tpu.memory_space<vmem>>
        %dma_start3A_717 = tpu.memref_squeeze %dma_start3A_716 : memref<1x128xi32, #tpu.memory_space<vmem>> -> memref<128xi32, #tpu.memory_space<vmem>>
        %dma_start3A_718 = arith.constant 0 : i32
        %dma_start3A_719 = arith.constant 0 : i32
        %dma_start3A_720 = tpu.memref_slice %arg2[%dma_start3A_718, %dma_start3A_719] : memref<40000x64xbf16, #tpu.memory_space<hbm>> -> memref<40000x64xbf16, #tpu.memory_space<hbm>>
        %dma_start3A_721 = tpu.memref_slice %arg12[%dma_start3A_710] : memref<4x!tpu.dma_semaphore, #tpu.memory_space<semaphore_mem>> -> memref<1x!tpu.dma_semaphore, #tpu.memory_space<semaphore_mem>>
        %dma_start3A_722 = tpu.memref_squeeze %dma_start3A_721 : memref<1x!tpu.dma_semaphore, #tpu.memory_space<semaphore_mem>> -> memref<!tpu.dma_semaphore, #tpu.memory_space<semaphore_mem>>
        tpu.enqueue_indirect_dma source(%dma_start3A_720 : memref<40000x64xbf16, #tpu.memory_space<hbm>>) target(%dma_start3A_714 : memref<128x64xbf16, #tpu.memory_space<vmem>>) offsets(%dma_start3A_717 : memref<128xi32, #tpu.memory_space<vmem>>) semaphore(%dma_start3A_722 : memref<!tpu.dma_semaphore, #tpu.memory_space<semaphore_mem>>)
      } else {
      }
      %mul3A_663 = arith.constant 4 : i32
      %mul3A_664 = arith.muli %mul3A_663, %add3A_532 : i32
      %add3A_665 = arith.constant 3 : i32
      %add3A_666 = arith.addi %mul3A_664, %add3A_665 : i32
      %dma_wait3A_667 = arith.constant 3 : i32
      %dma_wait3A_668 = arith.constant 3 : i32
      %dma_wait3A_669 = arith.constant 0 : i32
      %dma_wait3A_670 = arith.constant 0 : i32
      %dma_wait3A_671 = tpu.memref_slice %arg9[%dma_wait3A_667, %dma_wait3A_669, %dma_wait3A_670] : memref<4x128x64xbf16, #tpu.memory_space<vmem>> -> memref<1x128x64xbf16, #tpu.memory_space<vmem>>
      %dma_wait3A_672 = tpu.memref_squeeze %dma_wait3A_671 : memref<1x128x64xbf16, #tpu.memory_space<vmem>> -> memref<128x64xbf16, #tpu.memory_space<vmem>>
      %dma_wait3A_673 = arith.constant 0 : i32
      %dma_wait3A_674 = tpu.memref_slice %arg7[%add3A_666, %dma_wait3A_673] : memref<80x128xi32, #tpu.memory_space<vmem>> -> memref<1x128xi32, #tpu.memory_space<vmem>>
      %dma_wait3A_675 = tpu.memref_squeeze %dma_wait3A_674 : memref<1x128xi32, #tpu.memory_space<vmem>> -> memref<128xi32, #tpu.memory_space<vmem>>
      %dma_wait3A_676 = arith.constant 0 : i32
      %dma_wait3A_677 = arith.constant 0 : i32
      %dma_wait3A_678 = tpu.memref_slice %arg2[%dma_wait3A_676, %dma_wait3A_677] : memref<40000x64xbf16, #tpu.memory_space<hbm>> -> memref<40000x64xbf16, #tpu.memory_space<hbm>>
      %dma_wait3A_679 = tpu.memref_slice %arg12[%dma_wait3A_668] : memref<4x!tpu.dma_semaphore, #tpu.memory_space<semaphore_mem>> -> memref<1x!tpu.dma_semaphore, #tpu.memory_space<semaphore_mem>>
      %dma_wait3A_680 = tpu.memref_squeeze %dma_wait3A_679 : memref<1x!tpu.dma_semaphore, #tpu.memory_space<semaphore_mem>> -> memref<!tpu.dma_semaphore, #tpu.memory_space<semaphore_mem>>
      tpu.wait_indirect_dma semaphore(%dma_wait3A_680 : memref<!tpu.dma_semaphore, #tpu.memory_space<semaphore_mem>>) src(%dma_wait3A_678 : memref<40000x64xbf16, #tpu.memory_space<hbm>>) dst(%dma_wait3A_672 : memref<128x64xbf16, #tpu.memory_space<vmem>>)
      %dma_start3A_681 = arith.constant 3 : i32
      %dma_start3A_682 = arith.constant 3 : i32
      %dma_start3A_683 = arith.constant 0 : i32
      %dma_start3A_684 = arith.constant 0 : i32
      %dma_start3A_685 = tpu.memref_slice %arg9[%dma_start3A_681, %dma_start3A_683, %dma_start3A_684] : memref<4x128x64xbf16, #tpu.memory_space<vmem>> -> memref<1x128x64xbf16, #tpu.memory_space<vmem>>
      %dma_start3A_686 = tpu.memref_squeeze %dma_start3A_685 : memref<1x128x64xbf16, #tpu.memory_space<vmem>> -> memref<128x64xbf16, #tpu.memory_space<vmem>>
      %dma_start3A_687 = arith.constant 0 : i32
      %dma_start3A_688 = tpu.memref_slice %arg8[%add3A_666, %dma_start3A_687] : memref<80x128xi32, #tpu.memory_space<vmem>> -> memref<1x128xi32, #tpu.memory_space<vmem>>
      %dma_start3A_689 = tpu.memref_squeeze %dma_start3A_688 : memref<1x128xi32, #tpu.memory_space<vmem>> -> memref<128xi32, #tpu.memory_space<vmem>>
      %dma_start3A_690 = arith.constant 0 : i32
      %dma_start3A_691 = arith.constant 0 : i32
      %dma_start3A_692 = tpu.memref_slice %arg11[%dma_start3A_690, %dma_start3A_691] : memref<30720x64xbf16, #tpu.memory_space<vmem_shared>> -> memref<30720x64xbf16, #tpu.memory_space<vmem_shared>>
      %dma_start3A_693 = tpu.memref_slice %arg13[%dma_start3A_682] : memref<4x!tpu.dma_semaphore, #tpu.memory_space<semaphore_mem>> -> memref<1x!tpu.dma_semaphore, #tpu.memory_space<semaphore_mem>>
      %dma_start3A_694 = tpu.memref_squeeze %dma_start3A_693 : memref<1x!tpu.dma_semaphore, #tpu.memory_space<semaphore_mem>> -> memref<!tpu.dma_semaphore, #tpu.memory_space<semaphore_mem>>
      tpu.enqueue_indirect_dma source(%dma_start3A_686 : memref<128x64xbf16, #tpu.memory_space<vmem>>) target(%dma_start3A_692 : memref<30720x64xbf16, #tpu.memory_space<vmem_shared>>) offsets(%dma_start3A_689 : memref<128xi32, #tpu.memory_space<vmem>>) semaphore(%dma_start3A_694 : memref<!tpu.dma_semaphore, #tpu.memory_space<semaphore_mem>>) {add = true}
      %ge3A_695 = arith.constant 2 : i32
      %ge3A_696 = arith.cmpi sge, %add3A_666, %ge3A_695 : i32
      %convert_element_type3A_697 = arith.extui %ge3A_696 : i1 to i32
      %cond3A_698 = arith.constant 0 : i32
      %cond3A_699 = arith.cmpi ne, %convert_element_type3A_697, %cond3A_698 : i32
      scf.if %cond3A_699 {
        %sub3A = arith.constant 2 : i32
        %sub3A_707 = arith.subi %add3A_666, %sub3A : i32
        %dma_wait3A_708 = arith.constant 1 : i32
        %dma_wait3A_709 = arith.constant 1 : i32
        %dma_wait3A_710 = arith.constant 0 : i32
        %dma_wait3A_711 = arith.constant 0 : i32
        %dma_wait3A_712 = tpu.memref_slice %arg9[%dma_wait3A_708, %dma_wait3A_710, %dma_wait3A_711] : memref<4x128x64xbf16, #tpu.memory_space<vmem>> -> memref<1x128x64xbf16, #tpu.memory_space<vmem>>
        %dma_wait3A_713 = tpu.memref_squeeze %dma_wait3A_712 : memref<1x128x64xbf16, #tpu.memory_space<vmem>> -> memref<128x64xbf16, #tpu.memory_space<vmem>>
        %dma_wait3A_714 = arith.constant 0 : i32
        %dma_wait3A_715 = tpu.memref_slice %arg8[%sub3A_707, %dma_wait3A_714] : memref<80x128xi32, #tpu.memory_space<vmem>> -> memref<1x128xi32, #tpu.memory_space<vmem>>
        %dma_wait3A_716 = tpu.memref_squeeze %dma_wait3A_715 : memref<1x128xi32, #tpu.memory_space<vmem>> -> memref<128xi32, #tpu.memory_space<vmem>>
        %dma_wait3A_717 = arith.constant 0 : i32
        %dma_wait3A_718 = arith.constant 0 : i32
        %dma_wait3A_719 = tpu.memref_slice %arg11[%dma_wait3A_717, %dma_wait3A_718] : memref<30720x64xbf16, #tpu.memory_space<vmem_shared>> -> memref<30720x64xbf16, #tpu.memory_space<vmem_shared>>
        %dma_wait3A_720 = tpu.memref_slice %arg13[%dma_wait3A_709] : memref<4x!tpu.dma_semaphore, #tpu.memory_space<semaphore_mem>> -> memref<1x!tpu.dma_semaphore, #tpu.memory_space<semaphore_mem>>
        %dma_wait3A_721 = tpu.memref_squeeze %dma_wait3A_720 : memref<1x!tpu.dma_semaphore, #tpu.memory_space<semaphore_mem>> -> memref<!tpu.dma_semaphore, #tpu.memory_space<semaphore_mem>>
        tpu.wait_indirect_dma semaphore(%dma_wait3A_721 : memref<!tpu.dma_semaphore, #tpu.memory_space<semaphore_mem>>) src(%dma_wait3A_713 : memref<128x64xbf16, #tpu.memory_space<vmem>>) dst(%dma_wait3A_719 : memref<30720x64xbf16, #tpu.memory_space<vmem_shared>>)
      } else {
      }
      %add3A_700 = arith.constant 2 : i32
      %add3A_701 = arith.addi %add3A_666, %add3A_700 : i32
      %lt3A_702 = arith.constant 80 : i32
      %lt3A_703 = arith.cmpi slt, %add3A_701, %lt3A_702 : i32
      %convert_element_type3A_704 = arith.extui %lt3A_703 : i1 to i32
      %cond3A_705 = arith.constant 0 : i32
      %cond3A_706 = arith.cmpi ne, %convert_element_type3A_704, %cond3A_705 : i32
      scf.if %cond3A_706 {
        %add3A_707 = arith.constant 2 : i32
        %add3A_708 = arith.addi %add3A_666, %add3A_707 : i32
        %dma_start3A_709 = arith.constant 1 : i32
        %dma_start3A_710 = arith.constant 1 : i32
        %dma_start3A_711 = arith.constant 0 : i32
        %dma_start3A_712 = arith.constant 0 : i32
        %dma_start3A_713 = tpu.memref_slice %arg9[%dma_start3A_709, %dma_start3A_711, %dma_start3A_712] : memref<4x128x64xbf16, #tpu.memory_space<vmem>> -> memref<1x128x64xbf16, #tpu.memory_space<vmem>>
        %dma_start3A_714 = tpu.memref_squeeze %dma_start3A_713 : memref<1x128x64xbf16, #tpu.memory_space<vmem>> -> memref<128x64xbf16, #tpu.memory_space<vmem>>
        %dma_start3A_715 = arith.constant 0 : i32
        %dma_start3A_716 = tpu.memref_slice %arg7[%add3A_708, %dma_start3A_715] : memref<80x128xi32, #tpu.memory_space<vmem>> -> memref<1x128xi32, #tpu.memory_space<vmem>>
        %dma_start3A_717 = tpu.memref_squeeze %dma_start3A_716 : memref<1x128xi32, #tpu.memory_space<vmem>> -> memref<128xi32, #tpu.memory_space<vmem>>
        %dma_start3A_718 = arith.constant 0 : i32
        %dma_start3A_719 = arith.constant 0 : i32
        %dma_start3A_720 = tpu.memref_slice %arg2[%dma_start3A_718, %dma_start3A_719] : memref<40000x64xbf16, #tpu.memory_space<hbm>> -> memref<40000x64xbf16, #tpu.memory_space<hbm>>
        %dma_start3A_721 = tpu.memref_slice %arg12[%dma_start3A_710] : memref<4x!tpu.dma_semaphore, #tpu.memory_space<semaphore_mem>> -> memref<1x!tpu.dma_semaphore, #tpu.memory_space<semaphore_mem>>
        %dma_start3A_722 = tpu.memref_squeeze %dma_start3A_721 : memref<1x!tpu.dma_semaphore, #tpu.memory_space<semaphore_mem>> -> memref<!tpu.dma_semaphore, #tpu.memory_space<semaphore_mem>>
        tpu.enqueue_indirect_dma source(%dma_start3A_720 : memref<40000x64xbf16, #tpu.memory_space<hbm>>) target(%dma_start3A_714 : memref<128x64xbf16, #tpu.memory_space<vmem>>) offsets(%dma_start3A_717 : memref<128xi32, #tpu.memory_space<vmem>>) semaphore(%dma_start3A_722 : memref<!tpu.dma_semaphore, #tpu.memory_space<semaphore_mem>>)
      } else {
      }
    }
    %scan3A_218 = arith.constant 20 : i32
    %dma_wait3A_219 = arith.constant 2 : i32
    %dma_wait3A_220 = arith.constant 78 : i32
    %dma_wait3A_221 = arith.constant 2 : i32
    %dma_wait3A_222 = arith.constant 0 : i32
    %dma_wait3A_223 = arith.constant 0 : i32
    %dma_wait3A_224 = tpu.memref_slice %arg9[%dma_wait3A_219, %dma_wait3A_222, %dma_wait3A_223] : memref<4x128x64xbf16, #tpu.memory_space<vmem>> -> memref<1x128x64xbf16, #tpu.memory_space<vmem>>
    %dma_wait3A_225 = tpu.memref_squeeze %dma_wait3A_224 : memref<1x128x64xbf16, #tpu.memory_space<vmem>> -> memref<128x64xbf16, #tpu.memory_space<vmem>>
    %dma_wait3A_226 = arith.constant 0 : i32
    %dma_wait3A_227 = tpu.memref_slice %arg8[%dma_wait3A_220, %dma_wait3A_226] : memref<80x128xi32, #tpu.memory_space<vmem>> -> memref<1x128xi32, #tpu.memory_space<vmem>>
    %dma_wait3A_228 = tpu.memref_squeeze %dma_wait3A_227 : memref<1x128xi32, #tpu.memory_space<vmem>> -> memref<128xi32, #tpu.memory_space<vmem>>
    %dma_wait3A_229 = arith.constant 0 : i32
    %dma_wait3A_230 = arith.constant 0 : i32
    %dma_wait3A_231 = tpu.memref_slice %arg11[%dma_wait3A_229, %dma_wait3A_230] : memref<30720x64xbf16, #tpu.memory_space<vmem_shared>> -> memref<30720x64xbf16, #tpu.memory_space<vmem_shared>>
    %dma_wait3A_232 = tpu.memref_slice %arg13[%dma_wait3A_221] : memref<4x!tpu.dma_semaphore, #tpu.memory_space<semaphore_mem>> -> memref<1x!tpu.dma_semaphore, #tpu.memory_space<semaphore_mem>>
    %dma_wait3A_233 = tpu.memref_squeeze %dma_wait3A_232 : memref<1x!tpu.dma_semaphore, #tpu.memory_space<semaphore_mem>> -> memref<!tpu.dma_semaphore, #tpu.memory_space<semaphore_mem>>
    tpu.wait_indirect_dma semaphore(%dma_wait3A_233 : memref<!tpu.dma_semaphore, #tpu.memory_space<semaphore_mem>>) src(%dma_wait3A_225 : memref<128x64xbf16, #tpu.memory_space<vmem>>) dst(%dma_wait3A_231 : memref<30720x64xbf16, #tpu.memory_space<vmem_shared>>)
    %dma_wait3A_234 = arith.constant 3 : i32
    %dma_wait3A_235 = arith.constant 79 : i32
    %dma_wait3A_236 = arith.constant 3 : i32
    %dma_wait3A_237 = arith.constant 0 : i32
    %dma_wait3A_238 = arith.constant 0 : i32
    %dma_wait3A_239 = tpu.memref_slice %arg9[%dma_wait3A_234, %dma_wait3A_237, %dma_wait3A_238] : memref<4x128x64xbf16, #tpu.memory_space<vmem>> -> memref<1x128x64xbf16, #tpu.memory_space<vmem>>
    %dma_wait3A_240 = tpu.memref_squeeze %dma_wait3A_239 : memref<1x128x64xbf16, #tpu.memory_space<vmem>> -> memref<128x64xbf16, #tpu.memory_space<vmem>>
    %dma_wait3A_241 = arith.constant 0 : i32
    %dma_wait3A_242 = tpu.memref_slice %arg8[%dma_wait3A_235, %dma_wait3A_241] : memref<80x128xi32, #tpu.memory_space<vmem>> -> memref<1x128xi32, #tpu.memory_space<vmem>>
    %dma_wait3A_243 = tpu.memref_squeeze %dma_wait3A_242 : memref<1x128xi32, #tpu.memory_space<vmem>> -> memref<128xi32, #tpu.memory_space<vmem>>
    %dma_wait3A_244 = arith.constant 0 : i32
    %dma_wait3A_245 = arith.constant 0 : i32
    %dma_wait3A_246 = tpu.memref_slice %arg11[%dma_wait3A_244, %dma_wait3A_245] : memref<30720x64xbf16, #tpu.memory_space<vmem_shared>> -> memref<30720x64xbf16, #tpu.memory_space<vmem_shared>>
    %dma_wait3A_247 = tpu.memref_slice %arg13[%dma_wait3A_236] : memref<4x!tpu.dma_semaphore, #tpu.memory_space<semaphore_mem>> -> memref<1x!tpu.dma_semaphore, #tpu.memory_space<semaphore_mem>>
    %dma_wait3A_248 = tpu.memref_squeeze %dma_wait3A_247 : memref<1x!tpu.dma_semaphore, #tpu.memory_space<semaphore_mem>> -> memref<!tpu.dma_semaphore, #tpu.memory_space<semaphore_mem>>
    tpu.wait_indirect_dma semaphore(%dma_wait3A_248 : memref<!tpu.dma_semaphore, #tpu.memory_space<semaphore_mem>>) src(%dma_wait3A_240 : memref<128x64xbf16, #tpu.memory_space<vmem>>) dst(%dma_wait3A_246 : memref<30720x64xbf16, #tpu.memory_space<vmem_shared>>)
    %barrier3A_249 = arith.constant 0 : index
    tpu.barrier barrier_id(%barrier3A_249)
    %eq3A_250 = arith.constant 0 : i32
    %eq3A_251 = arith.cmpi eq, %arg0, %eq3A_250 : i32
    %convert_element_type3A_252 = arith.extui %eq3A_251 : i1 to i32
    %cond3A_253 = arith.constant 0 : i32
    %cond3A_254 = arith.cmpi ne, %convert_element_type3A_252, %cond3A_253 : i32
    scf.if %cond3A_254 {
      "tpu.region"() ({
        %run_scoped3A = tpu.sem_alloc : memref<!tpu.dma_semaphore, #tpu.memory_space<semaphore_mem>>
        %dma_start3A_528 = arith.constant 0 : i32
        %dma_start3A_529 = tpu.memref_slice %arg6[%mul3A_0, %dma_start3A_528] : memref<30720x256xbf16, #tpu.memory_space<hbm>> -> memref<1920x64xbf16, #tpu.memory_space<hbm>>
        %dma_start3A_530 = arith.constant 0 : i32
        %dma_start3A_531 = tpu.memref_slice %arg11[%mul3A_0, %dma_start3A_530] : memref<30720x64xbf16, #tpu.memory_space<vmem_shared>> -> memref<1920x64xbf16, #tpu.memory_space<vmem_shared>>
        tpu.enqueue_dma source(%dma_start3A_531 : memref<1920x64xbf16, #tpu.memory_space<vmem_shared>>) target(%dma_start3A_529 : memref<1920x64xbf16, #tpu.memory_space<hbm>>) target_semaphore(%run_scoped3A : memref<!tpu.dma_semaphore, #tpu.memory_space<semaphore_mem>>)
        %dma_wait3A_532 = arith.constant 0 : i32
        %dma_wait3A_533 = tpu.memref_slice %arg6[%mul3A_0, %dma_wait3A_532] : memref<30720x256xbf16, #tpu.memory_space<hbm>> -> memref<1920x64xbf16, #tpu.memory_space<hbm>>
        %dma_wait3A_534 = arith.constant 0 : i32
        %dma_wait3A_535 = tpu.memref_slice %arg11[%mul3A_0, %dma_wait3A_534] : memref<30720x64xbf16, #tpu.memory_space<vmem_shared>> -> memref<1920x64xbf16, #tpu.memory_space<vmem_shared>>
        tpu.wait_dma2 semaphore(%run_scoped3A : memref<!tpu.dma_semaphore, #tpu.memory_space<semaphore_mem>>) src(%dma_wait3A_535 : memref<1920x64xbf16, #tpu.memory_space<vmem_shared>>) dst(%dma_wait3A_533 : memref<1920x64xbf16, #tpu.memory_space<hbm>>)
        tpu.yield
      }) : () -> ()
    } else {
    }
    %eq3A_255 = arith.constant 1 : i32
    %eq3A_256 = arith.cmpi eq, %arg0, %eq3A_255 : i32
    %convert_element_type3A_257 = arith.extui %eq3A_256 : i1 to i32
    %cond3A_258 = arith.constant 0 : i32
    %cond3A_259 = arith.cmpi ne, %convert_element_type3A_257, %cond3A_258 : i32
    scf.if %cond3A_259 {
      "tpu.region"() ({
        %run_scoped3A = tpu.sem_alloc : memref<!tpu.dma_semaphore, #tpu.memory_space<semaphore_mem>>
        %dma_start3A_528 = arith.constant 64 : i32
        %dma_start3A_529 = tpu.memref_slice %arg6[%mul3A_0, %dma_start3A_528] : memref<30720x256xbf16, #tpu.memory_space<hbm>> -> memref<1920x64xbf16, #tpu.memory_space<hbm>>
        %dma_start3A_530 = arith.constant 0 : i32
        %dma_start3A_531 = tpu.memref_slice %arg11[%mul3A_0, %dma_start3A_530] : memref<30720x64xbf16, #tpu.memory_space<vmem_shared>> -> memref<1920x64xbf16, #tpu.memory_space<vmem_shared>>
        tpu.enqueue_dma source(%dma_start3A_531 : memref<1920x64xbf16, #tpu.memory_space<vmem_shared>>) target(%dma_start3A_529 : memref<1920x64xbf16, #tpu.memory_space<hbm>>) target_semaphore(%run_scoped3A : memref<!tpu.dma_semaphore, #tpu.memory_space<semaphore_mem>>)
        %dma_wait3A_532 = arith.constant 64 : i32
        %dma_wait3A_533 = tpu.memref_slice %arg6[%mul3A_0, %dma_wait3A_532] : memref<30720x256xbf16, #tpu.memory_space<hbm>> -> memref<1920x64xbf16, #tpu.memory_space<hbm>>
        %dma_wait3A_534 = arith.constant 0 : i32
        %dma_wait3A_535 = tpu.memref_slice %arg11[%mul3A_0, %dma_wait3A_534] : memref<30720x64xbf16, #tpu.memory_space<vmem_shared>> -> memref<1920x64xbf16, #tpu.memory_space<vmem_shared>>
        tpu.wait_dma2 semaphore(%run_scoped3A : memref<!tpu.dma_semaphore, #tpu.memory_space<semaphore_mem>>) src(%dma_wait3A_535 : memref<1920x64xbf16, #tpu.memory_space<vmem_shared>>) dst(%dma_wait3A_533 : memref<1920x64xbf16, #tpu.memory_space<hbm>>)
        tpu.yield
      }) : () -> ()
    } else {
    }
    %barrier3A_260 = arith.constant 0 : index
    tpu.barrier barrier_id(%barrier3A_260)
    %eq3A_261 = arith.constant 0 : i32
    %eq3A_262 = arith.cmpi eq, %arg0, %eq3A_261 : i32
    %convert_element_type3A_263 = arith.extui %eq3A_262 : i1 to i32
    %cond3A_264 = arith.constant 0 : i32
    %cond3A_265 = arith.cmpi ne, %convert_element_type3A_263, %cond3A_264 : i32
    scf.if %cond3A_265 {
      %run_scoped3A = arith.constant 2 : i32
      "tpu.region"() ({
        %run_scoped3A_528 = tpu.sem_alloc : memref<!tpu.dma_semaphore, #tpu.memory_space<semaphore_mem>>
        %dma_start3A_529 = arith.constant 0 : i32
        %dma_start3A_530 = arith.constant 0 : i32
        %dma_start3A_531 = tpu.memref_slice %arg3[%run_scoped3A, %arg1, %dma_start3A_529, %dma_start3A_530] : memref<4x16x80x128xi32, #tpu.memory_space<hbm>> -> memref<1x1x80x128xi32, #tpu.memory_space<hbm>>
        %dma_start3A_532 = tpu.memref_squeeze %dma_start3A_531 : memref<1x1x80x128xi32, #tpu.memory_space<hbm>> -> memref<80x128xi32, #tpu.memory_space<hbm>>
        %dma_start3A_533 = arith.constant 0 : i32
        %dma_start3A_534 = arith.constant 0 : i32
        %dma_start3A_535 = tpu.memref_slice %arg3[%run_scoped3A, %arg1, %dma_start3A_533, %dma_start3A_534] : memref<4x16x80x128xi32, #tpu.memory_space<hbm>> -> memref<1x1x80x128xi32, #tpu.memory_space<hbm>>
        %dma_start3A_536 = tpu.memref_squeeze %dma_start3A_535 : memref<1x1x80x128xi32, #tpu.memory_space<hbm>> -> memref<80x128xi32, #tpu.memory_space<hbm>>
        tpu.enqueue_dma source(%dma_start3A_536 : memref<80x128xi32, #tpu.memory_space<hbm>>) target(%arg7 : memref<80x128xi32, #tpu.memory_space<vmem>>) target_semaphore(%run_scoped3A_528 : memref<!tpu.dma_semaphore, #tpu.memory_space<semaphore_mem>>)
        %dma_wait3A_537 = arith.constant 0 : i32
        %dma_wait3A_538 = arith.constant 0 : i32
        %dma_wait3A_539 = tpu.memref_slice %arg3[%run_scoped3A, %arg1, %dma_wait3A_537, %dma_wait3A_538] : memref<4x16x80x128xi32, #tpu.memory_space<hbm>> -> memref<1x1x80x128xi32, #tpu.memory_space<hbm>>
        %dma_wait3A_540 = tpu.memref_squeeze %dma_wait3A_539 : memref<1x1x80x128xi32, #tpu.memory_space<hbm>> -> memref<80x128xi32, #tpu.memory_space<hbm>>
        %dma_wait3A_541 = arith.constant 0 : i32
        %dma_wait3A_542 = arith.constant 0 : i32
        %dma_wait3A_543 = tpu.memref_slice %arg3[%run_scoped3A, %arg1, %dma_wait3A_541, %dma_wait3A_542] : memref<4x16x80x128xi32, #tpu.memory_space<hbm>> -> memref<1x1x80x128xi32, #tpu.memory_space<hbm>>
        %dma_wait3A_544 = tpu.memref_squeeze %dma_wait3A_543 : memref<1x1x80x128xi32, #tpu.memory_space<hbm>> -> memref<80x128xi32, #tpu.memory_space<hbm>>
        tpu.wait_dma2 semaphore(%run_scoped3A_528 : memref<!tpu.dma_semaphore, #tpu.memory_space<semaphore_mem>>) src(%dma_wait3A_544 : memref<80x128xi32, #tpu.memory_space<hbm>>) dst(%arg7 : memref<80x128xi32, #tpu.memory_space<vmem>>)
        tpu.yield
      }) : () -> ()
    } else {
    }
    %eq3A_266 = arith.constant 1 : i32
    %eq3A_267 = arith.cmpi eq, %arg0, %eq3A_266 : i32
    %convert_element_type3A_268 = arith.extui %eq3A_267 : i1 to i32
    %cond3A_269 = arith.constant 0 : i32
    %cond3A_270 = arith.cmpi ne, %convert_element_type3A_268, %cond3A_269 : i32
    scf.if %cond3A_270 {
      %run_scoped3A = arith.constant 3 : i32
      "tpu.region"() ({
        %run_scoped3A_528 = tpu.sem_alloc : memref<!tpu.dma_semaphore, #tpu.memory_space<semaphore_mem>>
        %dma_start3A_529 = arith.constant 0 : i32
        %dma_start3A_530 = arith.constant 0 : i32
        %dma_start3A_531 = tpu.memref_slice %arg3[%run_scoped3A, %arg1, %dma_start3A_529, %dma_start3A_530] : memref<4x16x80x128xi32, #tpu.memory_space<hbm>> -> memref<1x1x80x128xi32, #tpu.memory_space<hbm>>
        %dma_start3A_532 = tpu.memref_squeeze %dma_start3A_531 : memref<1x1x80x128xi32, #tpu.memory_space<hbm>> -> memref<80x128xi32, #tpu.memory_space<hbm>>
        %dma_start3A_533 = arith.constant 0 : i32
        %dma_start3A_534 = arith.constant 0 : i32
        %dma_start3A_535 = tpu.memref_slice %arg3[%run_scoped3A, %arg1, %dma_start3A_533, %dma_start3A_534] : memref<4x16x80x128xi32, #tpu.memory_space<hbm>> -> memref<1x1x80x128xi32, #tpu.memory_space<hbm>>
        %dma_start3A_536 = tpu.memref_squeeze %dma_start3A_535 : memref<1x1x80x128xi32, #tpu.memory_space<hbm>> -> memref<80x128xi32, #tpu.memory_space<hbm>>
        tpu.enqueue_dma source(%dma_start3A_536 : memref<80x128xi32, #tpu.memory_space<hbm>>) target(%arg7 : memref<80x128xi32, #tpu.memory_space<vmem>>) target_semaphore(%run_scoped3A_528 : memref<!tpu.dma_semaphore, #tpu.memory_space<semaphore_mem>>)
        %dma_wait3A_537 = arith.constant 0 : i32
        %dma_wait3A_538 = arith.constant 0 : i32
        %dma_wait3A_539 = tpu.memref_slice %arg3[%run_scoped3A, %arg1, %dma_wait3A_537, %dma_wait3A_538] : memref<4x16x80x128xi32, #tpu.memory_space<hbm>> -> memref<1x1x80x128xi32, #tpu.memory_space<hbm>>
        %dma_wait3A_540 = tpu.memref_squeeze %dma_wait3A_539 : memref<1x1x80x128xi32, #tpu.memory_space<hbm>> -> memref<80x128xi32, #tpu.memory_space<hbm>>
        %dma_wait3A_541 = arith.constant 0 : i32
        %dma_wait3A_542 = arith.constant 0 : i32
        %dma_wait3A_543 = tpu.memref_slice %arg3[%run_scoped3A, %arg1, %dma_wait3A_541, %dma_wait3A_542] : memref<4x16x80x128xi32, #tpu.memory_space<hbm>> -> memref<1x1x80x128xi32, #tpu.memory_space<hbm>>
        %dma_wait3A_544 = tpu.memref_squeeze %dma_wait3A_543 : memref<1x1x80x128xi32, #tpu.memory_space<hbm>> -> memref<80x128xi32, #tpu.memory_space<hbm>>
        tpu.wait_dma2 semaphore(%run_scoped3A_528 : memref<!tpu.dma_semaphore, #tpu.memory_space<semaphore_mem>>) src(%dma_wait3A_544 : memref<80x128xi32, #tpu.memory_space<hbm>>) dst(%arg7 : memref<80x128xi32, #tpu.memory_space<vmem>>)
        tpu.yield
      }) : () -> ()
    } else {
    }
    %dma_start3A_271 = arith.constant 0 : i32
    %dma_start3A_272 = arith.constant 0 : i32
    %dma_start3A_273 = arith.constant 0 : i32
    %dma_start3A_274 = arith.constant 0 : i32
    %dma_start3A_275 = arith.constant 0 : i32
    %dma_start3A_276 = tpu.memref_slice %arg9[%dma_start3A_272, %dma_start3A_274, %dma_start3A_275] : memref<4x128x64xbf16, #tpu.memory_space<vmem>> -> memref<1x128x64xbf16, #tpu.memory_space<vmem>>
    %dma_start3A_277 = tpu.memref_squeeze %dma_start3A_276 : memref<1x128x64xbf16, #tpu.memory_space<vmem>> -> memref<128x64xbf16, #tpu.memory_space<vmem>>
    %dma_start3A_278 = arith.constant 0 : i32
    %dma_start3A_279 = tpu.memref_slice %arg7[%dma_start3A_271, %dma_start3A_278] : memref<80x128xi32, #tpu.memory_space<vmem>> -> memref<1x128xi32, #tpu.memory_space<vmem>>
    %dma_start3A_280 = tpu.memref_squeeze %dma_start3A_279 : memref<1x128xi32, #tpu.memory_space<vmem>> -> memref<128xi32, #tpu.memory_space<vmem>>
    %dma_start3A_281 = arith.constant 0 : i32
    %dma_start3A_282 = arith.constant 0 : i32
    %dma_start3A_283 = tpu.memref_slice %arg2[%dma_start3A_281, %dma_start3A_282] : memref<40000x64xbf16, #tpu.memory_space<hbm>> -> memref<40000x64xbf16, #tpu.memory_space<hbm>>
    %dma_start3A_284 = tpu.memref_slice %arg12[%dma_start3A_273] : memref<4x!tpu.dma_semaphore, #tpu.memory_space<semaphore_mem>> -> memref<1x!tpu.dma_semaphore, #tpu.memory_space<semaphore_mem>>
    %dma_start3A_285 = tpu.memref_squeeze %dma_start3A_284 : memref<1x!tpu.dma_semaphore, #tpu.memory_space<semaphore_mem>> -> memref<!tpu.dma_semaphore, #tpu.memory_space<semaphore_mem>>
    tpu.enqueue_indirect_dma source(%dma_start3A_283 : memref<40000x64xbf16, #tpu.memory_space<hbm>>) target(%dma_start3A_277 : memref<128x64xbf16, #tpu.memory_space<vmem>>) offsets(%dma_start3A_280 : memref<128xi32, #tpu.memory_space<vmem>>) semaphore(%dma_start3A_285 : memref<!tpu.dma_semaphore, #tpu.memory_space<semaphore_mem>>)
    %dma_start3A_286 = arith.constant 1 : i32
    %dma_start3A_287 = arith.constant 1 : i32
    %dma_start3A_288 = arith.constant 1 : i32
    %dma_start3A_289 = arith.constant 0 : i32
    %dma_start3A_290 = arith.constant 0 : i32
    %dma_start3A_291 = tpu.memref_slice %arg9[%dma_start3A_287, %dma_start3A_289, %dma_start3A_290] : memref<4x128x64xbf16, #tpu.memory_space<vmem>> -> memref<1x128x64xbf16, #tpu.memory_space<vmem>>
    %dma_start3A_292 = tpu.memref_squeeze %dma_start3A_291 : memref<1x128x64xbf16, #tpu.memory_space<vmem>> -> memref<128x64xbf16, #tpu.memory_space<vmem>>
    %dma_start3A_293 = arith.constant 0 : i32
    %dma_start3A_294 = tpu.memref_slice %arg7[%dma_start3A_286, %dma_start3A_293] : memref<80x128xi32, #tpu.memory_space<vmem>> -> memref<1x128xi32, #tpu.memory_space<vmem>>
    %dma_start3A_295 = tpu.memref_squeeze %dma_start3A_294 : memref<1x128xi32, #tpu.memory_space<vmem>> -> memref<128xi32, #tpu.memory_space<vmem>>
    %dma_start3A_296 = arith.constant 0 : i32
    %dma_start3A_297 = arith.constant 0 : i32
    %dma_start3A_298 = tpu.memref_slice %arg2[%dma_start3A_296, %dma_start3A_297] : memref<40000x64xbf16, #tpu.memory_space<hbm>> -> memref<40000x64xbf16, #tpu.memory_space<hbm>>
    %dma_start3A_299 = tpu.memref_slice %arg12[%dma_start3A_288] : memref<4x!tpu.dma_semaphore, #tpu.memory_space<semaphore_mem>> -> memref<1x!tpu.dma_semaphore, #tpu.memory_space<semaphore_mem>>
    %dma_start3A_300 = tpu.memref_squeeze %dma_start3A_299 : memref<1x!tpu.dma_semaphore, #tpu.memory_space<semaphore_mem>> -> memref<!tpu.dma_semaphore, #tpu.memory_space<semaphore_mem>>
    tpu.enqueue_indirect_dma source(%dma_start3A_298 : memref<40000x64xbf16, #tpu.memory_space<hbm>>) target(%dma_start3A_292 : memref<128x64xbf16, #tpu.memory_space<vmem>>) offsets(%dma_start3A_295 : memref<128xi32, #tpu.memory_space<vmem>>) semaphore(%dma_start3A_300 : memref<!tpu.dma_semaphore, #tpu.memory_space<semaphore_mem>>)
    %add3A_301 = arith.constant 0 : i32
    %add3A_302 = arith.addi %mul3A_0, %add3A_301 : i32
    %dma_start3A_303 = arith.constant 0 : i32
    %dma_start3A_304 = tpu.memref_slice %arg11[%add3A_302, %dma_start3A_303] : memref<30720x64xbf16, #tpu.memory_space<vmem_shared>> -> memref<128x64xbf16, #tpu.memory_space<vmem_shared>>
    %dma_start3A_305 = arith.constant 0 : i32
    %dma_start3A_306 = tpu.memref_slice %arg11[%add3A_302, %dma_start3A_305] : memref<30720x64xbf16, #tpu.memory_space<vmem_shared>> -> memref<128x64xbf16, #tpu.memory_space<vmem_shared>>
    tpu.enqueue_dma source(%arg10 : memref<128x64xbf16, #tpu.memory_space<vmem>>) target(%dma_start3A_306 : memref<128x64xbf16, #tpu.memory_space<vmem_shared>>) target_semaphore(%arg14 : memref<!tpu.dma_semaphore, #tpu.memory_space<semaphore_mem>>)
    %add3A_307 = arith.constant 128 : i32
    %add3A_308 = arith.addi %mul3A_0, %add3A_307 : i32
    %dma_start3A_309 = arith.constant 0 : i32
    %dma_start3A_310 = tpu.memref_slice %arg11[%add3A_308, %dma_start3A_309] : memref<30720x64xbf16, #tpu.memory_space<vmem_shared>> -> memref<128x64xbf16, #tpu.memory_space<vmem_shared>>
    %dma_start3A_311 = arith.constant 0 : i32
    %dma_start3A_312 = tpu.memref_slice %arg11[%add3A_308, %dma_start3A_311] : memref<30720x64xbf16, #tpu.memory_space<vmem_shared>> -> memref<128x64xbf16, #tpu.memory_space<vmem_shared>>
    tpu.enqueue_dma source(%arg10 : memref<128x64xbf16, #tpu.memory_space<vmem>>) target(%dma_start3A_312 : memref<128x64xbf16, #tpu.memory_space<vmem_shared>>) target_semaphore(%arg14 : memref<!tpu.dma_semaphore, #tpu.memory_space<semaphore_mem>>)
    %add3A_313 = arith.constant 256 : i32
    %add3A_314 = arith.addi %mul3A_0, %add3A_313 : i32
    %dma_start3A_315 = arith.constant 0 : i32
    %dma_start3A_316 = tpu.memref_slice %arg11[%add3A_314, %dma_start3A_315] : memref<30720x64xbf16, #tpu.memory_space<vmem_shared>> -> memref<128x64xbf16, #tpu.memory_space<vmem_shared>>
    %dma_start3A_317 = arith.constant 0 : i32
    %dma_start3A_318 = tpu.memref_slice %arg11[%add3A_314, %dma_start3A_317] : memref<30720x64xbf16, #tpu.memory_space<vmem_shared>> -> memref<128x64xbf16, #tpu.memory_space<vmem_shared>>
    tpu.enqueue_dma source(%arg10 : memref<128x64xbf16, #tpu.memory_space<vmem>>) target(%dma_start3A_318 : memref<128x64xbf16, #tpu.memory_space<vmem_shared>>) target_semaphore(%arg14 : memref<!tpu.dma_semaphore, #tpu.memory_space<semaphore_mem>>)
    %add3A_319 = arith.constant 384 : i32
    %add3A_320 = arith.addi %mul3A_0, %add3A_319 : i32
    %dma_start3A_321 = arith.constant 0 : i32
    %dma_start3A_322 = tpu.memref_slice %arg11[%add3A_320, %dma_start3A_321] : memref<30720x64xbf16, #tpu.memory_space<vmem_shared>> -> memref<128x64xbf16, #tpu.memory_space<vmem_shared>>
    %dma_start3A_323 = arith.constant 0 : i32
    %dma_start3A_324 = tpu.memref_slice %arg11[%add3A_320, %dma_start3A_323] : memref<30720x64xbf16, #tpu.memory_space<vmem_shared>> -> memref<128x64xbf16, #tpu.memory_space<vmem_shared>>
    tpu.enqueue_dma source(%arg10 : memref<128x64xbf16, #tpu.memory_space<vmem>>) target(%dma_start3A_324 : memref<128x64xbf16, #tpu.memory_space<vmem_shared>>) target_semaphore(%arg14 : memref<!tpu.dma_semaphore, #tpu.memory_space<semaphore_mem>>)
    %add3A_325 = arith.constant 512 : i32
    %add3A_326 = arith.addi %mul3A_0, %add3A_325 : i32
    %dma_start3A_327 = arith.constant 0 : i32
    %dma_start3A_328 = tpu.memref_slice %arg11[%add3A_326, %dma_start3A_327] : memref<30720x64xbf16, #tpu.memory_space<vmem_shared>> -> memref<128x64xbf16, #tpu.memory_space<vmem_shared>>
    %dma_start3A_329 = arith.constant 0 : i32
    %dma_start3A_330 = tpu.memref_slice %arg11[%add3A_326, %dma_start3A_329] : memref<30720x64xbf16, #tpu.memory_space<vmem_shared>> -> memref<128x64xbf16, #tpu.memory_space<vmem_shared>>
    tpu.enqueue_dma source(%arg10 : memref<128x64xbf16, #tpu.memory_space<vmem>>) target(%dma_start3A_330 : memref<128x64xbf16, #tpu.memory_space<vmem_shared>>) target_semaphore(%arg14 : memref<!tpu.dma_semaphore, #tpu.memory_space<semaphore_mem>>)
    %add3A_331 = arith.constant 640 : i32
    %add3A_332 = arith.addi %mul3A_0, %add3A_331 : i32
    %dma_start3A_333 = arith.constant 0 : i32
    %dma_start3A_334 = tpu.memref_slice %arg11[%add3A_332, %dma_start3A_333] : memref<30720x64xbf16, #tpu.memory_space<vmem_shared>> -> memref<128x64xbf16, #tpu.memory_space<vmem_shared>>
    %dma_start3A_335 = arith.constant 0 : i32
    %dma_start3A_336 = tpu.memref_slice %arg11[%add3A_332, %dma_start3A_335] : memref<30720x64xbf16, #tpu.memory_space<vmem_shared>> -> memref<128x64xbf16, #tpu.memory_space<vmem_shared>>
    tpu.enqueue_dma source(%arg10 : memref<128x64xbf16, #tpu.memory_space<vmem>>) target(%dma_start3A_336 : memref<128x64xbf16, #tpu.memory_space<vmem_shared>>) target_semaphore(%arg14 : memref<!tpu.dma_semaphore, #tpu.memory_space<semaphore_mem>>)
    %add3A_337 = arith.constant 768 : i32
    %add3A_338 = arith.addi %mul3A_0, %add3A_337 : i32
    %dma_start3A_339 = arith.constant 0 : i32
    %dma_start3A_340 = tpu.memref_slice %arg11[%add3A_338, %dma_start3A_339] : memref<30720x64xbf16, #tpu.memory_space<vmem_shared>> -> memref<128x64xbf16, #tpu.memory_space<vmem_shared>>
    %dma_start3A_341 = arith.constant 0 : i32
    %dma_start3A_342 = tpu.memref_slice %arg11[%add3A_338, %dma_start3A_341] : memref<30720x64xbf16, #tpu.memory_space<vmem_shared>> -> memref<128x64xbf16, #tpu.memory_space<vmem_shared>>
    tpu.enqueue_dma source(%arg10 : memref<128x64xbf16, #tpu.memory_space<vmem>>) target(%dma_start3A_342 : memref<128x64xbf16, #tpu.memory_space<vmem_shared>>) target_semaphore(%arg14 : memref<!tpu.dma_semaphore, #tpu.memory_space<semaphore_mem>>)
    %add3A_343 = arith.constant 896 : i32
    %add3A_344 = arith.addi %mul3A_0, %add3A_343 : i32
    %dma_start3A_345 = arith.constant 0 : i32
    %dma_start3A_346 = tpu.memref_slice %arg11[%add3A_344, %dma_start3A_345] : memref<30720x64xbf16, #tpu.memory_space<vmem_shared>> -> memref<128x64xbf16, #tpu.memory_space<vmem_shared>>
    %dma_start3A_347 = arith.constant 0 : i32
    %dma_start3A_348 = tpu.memref_slice %arg11[%add3A_344, %dma_start3A_347] : memref<30720x64xbf16, #tpu.memory_space<vmem_shared>> -> memref<128x64xbf16, #tpu.memory_space<vmem_shared>>
    tpu.enqueue_dma source(%arg10 : memref<128x64xbf16, #tpu.memory_space<vmem>>) target(%dma_start3A_348 : memref<128x64xbf16, #tpu.memory_space<vmem_shared>>) target_semaphore(%arg14 : memref<!tpu.dma_semaphore, #tpu.memory_space<semaphore_mem>>)
    %add3A_349 = arith.constant 1024 : i32
    %add3A_350 = arith.addi %mul3A_0, %add3A_349 : i32
    %dma_start3A_351 = arith.constant 0 : i32
    %dma_start3A_352 = tpu.memref_slice %arg11[%add3A_350, %dma_start3A_351] : memref<30720x64xbf16, #tpu.memory_space<vmem_shared>> -> memref<128x64xbf16, #tpu.memory_space<vmem_shared>>
    %dma_start3A_353 = arith.constant 0 : i32
    %dma_start3A_354 = tpu.memref_slice %arg11[%add3A_350, %dma_start3A_353] : memref<30720x64xbf16, #tpu.memory_space<vmem_shared>> -> memref<128x64xbf16, #tpu.memory_space<vmem_shared>>
    tpu.enqueue_dma source(%arg10 : memref<128x64xbf16, #tpu.memory_space<vmem>>) target(%dma_start3A_354 : memref<128x64xbf16, #tpu.memory_space<vmem_shared>>) target_semaphore(%arg14 : memref<!tpu.dma_semaphore, #tpu.memory_space<semaphore_mem>>)
    %add3A_355 = arith.constant 1152 : i32
    %add3A_356 = arith.addi %mul3A_0, %add3A_355 : i32
    %dma_start3A_357 = arith.constant 0 : i32
    %dma_start3A_358 = tpu.memref_slice %arg11[%add3A_356, %dma_start3A_357] : memref<30720x64xbf16, #tpu.memory_space<vmem_shared>> -> memref<128x64xbf16, #tpu.memory_space<vmem_shared>>
    %dma_start3A_359 = arith.constant 0 : i32
    %dma_start3A_360 = tpu.memref_slice %arg11[%add3A_356, %dma_start3A_359] : memref<30720x64xbf16, #tpu.memory_space<vmem_shared>> -> memref<128x64xbf16, #tpu.memory_space<vmem_shared>>
    tpu.enqueue_dma source(%arg10 : memref<128x64xbf16, #tpu.memory_space<vmem>>) target(%dma_start3A_360 : memref<128x64xbf16, #tpu.memory_space<vmem_shared>>) target_semaphore(%arg14 : memref<!tpu.dma_semaphore, #tpu.memory_space<semaphore_mem>>)
    %add3A_361 = arith.constant 1280 : i32
    %add3A_362 = arith.addi %mul3A_0, %add3A_361 : i32
    %dma_start3A_363 = arith.constant 0 : i32
    %dma_start3A_364 = tpu.memref_slice %arg11[%add3A_362, %dma_start3A_363] : memref<30720x64xbf16, #tpu.memory_space<vmem_shared>> -> memref<128x64xbf16, #tpu.memory_space<vmem_shared>>
    %dma_start3A_365 = arith.constant 0 : i32
    %dma_start3A_366 = tpu.memref_slice %arg11[%add3A_362, %dma_start3A_365] : memref<30720x64xbf16, #tpu.memory_space<vmem_shared>> -> memref<128x64xbf16, #tpu.memory_space<vmem_shared>>
    tpu.enqueue_dma source(%arg10 : memref<128x64xbf16, #tpu.memory_space<vmem>>) target(%dma_start3A_366 : memref<128x64xbf16, #tpu.memory_space<vmem_shared>>) target_semaphore(%arg14 : memref<!tpu.dma_semaphore, #tpu.memory_space<semaphore_mem>>)
    %add3A_367 = arith.constant 1408 : i32
    %add3A_368 = arith.addi %mul3A_0, %add3A_367 : i32
    %dma_start3A_369 = arith.constant 0 : i32
    %dma_start3A_370 = tpu.memref_slice %arg11[%add3A_368, %dma_start3A_369] : memref<30720x64xbf16, #tpu.memory_space<vmem_shared>> -> memref<128x64xbf16, #tpu.memory_space<vmem_shared>>
    %dma_start3A_371 = arith.constant 0 : i32
    %dma_start3A_372 = tpu.memref_slice %arg11[%add3A_368, %dma_start3A_371] : memref<30720x64xbf16, #tpu.memory_space<vmem_shared>> -> memref<128x64xbf16, #tpu.memory_space<vmem_shared>>
    tpu.enqueue_dma source(%arg10 : memref<128x64xbf16, #tpu.memory_space<vmem>>) target(%dma_start3A_372 : memref<128x64xbf16, #tpu.memory_space<vmem_shared>>) target_semaphore(%arg14 : memref<!tpu.dma_semaphore, #tpu.memory_space<semaphore_mem>>)
    %add3A_373 = arith.constant 1536 : i32
    %add3A_374 = arith.addi %mul3A_0, %add3A_373 : i32
    %dma_start3A_375 = arith.constant 0 : i32
    %dma_start3A_376 = tpu.memref_slice %arg11[%add3A_374, %dma_start3A_375] : memref<30720x64xbf16, #tpu.memory_space<vmem_shared>> -> memref<128x64xbf16, #tpu.memory_space<vmem_shared>>
    %dma_start3A_377 = arith.constant 0 : i32
    %dma_start3A_378 = tpu.memref_slice %arg11[%add3A_374, %dma_start3A_377] : memref<30720x64xbf16, #tpu.memory_space<vmem_shared>> -> memref<128x64xbf16, #tpu.memory_space<vmem_shared>>
    tpu.enqueue_dma source(%arg10 : memref<128x64xbf16, #tpu.memory_space<vmem>>) target(%dma_start3A_378 : memref<128x64xbf16, #tpu.memory_space<vmem_shared>>) target_semaphore(%arg14 : memref<!tpu.dma_semaphore, #tpu.memory_space<semaphore_mem>>)
    %add3A_379 = arith.constant 1664 : i32
    %add3A_380 = arith.addi %mul3A_0, %add3A_379 : i32
    %dma_start3A_381 = arith.constant 0 : i32
    %dma_start3A_382 = tpu.memref_slice %arg11[%add3A_380, %dma_start3A_381] : memref<30720x64xbf16, #tpu.memory_space<vmem_shared>> -> memref<128x64xbf16, #tpu.memory_space<vmem_shared>>
    %dma_start3A_383 = arith.constant 0 : i32
    %dma_start3A_384 = tpu.memref_slice %arg11[%add3A_380, %dma_start3A_383] : memref<30720x64xbf16, #tpu.memory_space<vmem_shared>> -> memref<128x64xbf16, #tpu.memory_space<vmem_shared>>
    tpu.enqueue_dma source(%arg10 : memref<128x64xbf16, #tpu.memory_space<vmem>>) target(%dma_start3A_384 : memref<128x64xbf16, #tpu.memory_space<vmem_shared>>) target_semaphore(%arg14 : memref<!tpu.dma_semaphore, #tpu.memory_space<semaphore_mem>>)
    %add3A_385 = arith.constant 1792 : i32
    %add3A_386 = arith.addi %mul3A_0, %add3A_385 : i32
    %dma_start3A_387 = arith.constant 0 : i32
    %dma_start3A_388 = tpu.memref_slice %arg11[%add3A_386, %dma_start3A_387] : memref<30720x64xbf16, #tpu.memory_space<vmem_shared>> -> memref<128x64xbf16, #tpu.memory_space<vmem_shared>>
    %dma_start3A_389 = arith.constant 0 : i32
    %dma_start3A_390 = tpu.memref_slice %arg11[%add3A_386, %dma_start3A_389] : memref<30720x64xbf16, #tpu.memory_space<vmem_shared>> -> memref<128x64xbf16, #tpu.memory_space<vmem_shared>>
    tpu.enqueue_dma source(%arg10 : memref<128x64xbf16, #tpu.memory_space<vmem>>) target(%dma_start3A_390 : memref<128x64xbf16, #tpu.memory_space<vmem_shared>>) target_semaphore(%arg14 : memref<!tpu.dma_semaphore, #tpu.memory_space<semaphore_mem>>)
    %dma_wait3A_391 = arith.constant 128 : i32
    %dma_wait3A_392 = arith.constant 0 : i32
    %dma_wait3A_393 = tpu.memref_slice %arg11[%dma_wait3A_391, %dma_wait3A_392] : memref<30720x64xbf16, #tpu.memory_space<vmem_shared>> -> memref<128x64xbf16, #tpu.memory_space<vmem_shared>>
    %dma_wait3A_394 = arith.constant 128 : i32
    %dma_wait3A_395 = arith.constant 0 : i32
    %dma_wait3A_396 = tpu.memref_slice %arg11[%dma_wait3A_394, %dma_wait3A_395] : memref<30720x64xbf16, #tpu.memory_space<vmem_shared>> -> memref<128x64xbf16, #tpu.memory_space<vmem_shared>>
    tpu.wait_dma2 semaphore(%arg14 : memref<!tpu.dma_semaphore, #tpu.memory_space<semaphore_mem>>) src(%arg10 : memref<128x64xbf16, #tpu.memory_space<vmem>>) dst(%dma_wait3A_396 : memref<128x64xbf16, #tpu.memory_space<vmem_shared>>)
    %dma_wait3A_397 = arith.constant 128 : i32
    %dma_wait3A_398 = arith.constant 0 : i32
    %dma_wait3A_399 = tpu.memref_slice %arg11[%dma_wait3A_397, %dma_wait3A_398] : memref<30720x64xbf16, #tpu.memory_space<vmem_shared>> -> memref<128x64xbf16, #tpu.memory_space<vmem_shared>>
    %dma_wait3A_400 = arith.constant 128 : i32
    %dma_wait3A_401 = arith.constant 0 : i32
    %dma_wait3A_402 = tpu.memref_slice %arg11[%dma_wait3A_400, %dma_wait3A_401] : memref<30720x64xbf16, #tpu.memory_space<vmem_shared>> -> memref<128x64xbf16, #tpu.memory_space<vmem_shared>>
    tpu.wait_dma2 semaphore(%arg14 : memref<!tpu.dma_semaphore, #tpu.memory_space<semaphore_mem>>) src(%arg10 : memref<128x64xbf16, #tpu.memory_space<vmem>>) dst(%dma_wait3A_402 : memref<128x64xbf16, #tpu.memory_space<vmem_shared>>)
    %dma_wait3A_403 = arith.constant 128 : i32
    %dma_wait3A_404 = arith.constant 0 : i32
    %dma_wait3A_405 = tpu.memref_slice %arg11[%dma_wait3A_403, %dma_wait3A_404] : memref<30720x64xbf16, #tpu.memory_space<vmem_shared>> -> memref<128x64xbf16, #tpu.memory_space<vmem_shared>>
    %dma_wait3A_406 = arith.constant 128 : i32
    %dma_wait3A_407 = arith.constant 0 : i32
    %dma_wait3A_408 = tpu.memref_slice %arg11[%dma_wait3A_406, %dma_wait3A_407] : memref<30720x64xbf16, #tpu.memory_space<vmem_shared>> -> memref<128x64xbf16, #tpu.memory_space<vmem_shared>>
    tpu.wait_dma2 semaphore(%arg14 : memref<!tpu.dma_semaphore, #tpu.memory_space<semaphore_mem>>) src(%arg10 : memref<128x64xbf16, #tpu.memory_space<vmem>>) dst(%dma_wait3A_408 : memref<128x64xbf16, #tpu.memory_space<vmem_shared>>)
    %dma_wait3A_409 = arith.constant 128 : i32
    %dma_wait3A_410 = arith.constant 0 : i32
    %dma_wait3A_411 = tpu.memref_slice %arg11[%dma_wait3A_409, %dma_wait3A_410] : memref<30720x64xbf16, #tpu.memory_space<vmem_shared>> -> memref<128x64xbf16, #tpu.memory_space<vmem_shared>>
    %dma_wait3A_412 = arith.constant 128 : i32
    %dma_wait3A_413 = arith.constant 0 : i32
    %dma_wait3A_414 = tpu.memref_slice %arg11[%dma_wait3A_412, %dma_wait3A_413] : memref<30720x64xbf16, #tpu.memory_space<vmem_shared>> -> memref<128x64xbf16, #tpu.memory_space<vmem_shared>>
    tpu.wait_dma2 semaphore(%arg14 : memref<!tpu.dma_semaphore, #tpu.memory_space<semaphore_mem>>) src(%arg10 : memref<128x64xbf16, #tpu.memory_space<vmem>>) dst(%dma_wait3A_414 : memref<128x64xbf16, #tpu.memory_space<vmem_shared>>)
    %dma_wait3A_415 = arith.constant 128 : i32
    %dma_wait3A_416 = arith.constant 0 : i32
    %dma_wait3A_417 = tpu.memref_slice %arg11[%dma_wait3A_415, %dma_wait3A_416] : memref<30720x64xbf16, #tpu.memory_space<vmem_shared>> -> memref<128x64xbf16, #tpu.memory_space<vmem_shared>>
    %dma_wait3A_418 = arith.constant 128 : i32
    %dma_wait3A_419 = arith.constant 0 : i32
    %dma_wait3A_420 = tpu.memref_slice %arg11[%dma_wait3A_418, %dma_wait3A_419] : memref<30720x64xbf16, #tpu.memory_space<vmem_shared>> -> memref<128x64xbf16, #tpu.memory_space<vmem_shared>>
    tpu.wait_dma2 semaphore(%arg14 : memref<!tpu.dma_semaphore, #tpu.memory_space<semaphore_mem>>) src(%arg10 : memref<128x64xbf16, #tpu.memory_space<vmem>>) dst(%dma_wait3A_420 : memref<128x64xbf16, #tpu.memory_space<vmem_shared>>)
    %dma_wait3A_421 = arith.constant 128 : i32
    %dma_wait3A_422 = arith.constant 0 : i32
    %dma_wait3A_423 = tpu.memref_slice %arg11[%dma_wait3A_421, %dma_wait3A_422] : memref<30720x64xbf16, #tpu.memory_space<vmem_shared>> -> memref<128x64xbf16, #tpu.memory_space<vmem_shared>>
    %dma_wait3A_424 = arith.constant 128 : i32
    %dma_wait3A_425 = arith.constant 0 : i32
    %dma_wait3A_426 = tpu.memref_slice %arg11[%dma_wait3A_424, %dma_wait3A_425] : memref<30720x64xbf16, #tpu.memory_space<vmem_shared>> -> memref<128x64xbf16, #tpu.memory_space<vmem_shared>>
    tpu.wait_dma2 semaphore(%arg14 : memref<!tpu.dma_semaphore, #tpu.memory_space<semaphore_mem>>) src(%arg10 : memref<128x64xbf16, #tpu.memory_space<vmem>>) dst(%dma_wait3A_426 : memref<128x64xbf16, #tpu.memory_space<vmem_shared>>)
    %dma_wait3A_427 = arith.constant 128 : i32
    %dma_wait3A_428 = arith.constant 0 : i32
    %dma_wait3A_429 = tpu.memref_slice %arg11[%dma_wait3A_427, %dma_wait3A_428] : memref<30720x64xbf16, #tpu.memory_space<vmem_shared>> -> memref<128x64xbf16, #tpu.memory_space<vmem_shared>>
    %dma_wait3A_430 = arith.constant 128 : i32
    %dma_wait3A_431 = arith.constant 0 : i32
    %dma_wait3A_432 = tpu.memref_slice %arg11[%dma_wait3A_430, %dma_wait3A_431] : memref<30720x64xbf16, #tpu.memory_space<vmem_shared>> -> memref<128x64xbf16, #tpu.memory_space<vmem_shared>>
    tpu.wait_dma2 semaphore(%arg14 : memref<!tpu.dma_semaphore, #tpu.memory_space<semaphore_mem>>) src(%arg10 : memref<128x64xbf16, #tpu.memory_space<vmem>>) dst(%dma_wait3A_432 : memref<128x64xbf16, #tpu.memory_space<vmem_shared>>)
    %dma_wait3A_433 = arith.constant 128 : i32
    %dma_wait3A_434 = arith.constant 0 : i32
    %dma_wait3A_435 = tpu.memref_slice %arg11[%dma_wait3A_433, %dma_wait3A_434] : memref<30720x64xbf16, #tpu.memory_space<vmem_shared>> -> memref<128x64xbf16, #tpu.memory_space<vmem_shared>>
    %dma_wait3A_436 = arith.constant 128 : i32
    %dma_wait3A_437 = arith.constant 0 : i32
    %dma_wait3A_438 = tpu.memref_slice %arg11[%dma_wait3A_436, %dma_wait3A_437] : memref<30720x64xbf16, #tpu.memory_space<vmem_shared>> -> memref<128x64xbf16, #tpu.memory_space<vmem_shared>>
    tpu.wait_dma2 semaphore(%arg14 : memref<!tpu.dma_semaphore, #tpu.memory_space<semaphore_mem>>) src(%arg10 : memref<128x64xbf16, #tpu.memory_space<vmem>>) dst(%dma_wait3A_438 : memref<128x64xbf16, #tpu.memory_space<vmem_shared>>)
    %dma_wait3A_439 = arith.constant 128 : i32
    %dma_wait3A_440 = arith.constant 0 : i32
    %dma_wait3A_441 = tpu.memref_slice %arg11[%dma_wait3A_439, %dma_wait3A_440] : memref<30720x64xbf16, #tpu.memory_space<vmem_shared>> -> memref<128x64xbf16, #tpu.memory_space<vmem_shared>>
    %dma_wait3A_442 = arith.constant 128 : i32
    %dma_wait3A_443 = arith.constant 0 : i32
    %dma_wait3A_444 = tpu.memref_slice %arg11[%dma_wait3A_442, %dma_wait3A_443] : memref<30720x64xbf16, #tpu.memory_space<vmem_shared>> -> memref<128x64xbf16, #tpu.memory_space<vmem_shared>>
    tpu.wait_dma2 semaphore(%arg14 : memref<!tpu.dma_semaphore, #tpu.memory_space<semaphore_mem>>) src(%arg10 : memref<128x64xbf16, #tpu.memory_space<vmem>>) dst(%dma_wait3A_444 : memref<128x64xbf16, #tpu.memory_space<vmem_shared>>)
    %dma_wait3A_445 = arith.constant 128 : i32
    %dma_wait3A_446 = arith.constant 0 : i32
    %dma_wait3A_447 = tpu.memref_slice %arg11[%dma_wait3A_445, %dma_wait3A_446] : memref<30720x64xbf16, #tpu.memory_space<vmem_shared>> -> memref<128x64xbf16, #tpu.memory_space<vmem_shared>>
    %dma_wait3A_448 = arith.constant 128 : i32
    %dma_wait3A_449 = arith.constant 0 : i32
    %dma_wait3A_450 = tpu.memref_slice %arg11[%dma_wait3A_448, %dma_wait3A_449] : memref<30720x64xbf16, #tpu.memory_space<vmem_shared>> -> memref<128x64xbf16, #tpu.memory_space<vmem_shared>>
    tpu.wait_dma2 semaphore(%arg14 : memref<!tpu.dma_semaphore, #tpu.memory_space<semaphore_mem>>) src(%arg10 : memref<128x64xbf16, #tpu.memory_space<vmem>>) dst(%dma_wait3A_450 : memref<128x64xbf16, #tpu.memory_space<vmem_shared>>)
    %dma_wait3A_451 = arith.constant 128 : i32
    %dma_wait3A_452 = arith.constant 0 : i32
    %dma_wait3A_453 = tpu.memref_slice %arg11[%dma_wait3A_451, %dma_wait3A_452] : memref<30720x64xbf16, #tpu.memory_space<vmem_shared>> -> memref<128x64xbf16, #tpu.memory_space<vmem_shared>>
    %dma_wait3A_454 = arith.constant 128 : i32
    %dma_wait3A_455 = arith.constant 0 : i32
    %dma_wait3A_456 = tpu.memref_slice %arg11[%dma_wait3A_454, %dma_wait3A_455] : memref<30720x64xbf16, #tpu.memory_space<vmem_shared>> -> memref<128x64xbf16, #tpu.memory_space<vmem_shared>>
    tpu.wait_dma2 semaphore(%arg14 : memref<!tpu.dma_semaphore, #tpu.memory_space<semaphore_mem>>) src(%arg10 : memref<128x64xbf16, #tpu.memory_space<vmem>>) dst(%dma_wait3A_456 : memref<128x64xbf16, #tpu.memory_space<vmem_shared>>)
    %dma_wait3A_457 = arith.constant 128 : i32
    %dma_wait3A_458 = arith.constant 0 : i32
    %dma_wait3A_459 = tpu.memref_slice %arg11[%dma_wait3A_457, %dma_wait3A_458] : memref<30720x64xbf16, #tpu.memory_space<vmem_shared>> -> memref<128x64xbf16, #tpu.memory_space<vmem_shared>>
    %dma_wait3A_460 = arith.constant 128 : i32
    %dma_wait3A_461 = arith.constant 0 : i32
    %dma_wait3A_462 = tpu.memref_slice %arg11[%dma_wait3A_460, %dma_wait3A_461] : memref<30720x64xbf16, #tpu.memory_space<vmem_shared>> -> memref<128x64xbf16, #tpu.memory_space<vmem_shared>>
    tpu.wait_dma2 semaphore(%arg14 : memref<!tpu.dma_semaphore, #tpu.memory_space<semaphore_mem>>) src(%arg10 : memref<128x64xbf16, #tpu.memory_space<vmem>>) dst(%dma_wait3A_462 : memref<128x64xbf16, #tpu.memory_space<vmem_shared>>)
    %dma_wait3A_463 = arith.constant 128 : i32
    %dma_wait3A_464 = arith.constant 0 : i32
    %dma_wait3A_465 = tpu.memref_slice %arg11[%dma_wait3A_463, %dma_wait3A_464] : memref<30720x64xbf16, #tpu.memory_space<vmem_shared>> -> memref<128x64xbf16, #tpu.memory_space<vmem_shared>>
    %dma_wait3A_466 = arith.constant 128 : i32
    %dma_wait3A_467 = arith.constant 0 : i32
    %dma_wait3A_468 = tpu.memref_slice %arg11[%dma_wait3A_466, %dma_wait3A_467] : memref<30720x64xbf16, #tpu.memory_space<vmem_shared>> -> memref<128x64xbf16, #tpu.memory_space<vmem_shared>>
    tpu.wait_dma2 semaphore(%arg14 : memref<!tpu.dma_semaphore, #tpu.memory_space<semaphore_mem>>) src(%arg10 : memref<128x64xbf16, #tpu.memory_space<vmem>>) dst(%dma_wait3A_468 : memref<128x64xbf16, #tpu.memory_space<vmem_shared>>)
    %dma_wait3A_469 = arith.constant 128 : i32
    %dma_wait3A_470 = arith.constant 0 : i32
    %dma_wait3A_471 = tpu.memref_slice %arg11[%dma_wait3A_469, %dma_wait3A_470] : memref<30720x64xbf16, #tpu.memory_space<vmem_shared>> -> memref<128x64xbf16, #tpu.memory_space<vmem_shared>>
    %dma_wait3A_472 = arith.constant 128 : i32
    %dma_wait3A_473 = arith.constant 0 : i32
    %dma_wait3A_474 = tpu.memref_slice %arg11[%dma_wait3A_472, %dma_wait3A_473] : memref<30720x64xbf16, #tpu.memory_space<vmem_shared>> -> memref<128x64xbf16, #tpu.memory_space<vmem_shared>>
    tpu.wait_dma2 semaphore(%arg14 : memref<!tpu.dma_semaphore, #tpu.memory_space<semaphore_mem>>) src(%arg10 : memref<128x64xbf16, #tpu.memory_space<vmem>>) dst(%dma_wait3A_474 : memref<128x64xbf16, #tpu.memory_space<vmem_shared>>)
    %dma_wait3A_475 = arith.constant 128 : i32
    %dma_wait3A_476 = arith.constant 0 : i32
    %dma_wait3A_477 = tpu.memref_slice %arg11[%dma_wait3A_475, %dma_wait3A_476] : memref<30720x64xbf16, #tpu.memory_space<vmem_shared>> -> memref<128x64xbf16, #tpu.memory_space<vmem_shared>>
    %dma_wait3A_478 = arith.constant 128 : i32
    %dma_wait3A_479 = arith.constant 0 : i32
    %dma_wait3A_480 = tpu.memref_slice %arg11[%dma_wait3A_478, %dma_wait3A_479] : memref<30720x64xbf16, #tpu.memory_space<vmem_shared>> -> memref<128x64xbf16, #tpu.memory_space<vmem_shared>>
    tpu.wait_dma2 semaphore(%arg14 : memref<!tpu.dma_semaphore, #tpu.memory_space<semaphore_mem>>) src(%arg10 : memref<128x64xbf16, #tpu.memory_space<vmem>>) dst(%dma_wait3A_480 : memref<128x64xbf16, #tpu.memory_space<vmem_shared>>)
    %barrier3A_481 = arith.constant 0 : index
    tpu.barrier barrier_id(%barrier3A_481)
    %scan3A_482 = arith.constant 0 : i32
    %scan3A_483 = arith.constant 20 : i32
    %scan3A_484 = arith.addi %scan3A_482, %scan3A_483 : i32
    %scan3A_485 = arith.constant 1 : i32
    scf.for %scan3A_528 = %scan3A_482 to %scan3A_484 step %scan3A_485  : i32 {
      %mul3A_529 = arith.constant 1 : i32
      %mul3A_530 = arith.muli %scan3A_528, %mul3A_529 : i32
      %add3A_531 = arith.constant 0 : i32
      %add3A_532 = arith.addi %add3A_531, %mul3A_530 : i32
      %mul3A_533 = arith.constant 4 : i32
      %mul3A_534 = arith.muli %mul3A_533, %add3A_532 : i32
      %add3A_535 = arith.constant 0 : i32
      %add3A_536 = arith.addi %mul3A_534, %add3A_535 : i32
      %dma_wait3A_537 = arith.constant 0 : i32
      %dma_wait3A_538 = arith.constant 0 : i32
      %dma_wait3A_539 = arith.constant 0 : i32
      %dma_wait3A_540 = arith.constant 0 : i32
      %dma_wait3A_541 = tpu.memref_slice %arg9[%dma_wait3A_537, %dma_wait3A_539, %dma_wait3A_540] : memref<4x128x64xbf16, #tpu.memory_space<vmem>> -> memref<1x128x64xbf16, #tpu.memory_space<vmem>>
      %dma_wait3A_542 = tpu.memref_squeeze %dma_wait3A_541 : memref<1x128x64xbf16, #tpu.memory_space<vmem>> -> memref<128x64xbf16, #tpu.memory_space<vmem>>
      %dma_wait3A_543 = arith.constant 0 : i32
      %dma_wait3A_544 = tpu.memref_slice %arg7[%add3A_536, %dma_wait3A_543] : memref<80x128xi32, #tpu.memory_space<vmem>> -> memref<1x128xi32, #tpu.memory_space<vmem>>
      %dma_wait3A_545 = tpu.memref_squeeze %dma_wait3A_544 : memref<1x128xi32, #tpu.memory_space<vmem>> -> memref<128xi32, #tpu.memory_space<vmem>>
      %dma_wait3A_546 = arith.constant 0 : i32
      %dma_wait3A_547 = arith.constant 0 : i32
      %dma_wait3A_548 = tpu.memref_slice %arg2[%dma_wait3A_546, %dma_wait3A_547] : memref<40000x64xbf16, #tpu.memory_space<hbm>> -> memref<40000x64xbf16, #tpu.memory_space<hbm>>
      %dma_wait3A_549 = tpu.memref_slice %arg12[%dma_wait3A_538] : memref<4x!tpu.dma_semaphore, #tpu.memory_space<semaphore_mem>> -> memref<1x!tpu.dma_semaphore, #tpu.memory_space<semaphore_mem>>
      %dma_wait3A_550 = tpu.memref_squeeze %dma_wait3A_549 : memref<1x!tpu.dma_semaphore, #tpu.memory_space<semaphore_mem>> -> memref<!tpu.dma_semaphore, #tpu.memory_space<semaphore_mem>>
      tpu.wait_indirect_dma semaphore(%dma_wait3A_550 : memref<!tpu.dma_semaphore, #tpu.memory_space<semaphore_mem>>) src(%dma_wait3A_548 : memref<40000x64xbf16, #tpu.memory_space<hbm>>) dst(%dma_wait3A_542 : memref<128x64xbf16, #tpu.memory_space<vmem>>)
      %dma_start3A_551 = arith.constant 0 : i32
      %dma_start3A_552 = arith.constant 0 : i32
      %dma_start3A_553 = arith.constant 0 : i32
      %dma_start3A_554 = arith.constant 0 : i32
      %dma_start3A_555 = tpu.memref_slice %arg9[%dma_start3A_551, %dma_start3A_553, %dma_start3A_554] : memref<4x128x64xbf16, #tpu.memory_space<vmem>> -> memref<1x128x64xbf16, #tpu.memory_space<vmem>>
      %dma_start3A_556 = tpu.memref_squeeze %dma_start3A_555 : memref<1x128x64xbf16, #tpu.memory_space<vmem>> -> memref<128x64xbf16, #tpu.memory_space<vmem>>
      %dma_start3A_557 = arith.constant 0 : i32
      %dma_start3A_558 = tpu.memref_slice %arg8[%add3A_536, %dma_start3A_557] : memref<80x128xi32, #tpu.memory_space<vmem>> -> memref<1x128xi32, #tpu.memory_space<vmem>>
      %dma_start3A_559 = tpu.memref_squeeze %dma_start3A_558 : memref<1x128xi32, #tpu.memory_space<vmem>> -> memref<128xi32, #tpu.memory_space<vmem>>
      %dma_start3A_560 = arith.constant 0 : i32
      %dma_start3A_561 = arith.constant 0 : i32
      %dma_start3A_562 = tpu.memref_slice %arg11[%dma_start3A_560, %dma_start3A_561] : memref<30720x64xbf16, #tpu.memory_space<vmem_shared>> -> memref<30720x64xbf16, #tpu.memory_space<vmem_shared>>
      %dma_start3A_563 = tpu.memref_slice %arg13[%dma_start3A_552] : memref<4x!tpu.dma_semaphore, #tpu.memory_space<semaphore_mem>> -> memref<1x!tpu.dma_semaphore, #tpu.memory_space<semaphore_mem>>
      %dma_start3A_564 = tpu.memref_squeeze %dma_start3A_563 : memref<1x!tpu.dma_semaphore, #tpu.memory_space<semaphore_mem>> -> memref<!tpu.dma_semaphore, #tpu.memory_space<semaphore_mem>>
      tpu.enqueue_indirect_dma source(%dma_start3A_556 : memref<128x64xbf16, #tpu.memory_space<vmem>>) target(%dma_start3A_562 : memref<30720x64xbf16, #tpu.memory_space<vmem_shared>>) offsets(%dma_start3A_559 : memref<128xi32, #tpu.memory_space<vmem>>) semaphore(%dma_start3A_564 : memref<!tpu.dma_semaphore, #tpu.memory_space<semaphore_mem>>) {add = true}
      %ge3A = arith.constant 2 : i32
      %ge3A_565 = arith.cmpi sge, %add3A_536, %ge3A : i32
      %convert_element_type3A_566 = arith.extui %ge3A_565 : i1 to i32
      %cond3A_567 = arith.constant 0 : i32
      %cond3A_568 = arith.cmpi ne, %convert_element_type3A_566, %cond3A_567 : i32
      scf.if %cond3A_568 {
        %sub3A = arith.constant 2 : i32
        %sub3A_707 = arith.subi %add3A_536, %sub3A : i32
        %dma_wait3A_708 = arith.constant 2 : i32
        %dma_wait3A_709 = arith.constant 2 : i32
        %dma_wait3A_710 = arith.constant 0 : i32
        %dma_wait3A_711 = arith.constant 0 : i32
        %dma_wait3A_712 = tpu.memref_slice %arg9[%dma_wait3A_708, %dma_wait3A_710, %dma_wait3A_711] : memref<4x128x64xbf16, #tpu.memory_space<vmem>> -> memref<1x128x64xbf16, #tpu.memory_space<vmem>>
        %dma_wait3A_713 = tpu.memref_squeeze %dma_wait3A_712 : memref<1x128x64xbf16, #tpu.memory_space<vmem>> -> memref<128x64xbf16, #tpu.memory_space<vmem>>
        %dma_wait3A_714 = arith.constant 0 : i32
        %dma_wait3A_715 = tpu.memref_slice %arg8[%sub3A_707, %dma_wait3A_714] : memref<80x128xi32, #tpu.memory_space<vmem>> -> memref<1x128xi32, #tpu.memory_space<vmem>>
        %dma_wait3A_716 = tpu.memref_squeeze %dma_wait3A_715 : memref<1x128xi32, #tpu.memory_space<vmem>> -> memref<128xi32, #tpu.memory_space<vmem>>
        %dma_wait3A_717 = arith.constant 0 : i32
        %dma_wait3A_718 = arith.constant 0 : i32
        %dma_wait3A_719 = tpu.memref_slice %arg11[%dma_wait3A_717, %dma_wait3A_718] : memref<30720x64xbf16, #tpu.memory_space<vmem_shared>> -> memref<30720x64xbf16, #tpu.memory_space<vmem_shared>>
        %dma_wait3A_720 = tpu.memref_slice %arg13[%dma_wait3A_709] : memref<4x!tpu.dma_semaphore, #tpu.memory_space<semaphore_mem>> -> memref<1x!tpu.dma_semaphore, #tpu.memory_space<semaphore_mem>>
        %dma_wait3A_721 = tpu.memref_squeeze %dma_wait3A_720 : memref<1x!tpu.dma_semaphore, #tpu.memory_space<semaphore_mem>> -> memref<!tpu.dma_semaphore, #tpu.memory_space<semaphore_mem>>
        tpu.wait_indirect_dma semaphore(%dma_wait3A_721 : memref<!tpu.dma_semaphore, #tpu.memory_space<semaphore_mem>>) src(%dma_wait3A_713 : memref<128x64xbf16, #tpu.memory_space<vmem>>) dst(%dma_wait3A_719 : memref<30720x64xbf16, #tpu.memory_space<vmem_shared>>)
      } else {
      }
      %add3A_569 = arith.constant 2 : i32
      %add3A_570 = arith.addi %add3A_536, %add3A_569 : i32
      %lt3A = arith.constant 80 : i32
      %lt3A_571 = arith.cmpi slt, %add3A_570, %lt3A : i32
      %convert_element_type3A_572 = arith.extui %lt3A_571 : i1 to i32
      %cond3A_573 = arith.constant 0 : i32
      %cond3A_574 = arith.cmpi ne, %convert_element_type3A_572, %cond3A_573 : i32
      scf.if %cond3A_574 {
        %add3A_707 = arith.constant 2 : i32
        %add3A_708 = arith.addi %add3A_536, %add3A_707 : i32
        %dma_start3A_709 = arith.constant 2 : i32
        %dma_start3A_710 = arith.constant 2 : i32
        %dma_start3A_711 = arith.constant 0 : i32
        %dma_start3A_712 = arith.constant 0 : i32
        %dma_start3A_713 = tpu.memref_slice %arg9[%dma_start3A_709, %dma_start3A_711, %dma_start3A_712] : memref<4x128x64xbf16, #tpu.memory_space<vmem>> -> memref<1x128x64xbf16, #tpu.memory_space<vmem>>
        %dma_start3A_714 = tpu.memref_squeeze %dma_start3A_713 : memref<1x128x64xbf16, #tpu.memory_space<vmem>> -> memref<128x64xbf16, #tpu.memory_space<vmem>>
        %dma_start3A_715 = arith.constant 0 : i32
        %dma_start3A_716 = tpu.memref_slice %arg7[%add3A_708, %dma_start3A_715] : memref<80x128xi32, #tpu.memory_space<vmem>> -> memref<1x128xi32, #tpu.memory_space<vmem>>
        %dma_start3A_717 = tpu.memref_squeeze %dma_start3A_716 : memref<1x128xi32, #tpu.memory_space<vmem>> -> memref<128xi32, #tpu.memory_space<vmem>>
        %dma_start3A_718 = arith.constant 0 : i32
        %dma_start3A_719 = arith.constant 0 : i32
        %dma_start3A_720 = tpu.memref_slice %arg2[%dma_start3A_718, %dma_start3A_719] : memref<40000x64xbf16, #tpu.memory_space<hbm>> -> memref<40000x64xbf16, #tpu.memory_space<hbm>>
        %dma_start3A_721 = tpu.memref_slice %arg12[%dma_start3A_710] : memref<4x!tpu.dma_semaphore, #tpu.memory_space<semaphore_mem>> -> memref<1x!tpu.dma_semaphore, #tpu.memory_space<semaphore_mem>>
        %dma_start3A_722 = tpu.memref_squeeze %dma_start3A_721 : memref<1x!tpu.dma_semaphore, #tpu.memory_space<semaphore_mem>> -> memref<!tpu.dma_semaphore, #tpu.memory_space<semaphore_mem>>
        tpu.enqueue_indirect_dma source(%dma_start3A_720 : memref<40000x64xbf16, #tpu.memory_space<hbm>>) target(%dma_start3A_714 : memref<128x64xbf16, #tpu.memory_space<vmem>>) offsets(%dma_start3A_717 : memref<128xi32, #tpu.memory_space<vmem>>) semaphore(%dma_start3A_722 : memref<!tpu.dma_semaphore, #tpu.memory_space<semaphore_mem>>)
      } else {
      }
      %mul3A_575 = arith.constant 4 : i32
      %mul3A_576 = arith.muli %mul3A_575, %add3A_532 : i32
      %add3A_577 = arith.constant 1 : i32
      %add3A_578 = arith.addi %mul3A_576, %add3A_577 : i32
      %dma_wait3A_579 = arith.constant 1 : i32
      %dma_wait3A_580 = arith.constant 1 : i32
      %dma_wait3A_581 = arith.constant 0 : i32
      %dma_wait3A_582 = arith.constant 0 : i32
      %dma_wait3A_583 = tpu.memref_slice %arg9[%dma_wait3A_579, %dma_wait3A_581, %dma_wait3A_582] : memref<4x128x64xbf16, #tpu.memory_space<vmem>> -> memref<1x128x64xbf16, #tpu.memory_space<vmem>>
      %dma_wait3A_584 = tpu.memref_squeeze %dma_wait3A_583 : memref<1x128x64xbf16, #tpu.memory_space<vmem>> -> memref<128x64xbf16, #tpu.memory_space<vmem>>
      %dma_wait3A_585 = arith.constant 0 : i32
      %dma_wait3A_586 = tpu.memref_slice %arg7[%add3A_578, %dma_wait3A_585] : memref<80x128xi32, #tpu.memory_space<vmem>> -> memref<1x128xi32, #tpu.memory_space<vmem>>
      %dma_wait3A_587 = tpu.memref_squeeze %dma_wait3A_586 : memref<1x128xi32, #tpu.memory_space<vmem>> -> memref<128xi32, #tpu.memory_space<vmem>>
      %dma_wait3A_588 = arith.constant 0 : i32
      %dma_wait3A_589 = arith.constant 0 : i32
      %dma_wait3A_590 = tpu.memref_slice %arg2[%dma_wait3A_588, %dma_wait3A_589] : memref<40000x64xbf16, #tpu.memory_space<hbm>> -> memref<40000x64xbf16, #tpu.memory_space<hbm>>
      %dma_wait3A_591 = tpu.memref_slice %arg12[%dma_wait3A_580] : memref<4x!tpu.dma_semaphore, #tpu.memory_space<semaphore_mem>> -> memref<1x!tpu.dma_semaphore, #tpu.memory_space<semaphore_mem>>
      %dma_wait3A_592 = tpu.memref_squeeze %dma_wait3A_591 : memref<1x!tpu.dma_semaphore, #tpu.memory_space<semaphore_mem>> -> memref<!tpu.dma_semaphore, #tpu.memory_space<semaphore_mem>>
      tpu.wait_indirect_dma semaphore(%dma_wait3A_592 : memref<!tpu.dma_semaphore, #tpu.memory_space<semaphore_mem>>) src(%dma_wait3A_590 : memref<40000x64xbf16, #tpu.memory_space<hbm>>) dst(%dma_wait3A_584 : memref<128x64xbf16, #tpu.memory_space<vmem>>)
      %dma_start3A_593 = arith.constant 1 : i32
      %dma_start3A_594 = arith.constant 1 : i32
      %dma_start3A_595 = arith.constant 0 : i32
      %dma_start3A_596 = arith.constant 0 : i32
      %dma_start3A_597 = tpu.memref_slice %arg9[%dma_start3A_593, %dma_start3A_595, %dma_start3A_596] : memref<4x128x64xbf16, #tpu.memory_space<vmem>> -> memref<1x128x64xbf16, #tpu.memory_space<vmem>>
      %dma_start3A_598 = tpu.memref_squeeze %dma_start3A_597 : memref<1x128x64xbf16, #tpu.memory_space<vmem>> -> memref<128x64xbf16, #tpu.memory_space<vmem>>
      %dma_start3A_599 = arith.constant 0 : i32
      %dma_start3A_600 = tpu.memref_slice %arg8[%add3A_578, %dma_start3A_599] : memref<80x128xi32, #tpu.memory_space<vmem>> -> memref<1x128xi32, #tpu.memory_space<vmem>>
      %dma_start3A_601 = tpu.memref_squeeze %dma_start3A_600 : memref<1x128xi32, #tpu.memory_space<vmem>> -> memref<128xi32, #tpu.memory_space<vmem>>
      %dma_start3A_602 = arith.constant 0 : i32
      %dma_start3A_603 = arith.constant 0 : i32
      %dma_start3A_604 = tpu.memref_slice %arg11[%dma_start3A_602, %dma_start3A_603] : memref<30720x64xbf16, #tpu.memory_space<vmem_shared>> -> memref<30720x64xbf16, #tpu.memory_space<vmem_shared>>
      %dma_start3A_605 = tpu.memref_slice %arg13[%dma_start3A_594] : memref<4x!tpu.dma_semaphore, #tpu.memory_space<semaphore_mem>> -> memref<1x!tpu.dma_semaphore, #tpu.memory_space<semaphore_mem>>
      %dma_start3A_606 = tpu.memref_squeeze %dma_start3A_605 : memref<1x!tpu.dma_semaphore, #tpu.memory_space<semaphore_mem>> -> memref<!tpu.dma_semaphore, #tpu.memory_space<semaphore_mem>>
      tpu.enqueue_indirect_dma source(%dma_start3A_598 : memref<128x64xbf16, #tpu.memory_space<vmem>>) target(%dma_start3A_604 : memref<30720x64xbf16, #tpu.memory_space<vmem_shared>>) offsets(%dma_start3A_601 : memref<128xi32, #tpu.memory_space<vmem>>) semaphore(%dma_start3A_606 : memref<!tpu.dma_semaphore, #tpu.memory_space<semaphore_mem>>) {add = true}
      %ge3A_607 = arith.constant 2 : i32
      %ge3A_608 = arith.cmpi sge, %add3A_578, %ge3A_607 : i32
      %convert_element_type3A_609 = arith.extui %ge3A_608 : i1 to i32
      %cond3A_610 = arith.constant 0 : i32
      %cond3A_611 = arith.cmpi ne, %convert_element_type3A_609, %cond3A_610 : i32
      scf.if %cond3A_611 {
        %sub3A = arith.constant 2 : i32
        %sub3A_707 = arith.subi %add3A_578, %sub3A : i32
        %dma_wait3A_708 = arith.constant 3 : i32
        %dma_wait3A_709 = arith.constant 3 : i32
        %dma_wait3A_710 = arith.constant 0 : i32
        %dma_wait3A_711 = arith.constant 0 : i32
        %dma_wait3A_712 = tpu.memref_slice %arg9[%dma_wait3A_708, %dma_wait3A_710, %dma_wait3A_711] : memref<4x128x64xbf16, #tpu.memory_space<vmem>> -> memref<1x128x64xbf16, #tpu.memory_space<vmem>>
        %dma_wait3A_713 = tpu.memref_squeeze %dma_wait3A_712 : memref<1x128x64xbf16, #tpu.memory_space<vmem>> -> memref<128x64xbf16, #tpu.memory_space<vmem>>
        %dma_wait3A_714 = arith.constant 0 : i32
        %dma_wait3A_715 = tpu.memref_slice %arg8[%sub3A_707, %dma_wait3A_714] : memref<80x128xi32, #tpu.memory_space<vmem>> -> memref<1x128xi32, #tpu.memory_space<vmem>>
        %dma_wait3A_716 = tpu.memref_squeeze %dma_wait3A_715 : memref<1x128xi32, #tpu.memory_space<vmem>> -> memref<128xi32, #tpu.memory_space<vmem>>
        %dma_wait3A_717 = arith.constant 0 : i32
        %dma_wait3A_718 = arith.constant 0 : i32
        %dma_wait3A_719 = tpu.memref_slice %arg11[%dma_wait3A_717, %dma_wait3A_718] : memref<30720x64xbf16, #tpu.memory_space<vmem_shared>> -> memref<30720x64xbf16, #tpu.memory_space<vmem_shared>>
        %dma_wait3A_720 = tpu.memref_slice %arg13[%dma_wait3A_709] : memref<4x!tpu.dma_semaphore, #tpu.memory_space<semaphore_mem>> -> memref<1x!tpu.dma_semaphore, #tpu.memory_space<semaphore_mem>>
        %dma_wait3A_721 = tpu.memref_squeeze %dma_wait3A_720 : memref<1x!tpu.dma_semaphore, #tpu.memory_space<semaphore_mem>> -> memref<!tpu.dma_semaphore, #tpu.memory_space<semaphore_mem>>
        tpu.wait_indirect_dma semaphore(%dma_wait3A_721 : memref<!tpu.dma_semaphore, #tpu.memory_space<semaphore_mem>>) src(%dma_wait3A_713 : memref<128x64xbf16, #tpu.memory_space<vmem>>) dst(%dma_wait3A_719 : memref<30720x64xbf16, #tpu.memory_space<vmem_shared>>)
      } else {
      }
      %add3A_612 = arith.constant 2 : i32
      %add3A_613 = arith.addi %add3A_578, %add3A_612 : i32
      %lt3A_614 = arith.constant 80 : i32
      %lt3A_615 = arith.cmpi slt, %add3A_613, %lt3A_614 : i32
      %convert_element_type3A_616 = arith.extui %lt3A_615 : i1 to i32
      %cond3A_617 = arith.constant 0 : i32
      %cond3A_618 = arith.cmpi ne, %convert_element_type3A_616, %cond3A_617 : i32
      scf.if %cond3A_618 {
        %add3A_707 = arith.constant 2 : i32
        %add3A_708 = arith.addi %add3A_578, %add3A_707 : i32
        %dma_start3A_709 = arith.constant 3 : i32
        %dma_start3A_710 = arith.constant 3 : i32
        %dma_start3A_711 = arith.constant 0 : i32
        %dma_start3A_712 = arith.constant 0 : i32
        %dma_start3A_713 = tpu.memref_slice %arg9[%dma_start3A_709, %dma_start3A_711, %dma_start3A_712] : memref<4x128x64xbf16, #tpu.memory_space<vmem>> -> memref<1x128x64xbf16, #tpu.memory_space<vmem>>
        %dma_start3A_714 = tpu.memref_squeeze %dma_start3A_713 : memref<1x128x64xbf16, #tpu.memory_space<vmem>> -> memref<128x64xbf16, #tpu.memory_space<vmem>>
        %dma_start3A_715 = arith.constant 0 : i32
        %dma_start3A_716 = tpu.memref_slice %arg7[%add3A_708, %dma_start3A_715] : memref<80x128xi32, #tpu.memory_space<vmem>> -> memref<1x128xi32, #tpu.memory_space<vmem>>
        %dma_start3A_717 = tpu.memref_squeeze %dma_start3A_716 : memref<1x128xi32, #tpu.memory_space<vmem>> -> memref<128xi32, #tpu.memory_space<vmem>>
        %dma_start3A_718 = arith.constant 0 : i32
        %dma_start3A_719 = arith.constant 0 : i32
        %dma_start3A_720 = tpu.memref_slice %arg2[%dma_start3A_718, %dma_start3A_719] : memref<40000x64xbf16, #tpu.memory_space<hbm>> -> memref<40000x64xbf16, #tpu.memory_space<hbm>>
        %dma_start3A_721 = tpu.memref_slice %arg12[%dma_start3A_710] : memref<4x!tpu.dma_semaphore, #tpu.memory_space<semaphore_mem>> -> memref<1x!tpu.dma_semaphore, #tpu.memory_space<semaphore_mem>>
        %dma_start3A_722 = tpu.memref_squeeze %dma_start3A_721 : memref<1x!tpu.dma_semaphore, #tpu.memory_space<semaphore_mem>> -> memref<!tpu.dma_semaphore, #tpu.memory_space<semaphore_mem>>
        tpu.enqueue_indirect_dma source(%dma_start3A_720 : memref<40000x64xbf16, #tpu.memory_space<hbm>>) target(%dma_start3A_714 : memref<128x64xbf16, #tpu.memory_space<vmem>>) offsets(%dma_start3A_717 : memref<128xi32, #tpu.memory_space<vmem>>) semaphore(%dma_start3A_722 : memref<!tpu.dma_semaphore, #tpu.memory_space<semaphore_mem>>)
      } else {
      }
      %mul3A_619 = arith.constant 4 : i32
      %mul3A_620 = arith.muli %mul3A_619, %add3A_532 : i32
      %add3A_621 = arith.constant 2 : i32
      %add3A_622 = arith.addi %mul3A_620, %add3A_621 : i32
      %dma_wait3A_623 = arith.constant 2 : i32
      %dma_wait3A_624 = arith.constant 2 : i32
      %dma_wait3A_625 = arith.constant 0 : i32
      %dma_wait3A_626 = arith.constant 0 : i32
      %dma_wait3A_627 = tpu.memref_slice %arg9[%dma_wait3A_623, %dma_wait3A_625, %dma_wait3A_626] : memref<4x128x64xbf16, #tpu.memory_space<vmem>> -> memref<1x128x64xbf16, #tpu.memory_space<vmem>>
      %dma_wait3A_628 = tpu.memref_squeeze %dma_wait3A_627 : memref<1x128x64xbf16, #tpu.memory_space<vmem>> -> memref<128x64xbf16, #tpu.memory_space<vmem>>
      %dma_wait3A_629 = arith.constant 0 : i32
      %dma_wait3A_630 = tpu.memref_slice %arg7[%add3A_622, %dma_wait3A_629] : memref<80x128xi32, #tpu.memory_space<vmem>> -> memref<1x128xi32, #tpu.memory_space<vmem>>
      %dma_wait3A_631 = tpu.memref_squeeze %dma_wait3A_630 : memref<1x128xi32, #tpu.memory_space<vmem>> -> memref<128xi32, #tpu.memory_space<vmem>>
      %dma_wait3A_632 = arith.constant 0 : i32
      %dma_wait3A_633 = arith.constant 0 : i32
      %dma_wait3A_634 = tpu.memref_slice %arg2[%dma_wait3A_632, %dma_wait3A_633] : memref<40000x64xbf16, #tpu.memory_space<hbm>> -> memref<40000x64xbf16, #tpu.memory_space<hbm>>
      %dma_wait3A_635 = tpu.memref_slice %arg12[%dma_wait3A_624] : memref<4x!tpu.dma_semaphore, #tpu.memory_space<semaphore_mem>> -> memref<1x!tpu.dma_semaphore, #tpu.memory_space<semaphore_mem>>
      %dma_wait3A_636 = tpu.memref_squeeze %dma_wait3A_635 : memref<1x!tpu.dma_semaphore, #tpu.memory_space<semaphore_mem>> -> memref<!tpu.dma_semaphore, #tpu.memory_space<semaphore_mem>>
      tpu.wait_indirect_dma semaphore(%dma_wait3A_636 : memref<!tpu.dma_semaphore, #tpu.memory_space<semaphore_mem>>) src(%dma_wait3A_634 : memref<40000x64xbf16, #tpu.memory_space<hbm>>) dst(%dma_wait3A_628 : memref<128x64xbf16, #tpu.memory_space<vmem>>)
      %dma_start3A_637 = arith.constant 2 : i32
      %dma_start3A_638 = arith.constant 2 : i32
      %dma_start3A_639 = arith.constant 0 : i32
      %dma_start3A_640 = arith.constant 0 : i32
      %dma_start3A_641 = tpu.memref_slice %arg9[%dma_start3A_637, %dma_start3A_639, %dma_start3A_640] : memref<4x128x64xbf16, #tpu.memory_space<vmem>> -> memref<1x128x64xbf16, #tpu.memory_space<vmem>>
      %dma_start3A_642 = tpu.memref_squeeze %dma_start3A_641 : memref<1x128x64xbf16, #tpu.memory_space<vmem>> -> memref<128x64xbf16, #tpu.memory_space<vmem>>
      %dma_start3A_643 = arith.constant 0 : i32
      %dma_start3A_644 = tpu.memref_slice %arg8[%add3A_622, %dma_start3A_643] : memref<80x128xi32, #tpu.memory_space<vmem>> -> memref<1x128xi32, #tpu.memory_space<vmem>>
      %dma_start3A_645 = tpu.memref_squeeze %dma_start3A_644 : memref<1x128xi32, #tpu.memory_space<vmem>> -> memref<128xi32, #tpu.memory_space<vmem>>
      %dma_start3A_646 = arith.constant 0 : i32
      %dma_start3A_647 = arith.constant 0 : i32
      %dma_start3A_648 = tpu.memref_slice %arg11[%dma_start3A_646, %dma_start3A_647] : memref<30720x64xbf16, #tpu.memory_space<vmem_shared>> -> memref<30720x64xbf16, #tpu.memory_space<vmem_shared>>
      %dma_start3A_649 = tpu.memref_slice %arg13[%dma_start3A_638] : memref<4x!tpu.dma_semaphore, #tpu.memory_space<semaphore_mem>> -> memref<1x!tpu.dma_semaphore, #tpu.memory_space<semaphore_mem>>
      %dma_start3A_650 = tpu.memref_squeeze %dma_start3A_649 : memref<1x!tpu.dma_semaphore, #tpu.memory_space<semaphore_mem>> -> memref<!tpu.dma_semaphore, #tpu.memory_space<semaphore_mem>>
      tpu.enqueue_indirect_dma source(%dma_start3A_642 : memref<128x64xbf16, #tpu.memory_space<vmem>>) target(%dma_start3A_648 : memref<30720x64xbf16, #tpu.memory_space<vmem_shared>>) offsets(%dma_start3A_645 : memref<128xi32, #tpu.memory_space<vmem>>) semaphore(%dma_start3A_650 : memref<!tpu.dma_semaphore, #tpu.memory_space<semaphore_mem>>) {add = true}
      %ge3A_651 = arith.constant 2 : i32
      %ge3A_652 = arith.cmpi sge, %add3A_622, %ge3A_651 : i32
      %convert_element_type3A_653 = arith.extui %ge3A_652 : i1 to i32
      %cond3A_654 = arith.constant 0 : i32
      %cond3A_655 = arith.cmpi ne, %convert_element_type3A_653, %cond3A_654 : i32
      scf.if %cond3A_655 {
        %sub3A = arith.constant 2 : i32
        %sub3A_707 = arith.subi %add3A_622, %sub3A : i32
        %dma_wait3A_708 = arith.constant 0 : i32
        %dma_wait3A_709 = arith.constant 0 : i32
        %dma_wait3A_710 = arith.constant 0 : i32
        %dma_wait3A_711 = arith.constant 0 : i32
        %dma_wait3A_712 = tpu.memref_slice %arg9[%dma_wait3A_708, %dma_wait3A_710, %dma_wait3A_711] : memref<4x128x64xbf16, #tpu.memory_space<vmem>> -> memref<1x128x64xbf16, #tpu.memory_space<vmem>>
        %dma_wait3A_713 = tpu.memref_squeeze %dma_wait3A_712 : memref<1x128x64xbf16, #tpu.memory_space<vmem>> -> memref<128x64xbf16, #tpu.memory_space<vmem>>
        %dma_wait3A_714 = arith.constant 0 : i32
        %dma_wait3A_715 = tpu.memref_slice %arg8[%sub3A_707, %dma_wait3A_714] : memref<80x128xi32, #tpu.memory_space<vmem>> -> memref<1x128xi32, #tpu.memory_space<vmem>>
        %dma_wait3A_716 = tpu.memref_squeeze %dma_wait3A_715 : memref<1x128xi32, #tpu.memory_space<vmem>> -> memref<128xi32, #tpu.memory_space<vmem>>
        %dma_wait3A_717 = arith.constant 0 : i32
        %dma_wait3A_718 = arith.constant 0 : i32
        %dma_wait3A_719 = tpu.memref_slice %arg11[%dma_wait3A_717, %dma_wait3A_718] : memref<30720x64xbf16, #tpu.memory_space<vmem_shared>> -> memref<30720x64xbf16, #tpu.memory_space<vmem_shared>>
        %dma_wait3A_720 = tpu.memref_slice %arg13[%dma_wait3A_709] : memref<4x!tpu.dma_semaphore, #tpu.memory_space<semaphore_mem>> -> memref<1x!tpu.dma_semaphore, #tpu.memory_space<semaphore_mem>>
        %dma_wait3A_721 = tpu.memref_squeeze %dma_wait3A_720 : memref<1x!tpu.dma_semaphore, #tpu.memory_space<semaphore_mem>> -> memref<!tpu.dma_semaphore, #tpu.memory_space<semaphore_mem>>
        tpu.wait_indirect_dma semaphore(%dma_wait3A_721 : memref<!tpu.dma_semaphore, #tpu.memory_space<semaphore_mem>>) src(%dma_wait3A_713 : memref<128x64xbf16, #tpu.memory_space<vmem>>) dst(%dma_wait3A_719 : memref<30720x64xbf16, #tpu.memory_space<vmem_shared>>)
      } else {
      }
      %add3A_656 = arith.constant 2 : i32
      %add3A_657 = arith.addi %add3A_622, %add3A_656 : i32
      %lt3A_658 = arith.constant 80 : i32
      %lt3A_659 = arith.cmpi slt, %add3A_657, %lt3A_658 : i32
      %convert_element_type3A_660 = arith.extui %lt3A_659 : i1 to i32
      %cond3A_661 = arith.constant 0 : i32
      %cond3A_662 = arith.cmpi ne, %convert_element_type3A_660, %cond3A_661 : i32
      scf.if %cond3A_662 {
        %add3A_707 = arith.constant 2 : i32
        %add3A_708 = arith.addi %add3A_622, %add3A_707 : i32
        %dma_start3A_709 = arith.constant 0 : i32
        %dma_start3A_710 = arith.constant 0 : i32
        %dma_start3A_711 = arith.constant 0 : i32
        %dma_start3A_712 = arith.constant 0 : i32
        %dma_start3A_713 = tpu.memref_slice %arg9[%dma_start3A_709, %dma_start3A_711, %dma_start3A_712] : memref<4x128x64xbf16, #tpu.memory_space<vmem>> -> memref<1x128x64xbf16, #tpu.memory_space<vmem>>
        %dma_start3A_714 = tpu.memref_squeeze %dma_start3A_713 : memref<1x128x64xbf16, #tpu.memory_space<vmem>> -> memref<128x64xbf16, #tpu.memory_space<vmem>>
        %dma_start3A_715 = arith.constant 0 : i32
        %dma_start3A_716 = tpu.memref_slice %arg7[%add3A_708, %dma_start3A_715] : memref<80x128xi32, #tpu.memory_space<vmem>> -> memref<1x128xi32, #tpu.memory_space<vmem>>
        %dma_start3A_717 = tpu.memref_squeeze %dma_start3A_716 : memref<1x128xi32, #tpu.memory_space<vmem>> -> memref<128xi32, #tpu.memory_space<vmem>>
        %dma_start3A_718 = arith.constant 0 : i32
        %dma_start3A_719 = arith.constant 0 : i32
        %dma_start3A_720 = tpu.memref_slice %arg2[%dma_start3A_718, %dma_start3A_719] : memref<40000x64xbf16, #tpu.memory_space<hbm>> -> memref<40000x64xbf16, #tpu.memory_space<hbm>>
        %dma_start3A_721 = tpu.memref_slice %arg12[%dma_start3A_710] : memref<4x!tpu.dma_semaphore, #tpu.memory_space<semaphore_mem>> -> memref<1x!tpu.dma_semaphore, #tpu.memory_space<semaphore_mem>>
        %dma_start3A_722 = tpu.memref_squeeze %dma_start3A_721 : memref<1x!tpu.dma_semaphore, #tpu.memory_space<semaphore_mem>> -> memref<!tpu.dma_semaphore, #tpu.memory_space<semaphore_mem>>
        tpu.enqueue_indirect_dma source(%dma_start3A_720 : memref<40000x64xbf16, #tpu.memory_space<hbm>>) target(%dma_start3A_714 : memref<128x64xbf16, #tpu.memory_space<vmem>>) offsets(%dma_start3A_717 : memref<128xi32, #tpu.memory_space<vmem>>) semaphore(%dma_start3A_722 : memref<!tpu.dma_semaphore, #tpu.memory_space<semaphore_mem>>)
      } else {
      }
      %mul3A_663 = arith.constant 4 : i32
      %mul3A_664 = arith.muli %mul3A_663, %add3A_532 : i32
      %add3A_665 = arith.constant 3 : i32
      %add3A_666 = arith.addi %mul3A_664, %add3A_665 : i32
      %dma_wait3A_667 = arith.constant 3 : i32
      %dma_wait3A_668 = arith.constant 3 : i32
      %dma_wait3A_669 = arith.constant 0 : i32
      %dma_wait3A_670 = arith.constant 0 : i32
      %dma_wait3A_671 = tpu.memref_slice %arg9[%dma_wait3A_667, %dma_wait3A_669, %dma_wait3A_670] : memref<4x128x64xbf16, #tpu.memory_space<vmem>> -> memref<1x128x64xbf16, #tpu.memory_space<vmem>>
      %dma_wait3A_672 = tpu.memref_squeeze %dma_wait3A_671 : memref<1x128x64xbf16, #tpu.memory_space<vmem>> -> memref<128x64xbf16, #tpu.memory_space<vmem>>
      %dma_wait3A_673 = arith.constant 0 : i32
      %dma_wait3A_674 = tpu.memref_slice %arg7[%add3A_666, %dma_wait3A_673] : memref<80x128xi32, #tpu.memory_space<vmem>> -> memref<1x128xi32, #tpu.memory_space<vmem>>
      %dma_wait3A_675 = tpu.memref_squeeze %dma_wait3A_674 : memref<1x128xi32, #tpu.memory_space<vmem>> -> memref<128xi32, #tpu.memory_space<vmem>>
      %dma_wait3A_676 = arith.constant 0 : i32
      %dma_wait3A_677 = arith.constant 0 : i32
      %dma_wait3A_678 = tpu.memref_slice %arg2[%dma_wait3A_676, %dma_wait3A_677] : memref<40000x64xbf16, #tpu.memory_space<hbm>> -> memref<40000x64xbf16, #tpu.memory_space<hbm>>
      %dma_wait3A_679 = tpu.memref_slice %arg12[%dma_wait3A_668] : memref<4x!tpu.dma_semaphore, #tpu.memory_space<semaphore_mem>> -> memref<1x!tpu.dma_semaphore, #tpu.memory_space<semaphore_mem>>
      %dma_wait3A_680 = tpu.memref_squeeze %dma_wait3A_679 : memref<1x!tpu.dma_semaphore, #tpu.memory_space<semaphore_mem>> -> memref<!tpu.dma_semaphore, #tpu.memory_space<semaphore_mem>>
      tpu.wait_indirect_dma semaphore(%dma_wait3A_680 : memref<!tpu.dma_semaphore, #tpu.memory_space<semaphore_mem>>) src(%dma_wait3A_678 : memref<40000x64xbf16, #tpu.memory_space<hbm>>) dst(%dma_wait3A_672 : memref<128x64xbf16, #tpu.memory_space<vmem>>)
      %dma_start3A_681 = arith.constant 3 : i32
      %dma_start3A_682 = arith.constant 3 : i32
      %dma_start3A_683 = arith.constant 0 : i32
      %dma_start3A_684 = arith.constant 0 : i32
      %dma_start3A_685 = tpu.memref_slice %arg9[%dma_start3A_681, %dma_start3A_683, %dma_start3A_684] : memref<4x128x64xbf16, #tpu.memory_space<vmem>> -> memref<1x128x64xbf16, #tpu.memory_space<vmem>>
      %dma_start3A_686 = tpu.memref_squeeze %dma_start3A_685 : memref<1x128x64xbf16, #tpu.memory_space<vmem>> -> memref<128x64xbf16, #tpu.memory_space<vmem>>
      %dma_start3A_687 = arith.constant 0 : i32
      %dma_start3A_688 = tpu.memref_slice %arg8[%add3A_666, %dma_start3A_687] : memref<80x128xi32, #tpu.memory_space<vmem>> -> memref<1x128xi32, #tpu.memory_space<vmem>>
      %dma_start3A_689 = tpu.memref_squeeze %dma_start3A_688 : memref<1x128xi32, #tpu.memory_space<vmem>> -> memref<128xi32, #tpu.memory_space<vmem>>
      %dma_start3A_690 = arith.constant 0 : i32
      %dma_start3A_691 = arith.constant 0 : i32
      %dma_start3A_692 = tpu.memref_slice %arg11[%dma_start3A_690, %dma_start3A_691] : memref<30720x64xbf16, #tpu.memory_space<vmem_shared>> -> memref<30720x64xbf16, #tpu.memory_space<vmem_shared>>
      %dma_start3A_693 = tpu.memref_slice %arg13[%dma_start3A_682] : memref<4x!tpu.dma_semaphore, #tpu.memory_space<semaphore_mem>> -> memref<1x!tpu.dma_semaphore, #tpu.memory_space<semaphore_mem>>
      %dma_start3A_694 = tpu.memref_squeeze %dma_start3A_693 : memref<1x!tpu.dma_semaphore, #tpu.memory_space<semaphore_mem>> -> memref<!tpu.dma_semaphore, #tpu.memory_space<semaphore_mem>>
      tpu.enqueue_indirect_dma source(%dma_start3A_686 : memref<128x64xbf16, #tpu.memory_space<vmem>>) target(%dma_start3A_692 : memref<30720x64xbf16, #tpu.memory_space<vmem_shared>>) offsets(%dma_start3A_689 : memref<128xi32, #tpu.memory_space<vmem>>) semaphore(%dma_start3A_694 : memref<!tpu.dma_semaphore, #tpu.memory_space<semaphore_mem>>) {add = true}
      %ge3A_695 = arith.constant 2 : i32
      %ge3A_696 = arith.cmpi sge, %add3A_666, %ge3A_695 : i32
      %convert_element_type3A_697 = arith.extui %ge3A_696 : i1 to i32
      %cond3A_698 = arith.constant 0 : i32
      %cond3A_699 = arith.cmpi ne, %convert_element_type3A_697, %cond3A_698 : i32
      scf.if %cond3A_699 {
        %sub3A = arith.constant 2 : i32
        %sub3A_707 = arith.subi %add3A_666, %sub3A : i32
        %dma_wait3A_708 = arith.constant 1 : i32
        %dma_wait3A_709 = arith.constant 1 : i32
        %dma_wait3A_710 = arith.constant 0 : i32
        %dma_wait3A_711 = arith.constant 0 : i32
        %dma_wait3A_712 = tpu.memref_slice %arg9[%dma_wait3A_708, %dma_wait3A_710, %dma_wait3A_711] : memref<4x128x64xbf16, #tpu.memory_space<vmem>> -> memref<1x128x64xbf16, #tpu.memory_space<vmem>>
        %dma_wait3A_713 = tpu.memref_squeeze %dma_wait3A_712 : memref<1x128x64xbf16, #tpu.memory_space<vmem>> -> memref<128x64xbf16, #tpu.memory_space<vmem>>
        %dma_wait3A_714 = arith.constant 0 : i32
        %dma_wait3A_715 = tpu.memref_slice %arg8[%sub3A_707, %dma_wait3A_714] : memref<80x128xi32, #tpu.memory_space<vmem>> -> memref<1x128xi32, #tpu.memory_space<vmem>>
        %dma_wait3A_716 = tpu.memref_squeeze %dma_wait3A_715 : memref<1x128xi32, #tpu.memory_space<vmem>> -> memref<128xi32, #tpu.memory_space<vmem>>
        %dma_wait3A_717 = arith.constant 0 : i32
        %dma_wait3A_718 = arith.constant 0 : i32
        %dma_wait3A_719 = tpu.memref_slice %arg11[%dma_wait3A_717, %dma_wait3A_718] : memref<30720x64xbf16, #tpu.memory_space<vmem_shared>> -> memref<30720x64xbf16, #tpu.memory_space<vmem_shared>>
        %dma_wait3A_720 = tpu.memref_slice %arg13[%dma_wait3A_709] : memref<4x!tpu.dma_semaphore, #tpu.memory_space<semaphore_mem>> -> memref<1x!tpu.dma_semaphore, #tpu.memory_space<semaphore_mem>>
        %dma_wait3A_721 = tpu.memref_squeeze %dma_wait3A_720 : memref<1x!tpu.dma_semaphore, #tpu.memory_space<semaphore_mem>> -> memref<!tpu.dma_semaphore, #tpu.memory_space<semaphore_mem>>
        tpu.wait_indirect_dma semaphore(%dma_wait3A_721 : memref<!tpu.dma_semaphore, #tpu.memory_space<semaphore_mem>>) src(%dma_wait3A_713 : memref<128x64xbf16, #tpu.memory_space<vmem>>) dst(%dma_wait3A_719 : memref<30720x64xbf16, #tpu.memory_space<vmem_shared>>)
      } else {
      }
      %add3A_700 = arith.constant 2 : i32
      %add3A_701 = arith.addi %add3A_666, %add3A_700 : i32
      %lt3A_702 = arith.constant 80 : i32
      %lt3A_703 = arith.cmpi slt, %add3A_701, %lt3A_702 : i32
      %convert_element_type3A_704 = arith.extui %lt3A_703 : i1 to i32
      %cond3A_705 = arith.constant 0 : i32
      %cond3A_706 = arith.cmpi ne, %convert_element_type3A_704, %cond3A_705 : i32
      scf.if %cond3A_706 {
        %add3A_707 = arith.constant 2 : i32
        %add3A_708 = arith.addi %add3A_666, %add3A_707 : i32
        %dma_start3A_709 = arith.constant 1 : i32
        %dma_start3A_710 = arith.constant 1 : i32
        %dma_start3A_711 = arith.constant 0 : i32
        %dma_start3A_712 = arith.constant 0 : i32
        %dma_start3A_713 = tpu.memref_slice %arg9[%dma_start3A_709, %dma_start3A_711, %dma_start3A_712] : memref<4x128x64xbf16, #tpu.memory_space<vmem>> -> memref<1x128x64xbf16, #tpu.memory_space<vmem>>
        %dma_start3A_714 = tpu.memref_squeeze %dma_start3A_713 : memref<1x128x64xbf16, #tpu.memory_space<vmem>> -> memref<128x64xbf16, #tpu.memory_space<vmem>>
        %dma_start3A_715 = arith.constant 0 : i32
        %dma_start3A_716 = tpu.memref_slice %arg7[%add3A_708, %dma_start3A_715] : memref<80x128xi32, #tpu.memory_space<vmem>> -> memref<1x128xi32, #tpu.memory_space<vmem>>
        %dma_start3A_717 = tpu.memref_squeeze %dma_start3A_716 : memref<1x128xi32, #tpu.memory_space<vmem>> -> memref<128xi32, #tpu.memory_space<vmem>>
        %dma_start3A_718 = arith.constant 0 : i32
        %dma_start3A_719 = arith.constant 0 : i32
        %dma_start3A_720 = tpu.memref_slice %arg2[%dma_start3A_718, %dma_start3A_719] : memref<40000x64xbf16, #tpu.memory_space<hbm>> -> memref<40000x64xbf16, #tpu.memory_space<hbm>>
        %dma_start3A_721 = tpu.memref_slice %arg12[%dma_start3A_710] : memref<4x!tpu.dma_semaphore, #tpu.memory_space<semaphore_mem>> -> memref<1x!tpu.dma_semaphore, #tpu.memory_space<semaphore_mem>>
        %dma_start3A_722 = tpu.memref_squeeze %dma_start3A_721 : memref<1x!tpu.dma_semaphore, #tpu.memory_space<semaphore_mem>> -> memref<!tpu.dma_semaphore, #tpu.memory_space<semaphore_mem>>
        tpu.enqueue_indirect_dma source(%dma_start3A_720 : memref<40000x64xbf16, #tpu.memory_space<hbm>>) target(%dma_start3A_714 : memref<128x64xbf16, #tpu.memory_space<vmem>>) offsets(%dma_start3A_717 : memref<128xi32, #tpu.memory_space<vmem>>) semaphore(%dma_start3A_722 : memref<!tpu.dma_semaphore, #tpu.memory_space<semaphore_mem>>)
      } else {
      }
    }
    %scan3A_486 = arith.constant 20 : i32
    %dma_wait3A_487 = arith.constant 2 : i32
    %dma_wait3A_488 = arith.constant 78 : i32
    %dma_wait3A_489 = arith.constant 2 : i32
    %dma_wait3A_490 = arith.constant 0 : i32
    %dma_wait3A_491 = arith.constant 0 : i32
    %dma_wait3A_492 = tpu.memref_slice %arg9[%dma_wait3A_487, %dma_wait3A_490, %dma_wait3A_491] : memref<4x128x64xbf16, #tpu.memory_space<vmem>> -> memref<1x128x64xbf16, #tpu.memory_space<vmem>>
    %dma_wait3A_493 = tpu.memref_squeeze %dma_wait3A_492 : memref<1x128x64xbf16, #tpu.memory_space<vmem>> -> memref<128x64xbf16, #tpu.memory_space<vmem>>
    %dma_wait3A_494 = arith.constant 0 : i32
    %dma_wait3A_495 = tpu.memref_slice %arg8[%dma_wait3A_488, %dma_wait3A_494] : memref<80x128xi32, #tpu.memory_space<vmem>> -> memref<1x128xi32, #tpu.memory_space<vmem>>
    %dma_wait3A_496 = tpu.memref_squeeze %dma_wait3A_495 : memref<1x128xi32, #tpu.memory_space<vmem>> -> memref<128xi32, #tpu.memory_space<vmem>>
    %dma_wait3A_497 = arith.constant 0 : i32
    %dma_wait3A_498 = arith.constant 0 : i32
    %dma_wait3A_499 = tpu.memref_slice %arg11[%dma_wait3A_497, %dma_wait3A_498] : memref<30720x64xbf16, #tpu.memory_space<vmem_shared>> -> memref<30720x64xbf16, #tpu.memory_space<vmem_shared>>
    %dma_wait3A_500 = tpu.memref_slice %arg13[%dma_wait3A_489] : memref<4x!tpu.dma_semaphore, #tpu.memory_space<semaphore_mem>> -> memref<1x!tpu.dma_semaphore, #tpu.memory_space<semaphore_mem>>
    %dma_wait3A_501 = tpu.memref_squeeze %dma_wait3A_500 : memref<1x!tpu.dma_semaphore, #tpu.memory_space<semaphore_mem>> -> memref<!tpu.dma_semaphore, #tpu.memory_space<semaphore_mem>>
    tpu.wait_indirect_dma semaphore(%dma_wait3A_501 : memref<!tpu.dma_semaphore, #tpu.memory_space<semaphore_mem>>) src(%dma_wait3A_493 : memref<128x64xbf16, #tpu.memory_space<vmem>>) dst(%dma_wait3A_499 : memref<30720x64xbf16, #tpu.memory_space<vmem_shared>>)
    %dma_wait3A_502 = arith.constant 3 : i32
    %dma_wait3A_503 = arith.constant 79 : i32
    %dma_wait3A_504 = arith.constant 3 : i32
    %dma_wait3A_505 = arith.constant 0 : i32
    %dma_wait3A_506 = arith.constant 0 : i32
    %dma_wait3A_507 = tpu.memref_slice %arg9[%dma_wait3A_502, %dma_wait3A_505, %dma_wait3A_506] : memref<4x128x64xbf16, #tpu.memory_space<vmem>> -> memref<1x128x64xbf16, #tpu.memory_space<vmem>>
    %dma_wait3A_508 = tpu.memref_squeeze %dma_wait3A_507 : memref<1x128x64xbf16, #tpu.memory_space<vmem>> -> memref<128x64xbf16, #tpu.memory_space<vmem>>
    %dma_wait3A_509 = arith.constant 0 : i32
    %dma_wait3A_510 = tpu.memref_slice %arg8[%dma_wait3A_503, %dma_wait3A_509] : memref<80x128xi32, #tpu.memory_space<vmem>> -> memref<1x128xi32, #tpu.memory_space<vmem>>
    %dma_wait3A_511 = tpu.memref_squeeze %dma_wait3A_510 : memref<1x128xi32, #tpu.memory_space<vmem>> -> memref<128xi32, #tpu.memory_space<vmem>>
    %dma_wait3A_512 = arith.constant 0 : i32
    %dma_wait3A_513 = arith.constant 0 : i32
    %dma_wait3A_514 = tpu.memref_slice %arg11[%dma_wait3A_512, %dma_wait3A_513] : memref<30720x64xbf16, #tpu.memory_space<vmem_shared>> -> memref<30720x64xbf16, #tpu.memory_space<vmem_shared>>
    %dma_wait3A_515 = tpu.memref_slice %arg13[%dma_wait3A_504] : memref<4x!tpu.dma_semaphore, #tpu.memory_space<semaphore_mem>> -> memref<1x!tpu.dma_semaphore, #tpu.memory_space<semaphore_mem>>
    %dma_wait3A_516 = tpu.memref_squeeze %dma_wait3A_515 : memref<1x!tpu.dma_semaphore, #tpu.memory_space<semaphore_mem>> -> memref<!tpu.dma_semaphore, #tpu.memory_space<semaphore_mem>>
    tpu.wait_indirect_dma semaphore(%dma_wait3A_516 : memref<!tpu.dma_semaphore, #tpu.memory_space<semaphore_mem>>) src(%dma_wait3A_508 : memref<128x64xbf16, #tpu.memory_space<vmem>>) dst(%dma_wait3A_514 : memref<30720x64xbf16, #tpu.memory_space<vmem_shared>>)
    %barrier3A_517 = arith.constant 0 : index
    tpu.barrier barrier_id(%barrier3A_517)
    %eq3A_518 = arith.constant 0 : i32
    %eq3A_519 = arith.cmpi eq, %arg0, %eq3A_518 : i32
    %convert_element_type3A_520 = arith.extui %eq3A_519 : i1 to i32
    %cond3A_521 = arith.constant 0 : i32
    %cond3A_522 = arith.cmpi ne, %convert_element_type3A_520, %cond3A_521 : i32
    scf.if %cond3A_522 {
      "tpu.region"() ({
        %run_scoped3A = tpu.sem_alloc : memref<!tpu.dma_semaphore, #tpu.memory_space<semaphore_mem>>
        %dma_start3A_528 = arith.constant 128 : i32
        %dma_start3A_529 = tpu.memref_slice %arg6[%mul3A_0, %dma_start3A_528] : memref<30720x256xbf16, #tpu.memory_space<hbm>> -> memref<1920x64xbf16, #tpu.memory_space<hbm>>
        %dma_start3A_530 = arith.constant 0 : i32
        %dma_start3A_531 = tpu.memref_slice %arg11[%mul3A_0, %dma_start3A_530] : memref<30720x64xbf16, #tpu.memory_space<vmem_shared>> -> memref<1920x64xbf16, #tpu.memory_space<vmem_shared>>
        tpu.enqueue_dma source(%dma_start3A_531 : memref<1920x64xbf16, #tpu.memory_space<vmem_shared>>) target(%dma_start3A_529 : memref<1920x64xbf16, #tpu.memory_space<hbm>>) target_semaphore(%run_scoped3A : memref<!tpu.dma_semaphore, #tpu.memory_space<semaphore_mem>>)
        %dma_wait3A_532 = arith.constant 128 : i32
        %dma_wait3A_533 = tpu.memref_slice %arg6[%mul3A_0, %dma_wait3A_532] : memref<30720x256xbf16, #tpu.memory_space<hbm>> -> memref<1920x64xbf16, #tpu.memory_space<hbm>>
        %dma_wait3A_534 = arith.constant 0 : i32
        %dma_wait3A_535 = tpu.memref_slice %arg11[%mul3A_0, %dma_wait3A_534] : memref<30720x64xbf16, #tpu.memory_space<vmem_shared>> -> memref<1920x64xbf16, #tpu.memory_space<vmem_shared>>
        tpu.wait_dma2 semaphore(%run_scoped3A : memref<!tpu.dma_semaphore, #tpu.memory_space<semaphore_mem>>) src(%dma_wait3A_535 : memref<1920x64xbf16, #tpu.memory_space<vmem_shared>>) dst(%dma_wait3A_533 : memref<1920x64xbf16, #tpu.memory_space<hbm>>)
        tpu.yield
      }) : () -> ()
    } else {
    }
    %eq3A_523 = arith.constant 1 : i32
    %eq3A_524 = arith.cmpi eq, %arg0, %eq3A_523 : i32
    %convert_element_type3A_525 = arith.extui %eq3A_524 : i1 to i32
    %cond3A_526 = arith.constant 0 : i32
    %cond3A_527 = arith.cmpi ne, %convert_element_type3A_525, %cond3A_526 : i32
    scf.if %cond3A_527 {
      "tpu.region"() ({
        %run_scoped3A = tpu.sem_alloc : memref<!tpu.dma_semaphore, #tpu.memory_space<semaphore_mem>>
        %dma_start3A_528 = arith.constant 192 : i32
        %dma_start3A_529 = tpu.memref_slice %arg6[%mul3A_0, %dma_start3A_528] : memref<30720x256xbf16, #tpu.memory_space<hbm>> -> memref<1920x64xbf16, #tpu.memory_space<hbm>>
        %dma_start3A_530 = arith.constant 0 : i32
        %dma_start3A_531 = tpu.memref_slice %arg11[%mul3A_0, %dma_start3A_530] : memref<30720x64xbf16, #tpu.memory_space<vmem_shared>> -> memref<1920x64xbf16, #tpu.memory_space<vmem_shared>>
        tpu.enqueue_dma source(%dma_start3A_531 : memref<1920x64xbf16, #tpu.memory_space<vmem_shared>>) target(%dma_start3A_529 : memref<1920x64xbf16, #tpu.memory_space<hbm>>) target_semaphore(%run_scoped3A : memref<!tpu.dma_semaphore, #tpu.memory_space<semaphore_mem>>)
        %dma_wait3A_532 = arith.constant 192 : i32
        %dma_wait3A_533 = tpu.memref_slice %arg6[%mul3A_0, %dma_wait3A_532] : memref<30720x256xbf16, #tpu.memory_space<hbm>> -> memref<1920x64xbf16, #tpu.memory_space<hbm>>
        %dma_wait3A_534 = arith.constant 0 : i32
        %dma_wait3A_535 = tpu.memref_slice %arg11[%mul3A_0, %dma_wait3A_534] : memref<30720x64xbf16, #tpu.memory_space<vmem_shared>> -> memref<1920x64xbf16, #tpu.memory_space<vmem_shared>>
        tpu.wait_dma2 semaphore(%run_scoped3A : memref<!tpu.dma_semaphore, #tpu.memory_space<semaphore_mem>>) src(%dma_wait3A_535 : memref<1920x64xbf16, #tpu.memory_space<vmem_shared>>) dst(%dma_wait3A_533 : memref<1920x64xbf16, #tpu.memory_space<hbm>>)
        tpu.yield
      }) : () -> ()
    } else {
    }
    return
  }
}

module attributes {stable_mosaic.version = 14 : i64} {
  func.func @_mlp_kernel(%arg0: i32, %arg1: memref<3x1000x256xbf16, #tpu.memory_space<vmem>>, %arg2: memref<1000x256xf32, #tpu.memory_space<vmem>>, %arg3: memref<3x256x256xf32, #tpu.memory_space<vmem>>, %arg4: memref<3x1x256xf32, #tpu.memory_space<vmem>>, %arg5: memref<3x256x256xf32, #tpu.memory_space<vmem>>, %arg6: memref<3x1x256xf32, #tpu.memory_space<vmem>>, %arg7: memref<3x256x256xf32, #tpu.memory_space<vmem>>, %arg8: memref<1x256xf32, #tpu.memory_space<vmem>>, %arg9: memref<256x256xf32, #tpu.memory_space<vmem>>, %arg10: memref<1x256xf32, #tpu.memory_space<vmem>>, %arg11: memref<1000x256xf32, #tpu.memory_space<vmem>>) attributes {dimension_semantics = [#tpu.dimension_semantics<arbitrary>], iteration_bounds = array<i64: 10>, scalar_prefetch = 0 : i64, scratch_operands = 0 : i64, tpu.core_type = #tpu.core_type<tc>, window_params = [{transform_indices = @transform_0, window_bounds = array<i64: 3, 1000, 256>}, {transform_indices = @transform_1, window_bounds = array<i64: 1000, 256>}, {pipeline_mode = #tpu.pipeline_mode<synchronous>, transform_indices = @transform_2, window_bounds = array<i64: 3, 256, 256>}, {pipeline_mode = #tpu.pipeline_mode<synchronous>, transform_indices = @transform_3, window_bounds = array<i64: 3, 1, 256>}, {pipeline_mode = #tpu.pipeline_mode<synchronous>, transform_indices = @transform_4, window_bounds = array<i64: 3, 256, 256>}, {pipeline_mode = #tpu.pipeline_mode<synchronous>, transform_indices = @transform_5, window_bounds = array<i64: 3, 1, 256>}, {pipeline_mode = #tpu.pipeline_mode<synchronous>, transform_indices = @transform_6, window_bounds = array<i64: 3, 256, 256>}, {pipeline_mode = #tpu.pipeline_mode<synchronous>, transform_indices = @transform_7, window_bounds = array<i64: 1, 256>}, {pipeline_mode = #tpu.pipeline_mode<synchronous>, transform_indices = @transform_8, window_bounds = array<i64: 256, 256>}, {pipeline_mode = #tpu.pipeline_mode<synchronous>, transform_indices = @transform_9, window_bounds = array<i64: 1, 256>}, {transform_indices = @transform_10, window_bounds = array<i64: 1000, 256>}]} {
    %get3A = arith.constant 0 : index
    %get3A_0 = arith.constant 0 : index
    %get3A_1 = vector.load %arg2[%get3A, %get3A_0] : memref<1000x256xf32, #tpu.memory_space<vmem>>, vector<1000x256xf32>
    %broadcast_in_dim3A = arith.constant 0.000000e+00 : f32
    %broadcast_in_dim3A_2 = vector.broadcast %broadcast_in_dim3A : f32 to vector<1000x256xf32>
    %get3A_3 = arith.constant 0 : index
    %get3A_4 = arith.constant 0 : index
    %get3A_5 = arith.constant 0 : index
    %get3A_6 = vector.load %arg1[%get3A_3, %get3A_4, %get3A_5] : memref<3x1000x256xbf16, #tpu.memory_space<vmem>>, vector<1x1000x256xbf16>
    %get3A_7 = vector.shape_cast %get3A_6 : vector<1x1000x256xbf16> to vector<1000x256xbf16>
    %convert_element_type3A = arith.extf %get3A_7 : vector<1000x256xbf16> to vector<1000x256xf32>
    %add3A = arith.addf %convert_element_type3A, %get3A_1 : vector<1000x256xf32>
    %get3A_8 = arith.constant 0 : index
    %get3A_9 = arith.constant 0 : index
    %get3A_10 = arith.constant 0 : index
    %get3A_11 = vector.load %arg3[%get3A_8, %get3A_9, %get3A_10] : memref<3x256x256xf32, #tpu.memory_space<vmem>>, vector<1x256x256xf32>
    %get3A_12 = vector.shape_cast %get3A_11 : vector<1x256x256xf32> to vector<256x256xf32>
    %dot_general3A = arith.constant dense<0.000000e+00> : vector<1000x256xf32>
    %dot_general3A_13 = tpu.matmul %add3A, %get3A_12, %dot_general3A {dimension_numbers = #tpu.dot_dimension_numbers<[1], [0], [0], [1], [0, 0, 1, 1], [], []>, transpose_lhs_hint = false} : vector<1000x256xf32>, vector<256x256xf32>, vector<1000x256xf32> -> vector<1000x256xf32>
    %get3A_14 = arith.constant 0 : index
    %get3A_15 = arith.constant 0 : index
    %get3A_16 = arith.constant 0 : index
    %get3A_17 = vector.load %arg4[%get3A_14, %get3A_15, %get3A_16] : memref<3x1x256xf32, #tpu.memory_space<vmem>>, vector<1x1x256xf32>
    %get3A_18 = vector.shape_cast %get3A_17 : vector<1x1x256xf32> to vector<1x256xf32>
    %add3A_19 = vector.broadcast %get3A_18 : vector<1x256xf32> to vector<1000x256xf32>
    %add3A_20 = arith.addf %dot_general3A_13, %add3A_19 : vector<1000x256xf32>
    %max3A = arith.constant 0.000000e+00 : f32
    %max3A_21 = vector.broadcast %max3A : f32 to vector<1000x256xf32>
    %max3A_22 = arith.maximumf %add3A_20, %max3A_21 : vector<1000x256xf32>
    %get3A_23 = arith.constant 0 : index
    %get3A_24 = arith.constant 0 : index
    %get3A_25 = arith.constant 0 : index
    %get3A_26 = vector.load %arg5[%get3A_23, %get3A_24, %get3A_25] : memref<3x256x256xf32, #tpu.memory_space<vmem>>, vector<1x256x256xf32>
    %get3A_27 = vector.shape_cast %get3A_26 : vector<1x256x256xf32> to vector<256x256xf32>
    %dot_general3A_28 = arith.constant dense<0.000000e+00> : vector<1000x256xf32>
    %dot_general3A_29 = tpu.matmul %max3A_22, %get3A_27, %dot_general3A_28 {dimension_numbers = #tpu.dot_dimension_numbers<[1], [0], [0], [1], [0, 0, 1, 1], [], []>, transpose_lhs_hint = false} : vector<1000x256xf32>, vector<256x256xf32>, vector<1000x256xf32> -> vector<1000x256xf32>
    %get3A_30 = arith.constant 0 : index
    %get3A_31 = arith.constant 0 : index
    %get3A_32 = arith.constant 0 : index
    %get3A_33 = vector.load %arg6[%get3A_30, %get3A_31, %get3A_32] : memref<3x1x256xf32, #tpu.memory_space<vmem>>, vector<1x1x256xf32>
    %get3A_34 = vector.shape_cast %get3A_33 : vector<1x1x256xf32> to vector<1x256xf32>
    %add3A_35 = vector.broadcast %get3A_34 : vector<1x256xf32> to vector<1000x256xf32>
    %add3A_36 = arith.addf %dot_general3A_29, %add3A_35 : vector<1000x256xf32>
    %max3A_37 = arith.constant 0.000000e+00 : f32
    %max3A_38 = vector.broadcast %max3A_37 : f32 to vector<1000x256xf32>
    %max3A_39 = arith.maximumf %add3A_36, %max3A_38 : vector<1000x256xf32>
    %get3A_40 = arith.constant 0 : index
    %get3A_41 = arith.constant 0 : index
    %get3A_42 = arith.constant 0 : index
    %get3A_43 = vector.load %arg7[%get3A_40, %get3A_41, %get3A_42] : memref<3x256x256xf32, #tpu.memory_space<vmem>>, vector<1x256x256xf32>
    %get3A_44 = vector.shape_cast %get3A_43 : vector<1x256x256xf32> to vector<256x256xf32>
    %dot_general3A_45 = arith.constant dense<0.000000e+00> : vector<1000x256xf32>
    %dot_general3A_46 = tpu.matmul %max3A_39, %get3A_44, %dot_general3A_45 {dimension_numbers = #tpu.dot_dimension_numbers<[1], [0], [0], [1], [0, 0, 1, 1], [], []>, transpose_lhs_hint = false} : vector<1000x256xf32>, vector<256x256xf32>, vector<1000x256xf32> -> vector<1000x256xf32>
    %add3A_47 = arith.addf %broadcast_in_dim3A_2, %dot_general3A_46 : vector<1000x256xf32>
    %get3A_48 = arith.constant 1 : index
    %get3A_49 = arith.constant 0 : index
    %get3A_50 = arith.constant 0 : index
    %get3A_51 = vector.load %arg1[%get3A_48, %get3A_49, %get3A_50] : memref<3x1000x256xbf16, #tpu.memory_space<vmem>>, vector<1x1000x256xbf16>
    %get3A_52 = vector.shape_cast %get3A_51 : vector<1x1000x256xbf16> to vector<1000x256xbf16>
    %convert_element_type3A_53 = arith.extf %get3A_52 : vector<1000x256xbf16> to vector<1000x256xf32>
    %add3A_54 = arith.addf %convert_element_type3A_53, %get3A_1 : vector<1000x256xf32>
    %get3A_55 = arith.constant 1 : index
    %get3A_56 = arith.constant 0 : index
    %get3A_57 = arith.constant 0 : index
    %get3A_58 = vector.load %arg3[%get3A_55, %get3A_56, %get3A_57] : memref<3x256x256xf32, #tpu.memory_space<vmem>>, vector<1x256x256xf32>
    %get3A_59 = vector.shape_cast %get3A_58 : vector<1x256x256xf32> to vector<256x256xf32>
    %dot_general3A_60 = arith.constant dense<0.000000e+00> : vector<1000x256xf32>
    %dot_general3A_61 = tpu.matmul %add3A_54, %get3A_59, %dot_general3A_60 {dimension_numbers = #tpu.dot_dimension_numbers<[1], [0], [0], [1], [0, 0, 1, 1], [], []>, transpose_lhs_hint = false} : vector<1000x256xf32>, vector<256x256xf32>, vector<1000x256xf32> -> vector<1000x256xf32>
    %get3A_62 = arith.constant 1 : index
    %get3A_63 = arith.constant 0 : index
    %get3A_64 = arith.constant 0 : index
    %get3A_65 = vector.load %arg4[%get3A_62, %get3A_63, %get3A_64] : memref<3x1x256xf32, #tpu.memory_space<vmem>>, vector<1x1x256xf32>
    %get3A_66 = vector.shape_cast %get3A_65 : vector<1x1x256xf32> to vector<1x256xf32>
    %add3A_67 = vector.broadcast %get3A_66 : vector<1x256xf32> to vector<1000x256xf32>
    %add3A_68 = arith.addf %dot_general3A_61, %add3A_67 : vector<1000x256xf32>
    %max3A_69 = arith.constant 0.000000e+00 : f32
    %max3A_70 = vector.broadcast %max3A_69 : f32 to vector<1000x256xf32>
    %max3A_71 = arith.maximumf %add3A_68, %max3A_70 : vector<1000x256xf32>
    %get3A_72 = arith.constant 1 : index
    %get3A_73 = arith.constant 0 : index
    %get3A_74 = arith.constant 0 : index
    %get3A_75 = vector.load %arg5[%get3A_72, %get3A_73, %get3A_74] : memref<3x256x256xf32, #tpu.memory_space<vmem>>, vector<1x256x256xf32>
    %get3A_76 = vector.shape_cast %get3A_75 : vector<1x256x256xf32> to vector<256x256xf32>
    %dot_general3A_77 = arith.constant dense<0.000000e+00> : vector<1000x256xf32>
    %dot_general3A_78 = tpu.matmul %max3A_71, %get3A_76, %dot_general3A_77 {dimension_numbers = #tpu.dot_dimension_numbers<[1], [0], [0], [1], [0, 0, 1, 1], [], []>, transpose_lhs_hint = false} : vector<1000x256xf32>, vector<256x256xf32>, vector<1000x256xf32> -> vector<1000x256xf32>
    %get3A_79 = arith.constant 1 : index
    %get3A_80 = arith.constant 0 : index
    %get3A_81 = arith.constant 0 : index
    %get3A_82 = vector.load %arg6[%get3A_79, %get3A_80, %get3A_81] : memref<3x1x256xf32, #tpu.memory_space<vmem>>, vector<1x1x256xf32>
    %get3A_83 = vector.shape_cast %get3A_82 : vector<1x1x256xf32> to vector<1x256xf32>
    %add3A_84 = vector.broadcast %get3A_83 : vector<1x256xf32> to vector<1000x256xf32>
    %add3A_85 = arith.addf %dot_general3A_78, %add3A_84 : vector<1000x256xf32>
    %max3A_86 = arith.constant 0.000000e+00 : f32
    %max3A_87 = vector.broadcast %max3A_86 : f32 to vector<1000x256xf32>
    %max3A_88 = arith.maximumf %add3A_85, %max3A_87 : vector<1000x256xf32>
    %get3A_89 = arith.constant 1 : index
    %get3A_90 = arith.constant 0 : index
    %get3A_91 = arith.constant 0 : index
    %get3A_92 = vector.load %arg7[%get3A_89, %get3A_90, %get3A_91] : memref<3x256x256xf32, #tpu.memory_space<vmem>>, vector<1x256x256xf32>
    %get3A_93 = vector.shape_cast %get3A_92 : vector<1x256x256xf32> to vector<256x256xf32>
    %dot_general3A_94 = arith.constant dense<0.000000e+00> : vector<1000x256xf32>
    %dot_general3A_95 = tpu.matmul %max3A_88, %get3A_93, %dot_general3A_94 {dimension_numbers = #tpu.dot_dimension_numbers<[1], [0], [0], [1], [0, 0, 1, 1], [], []>, transpose_lhs_hint = false} : vector<1000x256xf32>, vector<256x256xf32>, vector<1000x256xf32> -> vector<1000x256xf32>
    %add3A_96 = arith.addf %add3A_47, %dot_general3A_95 : vector<1000x256xf32>
    %get3A_97 = arith.constant 2 : index
    %get3A_98 = arith.constant 0 : index
    %get3A_99 = arith.constant 0 : index
    %get3A_100 = vector.load %arg1[%get3A_97, %get3A_98, %get3A_99] : memref<3x1000x256xbf16, #tpu.memory_space<vmem>>, vector<1x1000x256xbf16>
    %get3A_101 = vector.shape_cast %get3A_100 : vector<1x1000x256xbf16> to vector<1000x256xbf16>
    %convert_element_type3A_102 = arith.extf %get3A_101 : vector<1000x256xbf16> to vector<1000x256xf32>
    %add3A_103 = arith.addf %convert_element_type3A_102, %get3A_1 : vector<1000x256xf32>
    %get3A_104 = arith.constant 2 : index
    %get3A_105 = arith.constant 0 : index
    %get3A_106 = arith.constant 0 : index
    %get3A_107 = vector.load %arg3[%get3A_104, %get3A_105, %get3A_106] : memref<3x256x256xf32, #tpu.memory_space<vmem>>, vector<1x256x256xf32>
    %get3A_108 = vector.shape_cast %get3A_107 : vector<1x256x256xf32> to vector<256x256xf32>
    %dot_general3A_109 = arith.constant dense<0.000000e+00> : vector<1000x256xf32>
    %dot_general3A_110 = tpu.matmul %add3A_103, %get3A_108, %dot_general3A_109 {dimension_numbers = #tpu.dot_dimension_numbers<[1], [0], [0], [1], [0, 0, 1, 1], [], []>, transpose_lhs_hint = false} : vector<1000x256xf32>, vector<256x256xf32>, vector<1000x256xf32> -> vector<1000x256xf32>
    %get3A_111 = arith.constant 2 : index
    %get3A_112 = arith.constant 0 : index
    %get3A_113 = arith.constant 0 : index
    %get3A_114 = vector.load %arg4[%get3A_111, %get3A_112, %get3A_113] : memref<3x1x256xf32, #tpu.memory_space<vmem>>, vector<1x1x256xf32>
    %get3A_115 = vector.shape_cast %get3A_114 : vector<1x1x256xf32> to vector<1x256xf32>
    %add3A_116 = vector.broadcast %get3A_115 : vector<1x256xf32> to vector<1000x256xf32>
    %add3A_117 = arith.addf %dot_general3A_110, %add3A_116 : vector<1000x256xf32>
    %max3A_118 = arith.constant 0.000000e+00 : f32
    %max3A_119 = vector.broadcast %max3A_118 : f32 to vector<1000x256xf32>
    %max3A_120 = arith.maximumf %add3A_117, %max3A_119 : vector<1000x256xf32>
    %get3A_121 = arith.constant 2 : index
    %get3A_122 = arith.constant 0 : index
    %get3A_123 = arith.constant 0 : index
    %get3A_124 = vector.load %arg5[%get3A_121, %get3A_122, %get3A_123] : memref<3x256x256xf32, #tpu.memory_space<vmem>>, vector<1x256x256xf32>
    %get3A_125 = vector.shape_cast %get3A_124 : vector<1x256x256xf32> to vector<256x256xf32>
    %dot_general3A_126 = arith.constant dense<0.000000e+00> : vector<1000x256xf32>
    %dot_general3A_127 = tpu.matmul %max3A_120, %get3A_125, %dot_general3A_126 {dimension_numbers = #tpu.dot_dimension_numbers<[1], [0], [0], [1], [0, 0, 1, 1], [], []>, transpose_lhs_hint = false} : vector<1000x256xf32>, vector<256x256xf32>, vector<1000x256xf32> -> vector<1000x256xf32>
    %get3A_128 = arith.constant 2 : index
    %get3A_129 = arith.constant 0 : index
    %get3A_130 = arith.constant 0 : index
    %get3A_131 = vector.load %arg6[%get3A_128, %get3A_129, %get3A_130] : memref<3x1x256xf32, #tpu.memory_space<vmem>>, vector<1x1x256xf32>
    %get3A_132 = vector.shape_cast %get3A_131 : vector<1x1x256xf32> to vector<1x256xf32>
    %add3A_133 = vector.broadcast %get3A_132 : vector<1x256xf32> to vector<1000x256xf32>
    %add3A_134 = arith.addf %dot_general3A_127, %add3A_133 : vector<1000x256xf32>
    %max3A_135 = arith.constant 0.000000e+00 : f32
    %max3A_136 = vector.broadcast %max3A_135 : f32 to vector<1000x256xf32>
    %max3A_137 = arith.maximumf %add3A_134, %max3A_136 : vector<1000x256xf32>
    %get3A_138 = arith.constant 2 : index
    %get3A_139 = arith.constant 0 : index
    %get3A_140 = arith.constant 0 : index
    %get3A_141 = vector.load %arg7[%get3A_138, %get3A_139, %get3A_140] : memref<3x256x256xf32, #tpu.memory_space<vmem>>, vector<1x256x256xf32>
    %get3A_142 = vector.shape_cast %get3A_141 : vector<1x256x256xf32> to vector<256x256xf32>
    %dot_general3A_143 = arith.constant dense<0.000000e+00> : vector<1000x256xf32>
    %dot_general3A_144 = tpu.matmul %max3A_137, %get3A_142, %dot_general3A_143 {dimension_numbers = #tpu.dot_dimension_numbers<[1], [0], [0], [1], [0, 0, 1, 1], [], []>, transpose_lhs_hint = false} : vector<1000x256xf32>, vector<256x256xf32>, vector<1000x256xf32> -> vector<1000x256xf32>
    %add3A_145 = arith.addf %add3A_96, %dot_general3A_144 : vector<1000x256xf32>
    %get3A_146 = arith.constant 0 : index
    %get3A_147 = arith.constant 0 : index
    %get3A_148 = vector.load %arg8[%get3A_146, %get3A_147] : memref<1x256xf32, #tpu.memory_space<vmem>>, vector<1x256xf32>
    %add3A_149 = vector.broadcast %get3A_148 : vector<1x256xf32> to vector<1000x256xf32>
    %add3A_150 = arith.addf %add3A_145, %add3A_149 : vector<1000x256xf32>
    %max3A_151 = arith.constant 0.000000e+00 : f32
    %max3A_152 = vector.broadcast %max3A_151 : f32 to vector<1000x256xf32>
    %max3A_153 = arith.maximumf %add3A_150, %max3A_152 : vector<1000x256xf32>
    %get3A_154 = arith.constant 0 : index
    %get3A_155 = arith.constant 0 : index
    %get3A_156 = vector.load %arg9[%get3A_154, %get3A_155] : memref<256x256xf32, #tpu.memory_space<vmem>>, vector<256x256xf32>
    %dot_general3A_157 = arith.constant dense<0.000000e+00> : vector<1000x256xf32>
    %dot_general3A_158 = tpu.matmul %max3A_153, %get3A_156, %dot_general3A_157 {dimension_numbers = #tpu.dot_dimension_numbers<[1], [0], [0], [1], [0, 0, 1, 1], [], []>, transpose_lhs_hint = false} : vector<1000x256xf32>, vector<256x256xf32>, vector<1000x256xf32> -> vector<1000x256xf32>
    %get3A_159 = arith.constant 0 : index
    %get3A_160 = arith.constant 0 : index
    %get3A_161 = vector.load %arg10[%get3A_159, %get3A_160] : memref<1x256xf32, #tpu.memory_space<vmem>>, vector<1x256xf32>
    %add3A_162 = vector.broadcast %get3A_161 : vector<1x256xf32> to vector<1000x256xf32>
    %add3A_163 = arith.addf %dot_general3A_158, %add3A_162 : vector<1000x256xf32>
    %max3A_164 = arith.constant 0.000000e+00 : f32
    %max3A_165 = vector.broadcast %max3A_164 : f32 to vector<1000x256xf32>
    %max3A_166 = arith.maximumf %add3A_163, %max3A_165 : vector<1000x256xf32>
    %swap3A = arith.constant 0 : index
    %swap3A_167 = arith.constant 0 : index
    %swap3A_168 = vector.load %arg11[%swap3A, %swap3A_167] : memref<1000x256xf32, #tpu.memory_space<vmem>>, vector<1000x256xf32>
    tpu.vector_store %arg11[%swap3A, %swap3A_167], %max3A_166 {strides = array<i32>} : memref<1000x256xf32, #tpu.memory_space<vmem>>, vector<1000x256xf32>,
    return
  }
  func.func @transform_0(%arg0: i32) -> (i32, i32, i32) {
    %c0_i32 = arith.constant 0 : i32
    %c0_i32_0 = arith.constant 0 : i32
    %c0_i32_1 = arith.constant 0 : i32
    return %c0_i32, %arg0, %c0_i32_0 : i32, i32, i32
  }
  func.func @transform_1(%arg0: i32) -> (i32, i32) {
    %c0_i32 = arith.constant 0 : i32
    %c0_i32_0 = arith.constant 0 : i32
    return %arg0, %c0_i32 : i32, i32
  }
  func.func @transform_2(%arg0: i32) -> (i32, i32, i32) {
    %c0_i32 = arith.constant 0 : i32
    %c0_i32_0 = arith.constant 0 : i32
    %c0_i32_1 = arith.constant 0 : i32
    %c0_i32_2 = arith.constant 0 : i32
    return %c0_i32, %c0_i32_0, %c0_i32_1 : i32, i32, i32
  }
  func.func @transform_3(%arg0: i32) -> (i32, i32, i32) {
    %c0_i32 = arith.constant 0 : i32
    %c0_i32_0 = arith.constant 0 : i32
    %c0_i32_1 = arith.constant 0 : i32
    %c0_i32_2 = arith.constant 0 : i32
    return %c0_i32, %c0_i32_0, %c0_i32_1 : i32, i32, i32
  }
  func.func @transform_4(%arg0: i32) -> (i32, i32, i32) {
    %c0_i32 = arith.constant 0 : i32
    %c0_i32_0 = arith.constant 0 : i32
    %c0_i32_1 = arith.constant 0 : i32
    %c0_i32_2 = arith.constant 0 : i32
    return %c0_i32, %c0_i32_0, %c0_i32_1 : i32, i32, i32
  }
  func.func @transform_5(%arg0: i32) -> (i32, i32, i32) {
    %c0_i32 = arith.constant 0 : i32
    %c0_i32_0 = arith.constant 0 : i32
    %c0_i32_1 = arith.constant 0 : i32
    %c0_i32_2 = arith.constant 0 : i32
    return %c0_i32, %c0_i32_0, %c0_i32_1 : i32, i32, i32
  }
  func.func @transform_6(%arg0: i32) -> (i32, i32, i32) {
    %c0_i32 = arith.constant 0 : i32
    %c0_i32_0 = arith.constant 0 : i32
    %c0_i32_1 = arith.constant 0 : i32
    %c0_i32_2 = arith.constant 0 : i32
    return %c0_i32, %c0_i32_0, %c0_i32_1 : i32, i32, i32
  }
  func.func @transform_7(%arg0: i32) -> (i32, i32) {
    %c0_i32 = arith.constant 0 : i32
    %c0_i32_0 = arith.constant 0 : i32
    %c0_i32_1 = arith.constant 0 : i32
    return %c0_i32, %c0_i32_0 : i32, i32
  }
  func.func @transform_8(%arg0: i32) -> (i32, i32) {
    %c0_i32 = arith.constant 0 : i32
    %c0_i32_0 = arith.constant 0 : i32
    %c0_i32_1 = arith.constant 0 : i32
    return %c0_i32, %c0_i32_0 : i32, i32
  }
  func.func @transform_9(%arg0: i32) -> (i32, i32) {
    %c0_i32 = arith.constant 0 : i32
    %c0_i32_0 = arith.constant 0 : i32
    %c0_i32_1 = arith.constant 0 : i32
    return %c0_i32, %c0_i32_0 : i32, i32
  }
  func.func @transform_10(%arg0: i32) -> (i32, i32) {
    %c0_i32 = arith.constant 0 : i32
    %c0_i32_0 = arith.constant 0 : i32
    return %arg0, %c0_i32 : i32, i32
  }
}

</mosaic_0001>

<sc_bundles>
// kernel: kernel.4.cloned.1.call-start
scs
__scs_entry_jumppad:
0x0: {  	(pc) =	sbr.rel $0x88, $3  }
0x1: {  	(tag) =	ssettag $0x0;
	lr =	simm.s32 $0x1  }
0x2: {  	[smem:$0x3F96] =	sst lr;
	_ =	strace $0xD0000000  }
0x3: {  	_ = 	snop  }
0x4: {  	_ = 	snop  }
0x5: {  	_ = 	snop  }
0x6: {  	_ = 	snop  }
0x7: {  	_ = 	snop  }
__scs_overlays_trampoline_lowered:
0x8: {  	[smem:$0x3FA5] =	sst s0  }
0x9: {  	[smem:$0x3FA6] =	sst s1  }
0xa: {  	[smem:$0x3FA7] =	sst s2  }
0xb: {  	[smem:$0x3FA8] =	sst s3  }
0xc: {  	[smem:$0x3FA9] =	sst s4  }
0xd: {  	[smem:$0x3FAA] =	sst s5  }
0xe: {  	[smem:$0x3FAB] =	sst s6  }
0xf: {  	[smem:$0x3FAC] =	sst s7  }
0x10: {  	[smem:$0x3FAD] =	sst s8  }
0x11: {  	[smem:$0x3FAE] =	sst s9;
	s0 =	simm.s32 @!p0 $0x0  }
0x12: {  	s1 =	sld [smem:$0x3F94];
	s0 =	simm.s32 @p0 $0x1  }
0x13: {  	[smem:$0x3FAF] =	sst s0;
	s0 =	simm.s32 @!p1 $0x0  }
0x14: {  	s2 =	sld [smem:$0x3F93];
	s0 =	simm.s32 @p1 $0x1  }
0x15: {  	[smem:$0x3FB0] =	sst s0;
	s0 =	simm.s32 @!p2 $0x0  }
0x16: {  	s3 =	sld [smem:$0x3FDB];
	s0 =	simm.s32 @p2 $0x1  }
0x17: {  	s4 =	simm.s32 $0x1BF5;
	[smem:$0x3FB2] =	sst s0  }
0x18: {  	s0 =	sld [smem:$0x3F95];
	_ =	swait.ge [sflag:s4], $0x0  }
0x19: {  	s7 =	sld [smem:$0x3F96]  }
0x1a: {  	s8 =	sadd.s32 $0xFFFFE003, lr  }
0x1b: {  	s9 =	sadd.s32 $0xFFFFFEF7, lr;
	s5 =	simm.s32 $0xFFFFFFFF;
	p2 =	slt.u32 s8, $0xFFFFF086  }
0x1c: {  	p1 =	slt.u32 s9, $0xF7A;
	s5 =	simm.s32 @!p2 $0x0  }
0x1d: {  	s5 =	simm.s32 @p1 $0x1;
	p0 =	seq.s32 s7, s2  }
0x1e: {  	s7 =	smul.u32 @!p0 $0xF7A, s2;
	p2 =	seq.s32 @!p0 s5, $0x0  }
0x1f: {  	s9 =	smul.u32 $0xF7A, s1;
	s8 =	simm.s32 @!p0 $0x1BF5;
	p2 =	por !p2, p0  }
0x20: {  	[sflag:s8] =	ssyncset.s32 @!p0 $0xFFFFF086;
	s6 =	sadd.s32 @!p0 s3, s7;
	s7 =	simm.s32 @!p0 $0x108  }
0x21: {  	s3 =	sadd.s32 s3, s9;
	s6 =	sadd.s32 @!p0 $0x88, s6;
	s7 =	simm.s32 @p2 $0x1082  }
0x22: {  	[simem:s7], [sflag:s8] =	dma.local @!p0 [hbm:s6], $0xF7A  }
0x23: {  	s9 =	sor.u32 $0xD0000000, s2;
	s6 =	simm.s32 $0x108;
	_ =	swait.ge @!p0 [sflag:s8], $0x0  }
0x24: {  	s3 =	sadd.s32 $0x88, s3;
	s6 =	simm.s32 @!p1 $0x1082;
	[sflag:s4] =	ssyncset.s32 $0xFFFFF086  }
0x25: {  	[simem:s6], [sflag:s4] =	dma.local [hbm:s3], $0xF7A  }
0x26: {  	[smem:$0x3F96] =	sst s1;
	(tag) =	ssettag s2;
	_ =	strace s9  }
0x27: {  	s1 =	sld [smem:$0x3FA6]  }
0x28: {  	s2 =	sld [smem:$0x3FA7]  }
0x29: {  	s4 =	sld [smem:$0x3FA9]  }
0x2a: {  	p0 =	seq.s32 s5, $0x0;
	s5 =	sld [smem:$0x3FAA]  }
0x2b: {  	s6 =	sld [smem:$0x3FAB]  }
0x2c: {  	s7 =	sld [smem:$0x3FAC]  }
0x2d: {  	s3 =	simm.s32 $0x108;
	s8 =	sld [smem:$0x3FAD]  }
0x2e: {  	s3 =	simm.s32 @!p0 $0x1082;
	s9 =	sld [smem:$0x3FAE]  }
0x2f: {  	lr =	sadd.s32 s0, s3;
	s0 =	sld [smem:$0x3FA5]  }
0x30: {  	s3 =	sld [smem:$0x3FA8]  }
0x31: {  	[smem:$0x3FB1] =	sst s10  }
0x32: {  	s10 =	sld [smem:$0x3FAF];
	_ =	sdelay $0x3  }
0x33: {  	p0 =	seq.s32 s10, $0x1;
	s10 =	sld [smem:$0x3FB1];
	_ =	sdelay $0x3  }
0x34: {  	[smem:$0x3FB1] =	sst s10  }
0x35: {  	s10 =	sld [smem:$0x3FB0];
	_ =	sdelay $0x3  }
0x36: {  	p1 =	seq.s32 s10, $0x1;
	s10 =	sld [smem:$0x3FB1];
	_ =	sdelay $0x3  }
0x37: {  	[smem:$0x3FB1] =	sst s10  }
0x38: {  	s10 =	sld [smem:$0x3FB2]  }
0x39: {  	_ = 	snop;
	(pc) =	sbr.ind lr, $3  }
0x3a: {  	_ = 	snop  }
0x3b: {  	_ = 	snop  }
0x3c: {  	p2 =	seq.s32 s10, $0x1;
	s10 =	sld [smem:$0x3FB1]  }
0x3d: {  	_ =	shalt  }
0x3e: {  	_ =	shalt  }
0x3f: {  	_ =	shalt  }
0x40: {  	_ =	shalt  }
0x41: {  	_ =	shalt  }
0x42: {  	_ =	shalt  }
0x43: {  	_ =	shalt  }
0x44: {  	_ =	shalt  }
0x45: {  	_ =	shalt  }
0x46: {  	_ =	shalt  }
0x47: {  	_ =	shalt  }
0x48: {  	_ =	shalt  }
0x49: {  	_ =	shalt  }
0x4a: {  	_ =	shalt  }
0x4b: {  	_ =	shalt  }
0x4c: {  	_ =	shalt  }
0x4d: {  	_ =	shalt  }
0x4e: {  	_ =	shalt  }
0x4f: {  	_ =	shalt  }
0x50: {  	_ =	shalt  }
0x51: {  	_ =	shalt  }
0x52: {  	_ =	shalt  }
0x53: {  	_ =	shalt  }
0x54: {  	_ =	shalt  }
0x55: {  	_ =	shalt  }
0x56: {  	_ =	shalt  }
0x57: {  	_ =	shalt  }
0x58: {  	_ =	shalt  }
0x59: {  	_ =	shalt  }
0x5a: {  	_ =	shalt  }
0x5b: {  	_ =	shalt  }
0x5c: {  	_ =	shalt  }
0x5d: {  	_ =	shalt  }
0x5e: {  	_ =	shalt  }
0x5f: {  	_ =	shalt  }
0x60: {  	_ =	shalt  }
0x61: {  	_ =	shalt  }
0x62: {  	_ =	shalt  }
0x63: {  	_ =	shalt  }
0x64: {  	_ =	shalt  }
0x65: {  	_ =	shalt  }
0x66: {  	_ =	shalt  }
0x67: {  	_ =	shalt  }
0x68: {  	_ =	shalt  }
0x69: {  	_ =	shalt  }
0x6a: {  	_ =	shalt  }
0x6b: {  	_ =	shalt  }
0x6c: {  	_ =	shalt  }
0x6d: {  	_ =	shalt  }
0x6e: {  	_ =	shalt  }
0x6f: {  	_ =	shalt  }
0x70: {  	_ =	shalt  }
0x71: {  	_ =	shalt  }
0x72: {  	_ =	shalt  }
0x73: {  	_ =	shalt  }
0x74: {  	_ =	shalt  }
0x75: {  	_ =	shalt  }
0x76: {  	_ =	shalt  }
0x77: {  	_ =	shalt  }
0x78: {  	_ =	shalt  }
0x79: {  	_ =	shalt  }
0x7a: {  	_ =	shalt  }
0x7b: {  	_ =	shalt  }
0x7c: {  	_ =	shalt  }
0x7d: {  	_ =	shalt  }
0x7e: {  	_ =	shalt  }
0x7f: {  	_ =	shalt  }
0x80: {  	_ =	shalt  }
0x81: {  	_ =	shalt  }
0x82: {  	_ =	shalt  }
0x83: {  	_ =	shalt  }
0x84: {  	_ =	shalt  }
0x85: {  	_ =	shalt  }
0x86: {  	_ =	shalt  }
0x87: {  	_ =	shalt  }
.Lfunc_end0:
.L_simem_size_0:
called_computation_lowered:
.L_overlay_start_0:
0x88: {  	s2 =	sld [smem:$0x3FD9]  }
0x89: {  	s3 =	sld [smem:$0x3FFE];
	_ =	sdelay $0x1  }
0x8a: {  	s1 =	srdreg.scid  }
0x8b: {  	s0 =	sand.u32 $0x1, s1  }
0x8c: {  	s17 =	sshll.u32 s0, $0xA;
	s2 =	sadd.s32 s3, s2  }
0x8d: {  	s2 =	sadd.s32 s2, s17  }
0x8e: {  	[smem:$0x3FBD] =	sst s2  }
0x8f: {  	_ = 	snop  }
0x90: {  	s2 =	sld [smem:$0x3FD0];
	(tm) =	ssettm $0x1  }
0x91: {  	s18 =	sld [smem:$0x3FFB];
	_ =	sdelay $0x3  }
0x92: {  	_ =	strace s18  }
0x93: {  	s3 =	sld [smem:$0x3FFC];
	_ =	sdelay $0x3  }
0x94: {  	_ =	strace s3  }
0x95: {  	s3 =	sld [smem:$0x3FFD];
	_ =	sdelay $0x3  }
0x96: {  	_ =	strace s3  }
0x97: {  	_ =	strace $0x8FFFFFFF  }
0x98: {  	s19 =	sld [smem:$0x3FDB];
	_ =	sdelay $0x1  }
0x99: {  	s4 =	simm.s32 $_scs_section_size  }
0x9a: {  	s5 =	simm.s32 $_size__tile_overlayer_lowered;
	s6 =	simm.s32 $_tile_overlayer_lowered  }
0x9b: {  	s22 =	simm.s32 $0x1BFF;
	s21 =	sshll.u32 s6, $0x1;
	s3 =	sadd.s32 s4, s19  }
0x9c: {  	s7 =	simm.s32 $0x0;
	s20 =	sshll.u32 s5, $0x1;
	s5 =	sadd.s32 s21, s3  }
0x9d: {  	[timem:s7], [sflag:s22] =	dma.local [hbm:s5], s20  }
0x9e: {  	_ =	swait.ge [sflag:s22], s20  }
0x9f: {  	s4 =	ssub.s32 $0x0, s20;
	[sflag:s22] =	ssyncset.done $0x0  }
0xa0: {  	[sflag:s22] =	ssyncadd.s32 s4;
	_ =	sdelay $0x1  }
0xa1: {  	s23 =	simm.s32 $0x1B8B  }
0xa2: {  	_ =	swait.ge [sflag:s23], $0x1  }
0xa3: {  	[sflag:s23] =	ssyncset.done $0x0  }
0xa4: {  	s25 =	simm.s32 $0x1B8E;
	s24 =	sld [smem:$0x3FFE];
	[sflag:s23] =	ssyncadd.s32 $0xFFFFFFFF  }
0xa5: {  	s26 =	simm.s32 $execute0_lowered;
	[smem:$0x3FD2] =	sst s25  }
0xa6: {  	s5 =	sshll.u32 s26, $0x1;
	_ =	strace $0x80000046;
	[dreg:$0x1] =	wrdreg $0xFFFFFFFF  }
0xa7: {  	s28 =	simm.s32 $_size_execute0_lowered;
	s3 =	sadd.s32 s3, s5;
	[dreg:$0x0] =	wrdreg $0x0  }
0xa8: {  	s5 =	sshll.u32 s28, $0x1;
	[dreg:$0x2] =	wrdreg s3  }
0xa9: {  	[dreg:$0x3] =	wrdreg s5  }
0xaa: {  	[dreg:$0x4] =	wrdreg $0xC0  }
0xab: {  	_ =	task [dreg:s7], $0x5FFFF  }
0xac: {  	[dreg:$0x1] =	wrdreg $0xFFFFFFFF  }
0xad: {  	[dreg:$0x0] =	wrdreg $0x60  }
0xae: {  	[dreg:$0x2] =	wrdreg s2  }
0xaf: {  	[dreg:$0x3] =	wrdreg s24  }
0xb0: {  	[dreg:$0x4] =	wrdreg $0xA0000  }
0xb1: {  	[dreg:$0x5] =	wrdreg $0x9  }
0xb2: {  	_ =	task.clear_ibuf [dreg:s7], $0x6FFFF;
	_ =	strace $0x90000046  }
0xb3: {  	s29 =	simm.s32 $0x9;
	_ =	strace $0x80000048  }
0xb4: {  	_ =	swait.ge [sflag:s29], $0x1  }
0xb5: {  	[sflag:s29] =	ssyncadd.s32 $0xFFFFFFFF  }
0xb6: {  	_ =	strace $0x90000048  }
0xb7: {  	_ =	sfence  }
0xb8: {  	s30 =	sld [smem:$0x0];
	_ =	sdelay $0x2  }
0xb9: {  	s31 =	sshll.u32 s1, $0xD;
	s1 =	sshrl.u32 s1, $0x2  }
0xba: {  	s3 =	sand.u32 $0x4000, s31;
	s1 =	sadd.s32 s1, s30  }
0xbb: {  	s0 =	sor.u32 s3, s0;
	s1 =	sshll.u32 s1, $0x11  }
0xbc: {  	s0 =	sor.u32 s1, s0  }
0xbd: {  	s0 =	sadd.s32 $0x8F2B, s0  }
0xbe: {  	[sflag:s0] =	ssyncadd.remote.s32 $0x1  }
0xbf: {  	_ =	sfence.sel $0xFFFF  }
0xc0: {  	[dreg:$0x0] =	wrdreg $0xFFFFFFFF;
	(pc) =	sbr.abs _section_cstart, $3  }
0xc1: {  	[dreg:$0x1] =	wrdreg $0xFFFFFFFF  }
0xc2: {  	_ =	task.clear_ibuf [dreg:s7], $0x2FFFF;
	_ =	strace $0x9FFFFFFF  }
0xc3: {  	(tm) =	ssettm $0x7FFFFFFF  }
tec
execute0_lowered:
.L_overlay_start_1:
0x0: {  	(tag) =	ssettag $0x1  }
0x1: {  	s1 =	rddreg [dreg:$0x0]  }
0x2: {  	s0 =	rddreg [dreg:$0x1]  }
0x3: {  	s3 =	rddreg [dreg:$0x2];
	s2 =	simm.s32 $0x0  }
0x4: {  	s11 =	stileid.u32;
	s4 =	srdreg.scid;
	s28 =	simm.s32 $0x8  }
0x5: {  	s30 =	simm.s32 $0xA;
	s31 =	simm.s32 $0x9000;
	s29 =	simm.s32 $0x5  }
0x6: {  	[smem:$0x7FF] =	sst s2;
	s26 =	smul.u32 $0x2800, s11;
	s5 =	sadd.s32 $0x1A00, s0  }
0x7: {  	s4 =	sand.u32 $0x1, s4;
	s8 =	smul.u32 $0x3C000, s11;
	s10 =	sadd.s32 $0x15A00, s0  }
0x8: {  	s24 =	smul.u32 $0x7800, s11;
	_ =	strace $0x80000047;
	s7 =	ssub.s32 $0x2, s4  }
0x9: {  	[dreg:$0x4] =	wrdreg s10;
	p0 =	seq.s32 s4, $0x0;
	s6 =	sshrl.u32 s26, $0x3  }
0xa: {  	s13 =	sshrl.u32 s7, $0x1;
	s14 =	sshrl.u32 s8, $0x2;
	s9 =	sadd.s32 s6, s0  }
0xb: {  	s10 =	ssub.s32 s7, s13;
	s7 =	sadd.s32 s14, s3;
	s15 =	sadd.s32 $0x15C00, s9  }
0xc: {  	s4 =	sshll.u32 s4, $0x2;
	s16 =	sadd.s32 $0x2000, s7;
	[dreg:$0x5] =	wrdreg s15  }
0xd: {  	s0 =	sadd.s32 $0x1AC00, s0;
	s17 =	sadd.s32 $0x3000, s7;
	[dreg:$0x6] =	wrdreg s16  }
0xe: {  	s8 =	sadd.s32 $0x5000, s6;
	s18 =	sadd.s32 $0x4000, s7;
	[dreg:$0x7] =	wrdreg s17  }
0xf: {  	s19 =	sadd.s32 $0x5000, s7;
	s20 =	sadd.s32 $0x6000, s7;
	[dreg:$0x8] =	wrdreg s18  }
0x10: {  	s21 =	sadd.s32 $0x7000, s7;
	s9 =	simm.s32 $0x50000;
	[dreg:$0x9] =	wrdreg s19  }
0x11: {  	s12 =	sadd.s32 $0x8000, s7;
	s22 =	sadd.s32 $0x9000, s7;
	[dreg:$0xa] =	wrdreg s20  }
0x12: {  	s23 =	sadd.s32 $0xA000, s7;
	s8 =	smov.u32 @p0 s6;
	[dreg:$0xb] =	wrdreg s21  }
0x13: {  	s4 =	sadd.s32 s4, s0;
	s6 =	simm.s32 $0x9;
	[dreg:$0xc] =	wrdreg s12  }
0x14: {  	s15 =	sadd.s32 $0x1000, s7;
	[dreg:$0xd] =	wrdreg s22;
	s9 =	simm.s32 @!p0 $0x78000  }
0x15: {  	[dreg:$0xe] =	wrdreg s23;
	s8 =	sadd.s32 s5, s8;
	s20 =	sadd.s32 $0xB000, s7  }
0x16: {  	s21 =	sadd.s32 $0xC000, s7;
	s25 =	sadd.s32 s4, s24;
	s18 =	simm.s32 $0x1  }
0x17: {  	s22 =	simm.s32 $0x7000;
	s23 =	simm.s32 $0x2;
	s19 =	simm.s32 $0x3  }
0x18: {  	s4 =	simm.s32 $0x4;
	s2 =	sadd.s32 s9, s26;
	[dreg:$0xf] =	wrdreg s8  }
0x19: {  	[dreg:$0x11] =	wrdreg s25;
	s26 =	smax.u32 s10, $0x1;
	s2 =	sshrl.u32 s2, $0x3  }
0x1a: {  	s25 =	simm.s32 $0x8000;
	s8 =	simm.s32 $0x6;
	s2 =	sadd.s32 s5, s2  }
.Ltmp0:
0x1b: {  	[dreg:$0x10] =	wrdreg s2;
	s2 =	simm.s32 $0x8;
	(pc) =	sbr.rel .LBB2_1-.Ltmp0, $4  }
0x1c: {  	s9 =	simm.s32 $0x7;
	s10 =	simm.s32 $0x0;
	s2 =	simm.s32 @!p0 $0xC  }
0x1d: {  	[dreg:$0x13] =	wrdreg s26;
	s26 =	sadd.s32 $0xE000, s7;
	s0 =	sadd.s32 s2, s0  }
0x1e: {  	s5 =	simm.s32 $0x6000;
	s2 =	simm.s32 $0x5000;
	s0 =	sadd.s32 s24, s0  }
0x1f: {  	s24 =	sadd.s32 $0xD000, s7;
	[dreg:$0x12] =	wrdreg s0;
	s0 =	simm.s32 $0x80  }
.LBB2_7:
0x20: {  	_ =	swait.ge [sflag:s4], $0x1000  }
0x21: {  	[sflag:s4] =	ssyncset.done $0x0  }
0x22: {  	[sflag:s4] =	ssyncadd.s32 $0xFFFFF000  }
0x23: {  	[spmem:s3] =	stream.indirect.scatter.add.bf16 [tilespmem:s25], [sflag:$0x8], $0x20, s15, s0, $0xb8;
	[tilespmem:$0x19000] =	vst v63  }
0x24: {  	_ =	swait.ge [sflag:s8], $0x1000  }
0x25: {  	[sflag:s8] =	ssyncset.done $0x0  }
0x26: {  	[sflag:s8] =	ssyncadd.s32 $0xFFFFF000  }
0x27: {  	_ =	swait.ge [sflag:s9], $0x1000  }
0x28: {  	[sflag:s9] =	ssyncset.done $0x0  }
0x29: {  	[sflag:s9] =	ssyncadd.s32 $0xFFFFF000  }
0x2a: {  	_ =	swait.ge [sflag:s28], $0x1000  }
0x2b: {  	[sflag:s28] =	ssyncset.done $0x0  }
0x2c: {  	[sflag:s28] =	ssyncadd.s32 $0xFFFFF000  }
0x2d: {  	[bflag:$0x0] =	sbarrier.arrive $0xFFFF  }
0x2e: {  	s14 =	simm.s32 $0x10;
	s13 =	rddreg [dreg:$0x12]  }
0x2f: {  	[hbm:s13@s14], [sflag:s11] =	dma.strided [spmem:s12@s4], $0x1E00, s18, $0x4   }
0x30: {  	_ =	swait.ge [sflag:s30], $0x1E00  }
0x31: {  	s10 =	sadd.s32 $0x1, s10;
	s16 =	rddreg [dreg:$0x13]  }
0x32: {  	p0 =	sne.s32 s10, s16  }
.Ltmp1:
0x33: {  	_ = 	snop;
	(pc) =	sbr.rel @!p0 .LBB2_8-.Ltmp1, $3  }
0x34: {  	_ =	sdelay $0x1  }
0x35: {  	[sflag:s30] =	ssyncset.done $0x0  }
0x36: {  	s15 =	smov.u32 s17;
	[sflag:s30] =	ssyncadd.s32 $0xFFFFE200  }
.LBB2_1:
0x37: {  	s11 =	simm.s32 $0x0;
	s12 =	rddreg [dreg:$0x5];
	s13 =	simm.s32 $0x2800  }
0x38: {  	[tilespmem:s13], [sflag:$0xA] =	stream.linear.gather [hbm4b:s12+s11], $0x2800, $0x38;
	[tilespmem:$0x19000] =	vst v63  }
0x39: {  	_ =	swait.ge [sflag:s30], $0x2800  }
0x3a: {  	[sflag:s30] =	ssyncset.done $0x0  }
0x3b: {  	s16 =	rddreg [dreg:$0x4];
	[sflag:s30] =	ssyncadd.s32 $0xFFFFD800  }
0x3c: {  	[tilespmem:s31], [sflag:$0xA] =	stream.linear.gather [hbm4b:s16+s11], $0x1000, $0x38;
	[tilespmem:$0x19000] =	vst v63  }
0x3d: {  	_ =	swait.ge [sflag:s30], $0x1000  }
0x3e: {  	[sflag:s30] =	ssyncset.done $0x0  }
0x3f: {  	s17 =	rddreg [dreg:$0xf];
	[sflag:s30] =	ssyncadd.s32 $0xFFFFF000  }
0x40: {  	[tilespmem:s11], [sflag:$0xA] =	stream.linear.gather [hbm4b:s17+s11], $0x2800, $0x38;
	[tilespmem:$0x19000] =	vst v63  }
0x41: {  	_ =	swait.ge [sflag:s30], $0x2800  }
0x42: {  	[sflag:s30] =	ssyncset.done $0x0  }
0x43: {  	[sflag:s30] =	ssyncadd.s32 $0xFFFFD800  }
0x44: {  	[tilespmem:s2], [sflag:$0x1] =	stream.indirect.gather [hbm4b:s1+s0], $0x20, s11, s0, $0xb8;
	[tilespmem:$0x19000] =	vst v63  }
0x45: {  	_ = 	snop  }
0x46: {  	[tilespmem:s5], [sflag:$0x2] =	stream.indirect.gather [hbm4b:s1+s0], $0x20, s0, s0, $0xb8;
	[tilespmem:$0x19000] =	vst v63  }
0x47: {  	_ = 	snop  }
0x48: {  	[spmem:s7] =	stream.linear.scatter [tilespmem:s31], [sflag:$0x9], $0x1000, $0x38;
	[tilespmem:$0x19000] =	vst v63  }
0x49: {  	_ = 	snop  }
0x4a: {  	[spmem:s15] =	stream.linear.scatter [tilespmem:s31], [sflag:$0x9], $0x1000, $0x38;
	[tilespmem:$0x19000] =	vst v63  }
0x4b: {  	s12 =	rddreg [dreg:$0x6]  }
0x4c: {  	[spmem:s12] =	stream.linear.scatter [tilespmem:s31], [sflag:$0x9], $0x1000, $0x38;
	[tilespmem:$0x19000] =	vst v63  }
0x4d: {  	s14 =	rddreg [dreg:$0x7]  }
0x4e: {  	[spmem:s14] =	stream.linear.scatter [tilespmem:s31], [sflag:$0x9], $0x1000, $0x38;
	[tilespmem:$0x19000] =	vst v63  }
0x4f: {  	s16 =	rddreg [dreg:$0x8]  }
0x50: {  	[spmem:s16] =	stream.linear.scatter [tilespmem:s31], [sflag:$0x9], $0x1000, $0x38;
	[tilespmem:$0x19000] =	vst v63  }
0x51: {  	s17 =	rddreg [dreg:$0x9]  }
0x52: {  	[spmem:s17] =	stream.linear.scatter [tilespmem:s31], [sflag:$0x9], $0x1000, $0x38;
	[tilespmem:$0x19000] =	vst v63  }
0x53: {  	s12 =	rddreg [dreg:$0xa]  }
0x54: {  	[spmem:s12] =	stream.linear.scatter [tilespmem:s31], [sflag:$0x9], $0x1000, $0x38;
	[tilespmem:$0x19000] =	vst v63  }
0x55: {  	s14 =	rddreg [dreg:$0xb]  }
0x56: {  	[spmem:s14] =	stream.linear.scatter [tilespmem:s31], [sflag:$0x9], $0x1000, $0x38;
	[tilespmem:$0x19000] =	vst v63  }
0x57: {  	s16 =	rddreg [dreg:$0xc]  }
0x58: {  	[spmem:s16] =	stream.linear.scatter [tilespmem:s31], [sflag:$0x9], $0x1000, $0x38;
	[tilespmem:$0x19000] =	vst v63  }
0x59: {  	s17 =	rddreg [dreg:$0xd]  }
0x5a: {  	[spmem:s17] =	stream.linear.scatter [tilespmem:s31], [sflag:$0x9], $0x1000, $0x38;
	[tilespmem:$0x19000] =	vst v63  }
0x5b: {  	s12 =	rddreg [dreg:$0xe]  }
0x5c: {  	[spmem:s12] =	stream.linear.scatter [tilespmem:s31], [sflag:$0x9], $0x1000, $0x38;
	[tilespmem:$0x19000] =	vst v63  }
0x5d: {  	_ = 	snop  }
0x5e: {  	[spmem:s20] =	stream.linear.scatter [tilespmem:s31], [sflag:$0x9], $0x1000, $0x38;
	[tilespmem:$0x19000] =	vst v63  }
0x5f: {  	_ = 	snop  }
0x60: {  	[spmem:s21] =	stream.linear.scatter [tilespmem:s31], [sflag:$0x9], $0x1000, $0x38;
	[tilespmem:$0x19000] =	vst v63  }
0x61: {  	_ = 	snop  }
0x62: {  	[spmem:s24] =	stream.linear.scatter [tilespmem:s31], [sflag:$0x9], $0x1000, $0x38;
	[tilespmem:$0x19000] =	vst v63  }
0x63: {  	_ = 	snop  }
0x64: {  	[spmem:s26] =	stream.linear.scatter [tilespmem:s31], [sflag:$0x9], $0x1000, $0x38;
	[tilespmem:$0x19000] =	vst v63  }
0x65: {  	_ =	swait.ge [sflag:s6], $0x1000  }
0x66: {  	[sflag:s6] =	ssyncset.done $0x0  }
0x67: {  	[sflag:s6] =	ssyncadd.s32 $0xFFFFF000  }
0x68: {  	_ =	swait.ge [sflag:s6], $0x1000  }
0x69: {  	[sflag:s6] =	ssyncset.done $0x0  }
0x6a: {  	[sflag:s6] =	ssyncadd.s32 $0xFFFFF000  }
0x6b: {  	_ =	swait.ge [sflag:s6], $0x1000  }
0x6c: {  	[sflag:s6] =	ssyncset.done $0x0  }
0x6d: {  	[sflag:s6] =	ssyncadd.s32 $0xFFFFF000  }
0x6e: {  	_ =	swait.ge [sflag:s6], $0x1000  }
0x6f: {  	[sflag:s6] =	ssyncset.done $0x0  }
0x70: {  	[sflag:s6] =	ssyncadd.s32 $0xFFFFF000  }
0x71: {  	_ =	swait.ge [sflag:s6], $0x1000  }
0x72: {  	[sflag:s6] =	ssyncset.done $0x0  }
0x73: {  	[sflag:s6] =	ssyncadd.s32 $0xFFFFF000  }
0x74: {  	_ =	swait.ge [sflag:s6], $0x1000  }
0x75: {  	[sflag:s6] =	ssyncset.done $0x0  }
0x76: {  	[sflag:s6] =	ssyncadd.s32 $0xFFFFF000  }
0x77: {  	_ =	swait.ge [sflag:s6], $0x1000  }
0x78: {  	[sflag:s6] =	ssyncset.done $0x0  }
0x79: {  	[sflag:s6] =	ssyncadd.s32 $0xFFFFF000  }
0x7a: {  	_ =	swait.ge [sflag:s6], $0x1000  }
0x7b: {  	[sflag:s6] =	ssyncset.done $0x0  }
0x7c: {  	[sflag:s6] =	ssyncadd.s32 $0xFFFFF000  }
0x7d: {  	_ =	swait.ge [sflag:s6], $0x1000  }
0x7e: {  	[sflag:s6] =	ssyncset.done $0x0  }
0x7f: {  	[sflag:s6] =	ssyncadd.s32 $0xFFFFF000  }
0x80: {  	_ =	swait.ge [sflag:s6], $0x1000  }
0x81: {  	[sflag:s6] =	ssyncset.done $0x0  }
0x82: {  	[sflag:s6] =	ssyncadd.s32 $0xFFFFF000  }
0x83: {  	_ =	swait.ge [sflag:s6], $0x1000  }
0x84: {  	[sflag:s6] =	ssyncset.done $0x0  }
0x85: {  	[sflag:s6] =	ssyncadd.s32 $0xFFFFF000  }
0x86: {  	_ =	swait.ge [sflag:s6], $0x1000  }
0x87: {  	[sflag:s6] =	ssyncset.done $0x0  }
0x88: {  	[sflag:s6] =	ssyncadd.s32 $0xFFFFF000  }
0x89: {  	_ =	swait.ge [sflag:s6], $0x1000  }
0x8a: {  	[sflag:s6] =	ssyncset.done $0x0  }
0x8b: {  	[sflag:s6] =	ssyncadd.s32 $0xFFFFF000  }
0x8c: {  	_ =	swait.ge [sflag:s6], $0x1000  }
0x8d: {  	[sflag:s6] =	ssyncset.done $0x0  }
0x8e: {  	[sflag:s6] =	ssyncadd.s32 $0xFFFFF000  }
0x8f: {  	_ =	swait.ge [sflag:s6], $0x1000  }
0x90: {  	[sflag:s6] =	ssyncset.done $0x0  }
0x91: {  	[sflag:s6] =	ssyncadd.s32 $0xFFFFF000  }
0x92: {  	[bflag:$0x0] =	sbarrier.arrive $0xFFFF  }
0x93: {  	_ =	swait.ge [sflag:s18], $0x1000  }
0x94: {  	[sflag:s18] =	ssyncset.done $0x0  }
0x95: {  	[sflag:s18] =	ssyncadd.s32 $0xFFFFF000  }
0x96: {  	[spmem:s3] =	stream.indirect.scatter.add.bf16 [tilespmem:s2], [sflag:$0x5], $0x20, s13, s0, $0xb8;
	[tilespmem:$0x19000] =	vst v63  }
0x97: {  	s13 =	simm.s32 $0x100  }
0x98: {  	[tilespmem:s22], [sflag:$0x3] =	stream.indirect.gather [hbm4b:s1+s0], $0x20, s13, s0, $0xb8;
	[tilespmem:$0x19000] =	vst v63  }
0x99: {  	_ =	swait.ge [sflag:s23], $0x1000  }
0x9a: {  	[sflag:s23] =	ssyncset.done $0x0  }
0x9b: {  	s14 =	simm.s32 $0x2880;
	[sflag:s23] =	ssyncadd.s32 $0xFFFFF000  }
0x9c: {  	[spmem:s3] =	stream.indirect.scatter.add.bf16 [tilespmem:s5], [sflag:$0x6], $0x20, s14, s0, $0xb8;
	[tilespmem:$0x19000] =	vst v63  }
0x9d: {  	s17 =	simm.s32 $0x180  }
0x9e: {  	[tilespmem:s25], [sflag:$0x4] =	stream.indirect.gather [hbm4b:s1+s0], $0x20, s17, s0, $0xb8;
	[tilespmem:$0x19000] =	vst v63  }
0x9f: {  	_ =	swait.ge [sflag:s19], $0x1000  }
0xa0: {  	[sflag:s19] =	ssyncset.done $0x0  }
0xa1: {  	s12 =	simm.s32 $0x2900;
	[sflag:s19] =	ssyncadd.s32 $0xFFFFF000  }
0xa2: {  	[spmem:s3] =	stream.indirect.scatter.add.bf16 [tilespmem:s22], [sflag:$0x7], $0x20, s12, s0, $0xb8;
	[tilespmem:$0x19000] =	vst v63  }
0xa3: {  	_ =	swait.ge [sflag:s29], $0x1000  }
0xa4: {  	[sflag:s29] =	ssyncset.done $0x0  }
0xa5: {  	s13 =	simm.s32 $0x200;
	[sflag:s29] =	ssyncadd.s32 $0xFFFFF000  }
0xa6: {  	[tilespmem:s2], [sflag:$0x1] =	stream.indirect.gather [hbm4b:s1+s0], $0x20, s13, s0, $0xb8;
	[tilespmem:$0x19000] =	vst v63  }
0xa7: {  	_ =	swait.ge [sflag:s4], $0x1000  }
0xa8: {  	[sflag:s4] =	ssyncset.done $0x0  }
0xa9: {  	s14 =	simm.s32 $0x2980;
	[sflag:s4] =	ssyncadd.s32 $0xFFFFF000  }
0xaa: {  	[spmem:s3] =	stream.indirect.scatter.add.bf16 [tilespmem:s25], [sflag:$0x8], $0x20, s14, s0, $0xb8;
	[tilespmem:$0x19000] =	vst v63  }
0xab: {  	_ =	swait.ge [sflag:s8], $0x1000  }
0xac: {  	s11 =	simm.s32 $0x0;
	[sflag:s8] =	ssyncset.done $0x0  }
0xad: {  	s16 =	simm.s32 $0x2800;
	s17 =	simm.s32 $0x280;
	[sflag:s8] =	ssyncadd.s32 $0xFFFFF000  }
0xae: {  	[tilespmem:s5], [sflag:$0x2] =	stream.indirect.gather [hbm4b:s1+s0], $0x20, s17, s0, $0xb8;
	[tilespmem:$0x19000] =	vst v63  }
.LBB2_2:
0xaf: {  	_ =	swait.ge [sflag:s18], $0x1000  }
0xb0: {  	s12 =	sshra.s32 s11, $0x2;
	[sflag:s18] =	ssyncset.done $0x0  }
0xb1: {  	s13 =	sadd.s32 $0x2A00, s12;
	[sflag:s18] =	ssyncadd.s32 $0xFFFFF000  }
0xb2: {  	[spmem:s3] =	stream.indirect.scatter.add.bf16 [tilespmem:s2], [sflag:$0x5], $0x20, s13, s0, $0xb8;
	[tilespmem:$0x19000] =	vst v63  }
0xb3: {  	_ =	swait.ge [sflag:s9], $0x1000  }
0xb4: {  	[sflag:s9] =	ssyncset.done $0x0  }
0xb5: {  	s14 =	sadd.s32 $0x300, s12;
	[sflag:s9] =	ssyncadd.s32 $0xFFFFF000  }
0xb6: {  	[tilespmem:s22], [sflag:$0x3] =	stream.indirect.gather [hbm4b:s1+s0], $0x20, s14, s0, $0xb8;
	[tilespmem:$0x19000] =	vst v63  }
0xb7: {  	_ =	swait.ge [sflag:s23], $0x1000  }
0xb8: {  	[sflag:s23] =	ssyncset.done $0x0  }
0xb9: {  	s17 =	sadd.s32 $0x2A80, s12;
	[sflag:s23] =	ssyncadd.s32 $0xFFFFF000  }
0xba: {  	[spmem:s3] =	stream.indirect.scatter.add.bf16 [tilespmem:s5], [sflag:$0x6], $0x20, s17, s0, $0xb8;
	[tilespmem:$0x19000] =	vst v63  }
0xbb: {  	_ =	swait.ge [sflag:s28], $0x1000  }
0xbc: {  	[sflag:s28] =	ssyncset.done $0x0  }
0xbd: {  	s14 =	sadd.s32 $0x380, s12;
	[sflag:s28] =	ssyncadd.s32 $0xFFFFF000  }
0xbe: {  	[tilespmem:s25], [sflag:$0x4] =	stream.indirect.gather [hbm4b:s1+s0], $0x20, s14, s0, $0xb8;
	[tilespmem:$0x19000] =	vst v63  }
0xbf: {  	_ =	swait.ge [sflag:s19], $0x1000  }
0xc0: {  	p0 =	seq.s32 s11, $0x9000;
	[sflag:s19] =	ssyncset.done $0x0  }
.Ltmp2:
0xc1: {  	s17 =	sadd.s32 $0x2B00, s12;
	[sflag:s19] =	ssyncadd.s32 $0xFFFFF000;
	(pc) =	sbr.rel @p0 .LBB2_4-.Ltmp2, $4  }
0xc2: {  	[spmem:s3] =	stream.indirect.scatter.add.bf16 [tilespmem:s22], [sflag:$0x7], $0x20, s17, s0, $0xb8;
	[tilespmem:$0x19000] =	vst v63  }
0xc3: {  	_ =	swait.ge [sflag:s29], $0x1000  }
0xc4: {  	[sflag:s29] =	ssyncset.done $0x0  }
0xc5: {  	s13 =	sadd.s32 $0x2B80, s12;
	[sflag:s29] =	ssyncadd.s32 $0xFFFFF000  }
0xc6: {  	s14 =	sadd.s32 $0x400, s12  }
0xc7: {  	[tilespmem:s2], [sflag:$0x1] =	stream.indirect.gather [hbm4b:s1+s0], $0x20, s14, s0, $0xb8;
	[tilespmem:$0x19000] =	vst v63  }
0xc8: {  	_ =	swait.ge [sflag:s4], $0x1000  }
0xc9: {  	[sflag:s4] =	ssyncset.done $0x0  }
0xca: {  	[sflag:s4] =	ssyncadd.s32 $0xFFFFF000  }
0xcb: {  	[spmem:s3] =	stream.indirect.scatter.add.bf16 [tilespmem:s25], [sflag:$0x8], $0x20, s13, s0, $0xb8;
	[tilespmem:$0x19000] =	vst v63  }
.Ltmp3:
0xcc: {  	_ = 	snop;
	(pc) =	sbr.rel .LBB2_2-.Ltmp3, $4  }
0xcd: {  	_ =	swait.ge [sflag:s8], $0x1000  }
0xce: {  	[sflag:s8] =	ssyncset.done $0x0  }
0xcf: {  	s17 =	sadd.s32 $0x480, s12;
	s11 =	sadd.s32 $0x800, s11;
	[sflag:s8] =	ssyncadd.s32 $0xFFFFF000  }
0xd0: {  	[tilespmem:s5], [sflag:$0x2] =	stream.indirect.gather [hbm4b:s1+s0], $0x20, s17, s0, $0xb8;
	[tilespmem:$0x19000] =	vst v63  }
.LBB2_4:
0xd1: {  	_ =	swait.ge [sflag:s4], $0x1000  }
0xd2: {  	[sflag:s4] =	ssyncset.done $0x0  }
0xd3: {  	[sflag:s4] =	ssyncadd.s32 $0xFFFFF000  }
0xd4: {  	[spmem:s3] =	stream.indirect.scatter.add.bf16 [tilespmem:s25], [sflag:$0x8], $0x20, s13, s0, $0xb8;
	[tilespmem:$0x19000] =	vst v63  }
0xd5: {  	_ =	swait.ge [sflag:s8], $0x1000  }
0xd6: {  	[sflag:s8] =	ssyncset.done $0x0  }
0xd7: {  	[sflag:s8] =	ssyncadd.s32 $0xFFFFF000  }
0xd8: {  	_ =	swait.ge [sflag:s9], $0x1000  }
0xd9: {  	[sflag:s9] =	ssyncset.done $0x0  }
0xda: {  	[sflag:s9] =	ssyncadd.s32 $0xFFFFF000  }
0xdb: {  	_ =	swait.ge [sflag:s28], $0x1000  }
0xdc: {  	[sflag:s28] =	ssyncset.done $0x0  }
0xdd: {  	s11 =	stileid.u32;
	[sflag:s28] =	ssyncadd.s32 $0xFFFFF000  }
0xde: {  	s12 =	sshrl.u32 s7, $0x3;
	s11 =	sshll.u32 s11, $0x6;
	[bflag:$0x0] =	sbarrier.arrive $0xFFFF  }
0xdf: {  	s14 =	simm.s32 $0x10;
	s11 =	sor.u32 $0x1C0A, s11;
	s17 =	rddreg [dreg:$0x11]  }
0xe0: {  	[hbm:s17@s14], [sflag:s11] =	dma.strided [spmem:s12@s4], $0x1E00, s18, $0x4   }
0xe1: {  	_ =	swait.ge [sflag:s30], $0x1E00  }
0xe2: {  	[sflag:s30] =	ssyncset.done $0x0  }
0xe3: {  	[sflag:s30] =	ssyncadd.s32 $0xFFFFE200  }
0xe4: {  	[bflag:$0x0] =	sbarrier.arrive $0xFFFF  }
0xe5: {  	s13 =	simm.s32 $0x0;
	s17 =	rddreg [dreg:$0x10]  }
0xe6: {  	[tilespmem:s13], [sflag:$0xA] =	stream.linear.gather [hbm4b:s17+s13], $0x2800, $0x38;
	[tilespmem:$0x19000] =	vst v63  }
0xe7: {  	_ =	swait.ge [sflag:s30], $0x2800  }
0xe8: {  	[sflag:s30] =	ssyncset.done $0x0  }
0xe9: {  	[sflag:s30] =	ssyncadd.s32 $0xFFFFD800  }
0xea: {  	[tilespmem:s2], [sflag:$0x1] =	stream.indirect.gather [hbm4b:s1+s0], $0x20, s13, s0, $0xb8;
	[tilespmem:$0x19000] =	vst v63  }
0xeb: {  	_ = 	snop  }
0xec: {  	[tilespmem:s5], [sflag:$0x2] =	stream.indirect.gather [hbm4b:s1+s0], $0x20, s0, s0, $0xb8;
	[tilespmem:$0x19000] =	vst v63  }
0xed: {  	_ = 	snop  }
0xee: {  	[spmem:s7] =	stream.linear.scatter [tilespmem:s31], [sflag:$0x9], $0x1000, $0x38;
	[tilespmem:$0x19000] =	vst v63  }
0xef: {  	_ = 	snop  }
0xf0: {  	[spmem:s15] =	stream.linear.scatter [tilespmem:s31], [sflag:$0x9], $0x1000, $0x38;
	[tilespmem:$0x19000] =	vst v63  }
0xf1: {  	s17 =	smov.u32 s15;
	s15 =	rddreg [dreg:$0x6]  }
0xf2: {  	[spmem:s15] =	stream.linear.scatter [tilespmem:s31], [sflag:$0x9], $0x1000, $0x38;
	[tilespmem:$0x19000] =	vst v63  }
0xf3: {  	s15 =	rddreg [dreg:$0x7]  }
0xf4: {  	[spmem:s15] =	stream.linear.scatter [tilespmem:s31], [sflag:$0x9], $0x1000, $0x38;
	[tilespmem:$0x19000] =	vst v63  }
0xf5: {  	s15 =	rddreg [dreg:$0x8]  }
0xf6: {  	[spmem:s15] =	stream.linear.scatter [tilespmem:s31], [sflag:$0x9], $0x1000, $0x38;
	[tilespmem:$0x19000] =	vst v63  }
0xf7: {  	s15 =	rddreg [dreg:$0x9]  }
0xf8: {  	[spmem:s15] =	stream.linear.scatter [tilespmem:s31], [sflag:$0x9], $0x1000, $0x38;
	[tilespmem:$0x19000] =	vst v63  }
0xf9: {  	s15 =	rddreg [dreg:$0xa]  }
0xfa: {  	[spmem:s15] =	stream.linear.scatter [tilespmem:s31], [sflag:$0x9], $0x1000, $0x38;
	[tilespmem:$0x19000] =	vst v63  }
0xfb: {  	s15 =	rddreg [dreg:$0xb]  }
0xfc: {  	[spmem:s15] =	stream.linear.scatter [tilespmem:s31], [sflag:$0x9], $0x1000, $0x38;
	[tilespmem:$0x19000] =	vst v63  }
0xfd: {  	s15 =	rddreg [dreg:$0xc]  }
0xfe: {  	[spmem:s15] =	stream.linear.scatter [tilespmem:s31], [sflag:$0x9], $0x1000, $0x38;
	[tilespmem:$0x19000] =	vst v63  }
0xff: {  	s15 =	rddreg [dreg:$0xd]  }
0x100: {  	[spmem:s15] =	stream.linear.scatter [tilespmem:s31], [sflag:$0x9], $0x1000, $0x38;
	[tilespmem:$0x19000] =	vst v63  }
0x101: {  	s15 =	rddreg [dreg:$0xe]  }
0x102: {  	[spmem:s15] =	stream.linear.scatter [tilespmem:s31], [sflag:$0x9], $0x1000, $0x38;
	[tilespmem:$0x19000] =	vst v63  }
0x103: {  	_ = 	snop  }
0x104: {  	[spmem:s20] =	stream.linear.scatter [tilespmem:s31], [sflag:$0x9], $0x1000, $0x38;
	[tilespmem:$0x19000] =	vst v63  }
0x105: {  	_ = 	snop  }
0x106: {  	[spmem:s21] =	stream.linear.scatter [tilespmem:s31], [sflag:$0x9], $0x1000, $0x38;
	[tilespmem:$0x19000] =	vst v63  }
0x107: {  	_ = 	snop  }
0x108: {  	[spmem:s24] =	stream.linear.scatter [tilespmem:s31], [sflag:$0x9], $0x1000, $0x38;
	[tilespmem:$0x19000] =	vst v63  }
0x109: {  	_ = 	snop  }
0x10a: {  	[spmem:s26] =	stream.linear.scatter [tilespmem:s31], [sflag:$0x9], $0x1000, $0x38;
	[tilespmem:$0x19000] =	vst v63  }
0x10b: {  	_ =	swait.ge [sflag:s6], $0x1000  }
0x10c: {  	[sflag:s6] =	ssyncset.done $0x0  }
0x10d: {  	[sflag:s6] =	ssyncadd.s32 $0xFFFFF000  }
0x10e: {  	_ =	swait.ge [sflag:s6], $0x1000  }
0x10f: {  	[sflag:s6] =	ssyncset.done $0x0  }
0x110: {  	[sflag:s6] =	ssyncadd.s32 $0xFFFFF000  }
0x111: {  	_ =	swait.ge [sflag:s6], $0x1000  }
0x112: {  	[sflag:s6] =	ssyncset.done $0x0  }
0x113: {  	[sflag:s6] =	ssyncadd.s32 $0xFFFFF000  }
0x114: {  	_ =	swait.ge [sflag:s6], $0x1000  }
0x115: {  	[sflag:s6] =	ssyncset.done $0x0  }
0x116: {  	[sflag:s6] =	ssyncadd.s32 $0xFFFFF000  }
0x117: {  	_ =	swait.ge [sflag:s6], $0x1000  }
0x118: {  	[sflag:s6] =	ssyncset.done $0x0  }
0x119: {  	[sflag:s6] =	ssyncadd.s32 $0xFFFFF000  }
0x11a: {  	_ =	swait.ge [sflag:s6], $0x1000  }
0x11b: {  	[sflag:s6] =	ssyncset.done $0x0  }
0x11c: {  	[sflag:s6] =	ssyncadd.s32 $0xFFFFF000  }
0x11d: {  	_ =	swait.ge [sflag:s6], $0x1000  }
0x11e: {  	[sflag:s6] =	ssyncset.done $0x0  }
0x11f: {  	[sflag:s6] =	ssyncadd.s32 $0xFFFFF000  }
0x120: {  	_ =	swait.ge [sflag:s6], $0x1000  }
0x121: {  	[sflag:s6] =	ssyncset.done $0x0  }
0x122: {  	[sflag:s6] =	ssyncadd.s32 $0xFFFFF000  }
0x123: {  	_ =	swait.ge [sflag:s6], $0x1000  }
0x124: {  	[sflag:s6] =	ssyncset.done $0x0  }
0x125: {  	[sflag:s6] =	ssyncadd.s32 $0xFFFFF000  }
0x126: {  	_ =	swait.ge [sflag:s6], $0x1000  }
0x127: {  	[sflag:s6] =	ssyncset.done $0x0  }
0x128: {  	[sflag:s6] =	ssyncadd.s32 $0xFFFFF000  }
0x129: {  	_ =	swait.ge [sflag:s6], $0x1000  }
0x12a: {  	[sflag:s6] =	ssyncset.done $0x0  }
0x12b: {  	[sflag:s6] =	ssyncadd.s32 $0xFFFFF000  }
0x12c: {  	_ =	swait.ge [sflag:s6], $0x1000  }
0x12d: {  	[sflag:s6] =	ssyncset.done $0x0  }
0x12e: {  	[sflag:s6] =	ssyncadd.s32 $0xFFFFF000  }
0x12f: {  	_ =	swait.ge [sflag:s6], $0x1000  }
0x130: {  	[sflag:s6] =	ssyncset.done $0x0  }
0x131: {  	[sflag:s6] =	ssyncadd.s32 $0xFFFFF000  }
0x132: {  	_ =	swait.ge [sflag:s6], $0x1000  }
0x133: {  	[sflag:s6] =	ssyncset.done $0x0  }
0x134: {  	[sflag:s6] =	ssyncadd.s32 $0xFFFFF000  }
0x135: {  	_ =	swait.ge [sflag:s6], $0x1000  }
0x136: {  	[sflag:s6] =	ssyncset.done $0x0  }
0x137: {  	[sflag:s6] =	ssyncadd.s32 $0xFFFFF000  }
0x138: {  	[bflag:$0x0] =	sbarrier.arrive $0xFFFF  }
0x139: {  	_ =	swait.ge [sflag:s18], $0x1000  }
0x13a: {  	[sflag:s18] =	ssyncset.done $0x0  }
0x13b: {  	[sflag:s18] =	ssyncadd.s32 $0xFFFFF000  }
0x13c: {  	[spmem:s3] =	stream.indirect.scatter.add.bf16 [tilespmem:s2], [sflag:$0x5], $0x20, s16, s0, $0xb8;
	[tilespmem:$0x19000] =	vst v63  }
0x13d: {  	s16 =	simm.s32 $0x100  }
0x13e: {  	[tilespmem:s22], [sflag:$0x3] =	stream.indirect.gather [hbm4b:s1+s0], $0x20, s16, s0, $0xb8;
	[tilespmem:$0x19000] =	vst v63  }
0x13f: {  	_ =	swait.ge [sflag:s23], $0x1000  }
0x140: {  	[sflag:s23] =	ssyncset.done $0x0  }
0x141: {  	s15 =	simm.s32 $0x2880;
	[sflag:s23] =	ssyncadd.s32 $0xFFFFF000  }
0x142: {  	[spmem:s3] =	stream.indirect.scatter.add.bf16 [tilespmem:s5], [sflag:$0x6], $0x20, s15, s0, $0xb8;
	[tilespmem:$0x19000] =	vst v63  }
0x143: {  	s16 =	simm.s32 $0x180  }
0x144: {  	[tilespmem:s25], [sflag:$0x4] =	stream.indirect.gather [hbm4b:s1+s0], $0x20, s16, s0, $0xb8;
	[tilespmem:$0x19000] =	vst v63  }
0x145: {  	_ =	swait.ge [sflag:s19], $0x1000  }
0x146: {  	[sflag:s19] =	ssyncset.done $0x0  }
0x147: {  	s15 =	simm.s32 $0x2900;
	[sflag:s19] =	ssyncadd.s32 $0xFFFFF000  }
0x148: {  	[spmem:s3] =	stream.indirect.scatter.add.bf16 [tilespmem:s22], [sflag:$0x7], $0x20, s15, s0, $0xb8;
	[tilespmem:$0x19000] =	vst v63  }
0x149: {  	_ =	swait.ge [sflag:s29], $0x1000  }
0x14a: {  	[sflag:s29] =	ssyncset.done $0x0  }
0x14b: {  	s16 =	simm.s32 $0x200;
	[sflag:s29] =	ssyncadd.s32 $0xFFFFF000  }
0x14c: {  	[tilespmem:s2], [sflag:$0x1] =	stream.indirect.gather [hbm4b:s1+s0], $0x20, s16, s0, $0xb8;
	[tilespmem:$0x19000] =	vst v63  }
0x14d: {  	_ =	swait.ge [sflag:s4], $0x1000  }
0x14e: {  	[sflag:s4] =	ssyncset.done $0x0  }
0x14f: {  	s15 =	simm.s32 $0x2980;
	[sflag:s4] =	ssyncadd.s32 $0xFFFFF000  }
0x150: {  	[spmem:s3] =	stream.indirect.scatter.add.bf16 [tilespmem:s25], [sflag:$0x8], $0x20, s15, s0, $0xb8;
	[tilespmem:$0x19000] =	vst v63  }
0x151: {  	_ =	swait.ge [sflag:s8], $0x1000  }
0x152: {  	[sflag:s8] =	ssyncset.done $0x0  }
0x153: {  	s16 =	simm.s32 $0x280;
	[sflag:s8] =	ssyncadd.s32 $0xFFFFF000  }
0x154: {  	[tilespmem:s5], [sflag:$0x2] =	stream.indirect.gather [hbm4b:s1+s0], $0x20, s16, s0, $0xb8;
	[tilespmem:$0x19000] =	vst v63  }
.LBB2_5:
0x155: {  	_ =	swait.ge [sflag:s18], $0x1000  }
0x156: {  	s14 =	sshra.s32 s13, $0x2;
	[sflag:s18] =	ssyncset.done $0x0  }
0x157: {  	s15 =	sadd.s32 $0x2A00, s14;
	[sflag:s18] =	ssyncadd.s32 $0xFFFFF000  }
0x158: {  	[spmem:s3] =	stream.indirect.scatter.add.bf16 [tilespmem:s2], [sflag:$0x5], $0x20, s15, s0, $0xb8;
	[tilespmem:$0x19000] =	vst v63  }
0x159: {  	_ =	swait.ge [sflag:s9], $0x1000  }
0x15a: {  	[sflag:s9] =	ssyncset.done $0x0  }
0x15b: {  	s16 =	sadd.s32 $0x300, s14;
	[sflag:s9] =	ssyncadd.s32 $0xFFFFF000  }
0x15c: {  	[tilespmem:s22], [sflag:$0x3] =	stream.indirect.gather [hbm4b:s1+s0], $0x20, s16, s0, $0xb8;
	[tilespmem:$0x19000] =	vst v63  }
0x15d: {  	_ =	swait.ge [sflag:s23], $0x1000  }
0x15e: {  	[sflag:s23] =	ssyncset.done $0x0  }
0x15f: {  	s16 =	sadd.s32 $0x2A80, s14;
	[sflag:s23] =	ssyncadd.s32 $0xFFFFF000  }
0x160: {  	[spmem:s3] =	stream.indirect.scatter.add.bf16 [tilespmem:s5], [sflag:$0x6], $0x20, s16, s0, $0xb8;
	[tilespmem:$0x19000] =	vst v63  }
0x161: {  	_ =	swait.ge [sflag:s28], $0x1000  }
0x162: {  	[sflag:s28] =	ssyncset.done $0x0  }
0x163: {  	s16 =	sadd.s32 $0x380, s14;
	[sflag:s28] =	ssyncadd.s32 $0xFFFFF000  }
0x164: {  	[tilespmem:s25], [sflag:$0x4] =	stream.indirect.gather [hbm4b:s1+s0], $0x20, s16, s0, $0xb8;
	[tilespmem:$0x19000] =	vst v63  }
0x165: {  	_ =	swait.ge [sflag:s19], $0x1000  }
0x166: {  	p0 =	seq.s32 s13, $0x9000;
	[sflag:s19] =	ssyncset.done $0x0  }
.Ltmp4:
0x167: {  	s16 =	sadd.s32 $0x2B00, s14;
	[sflag:s19] =	ssyncadd.s32 $0xFFFFF000;
	(pc) =	sbr.rel @p0 .LBB2_7-.Ltmp4, $4  }
0x168: {  	[spmem:s3] =	stream.indirect.scatter.add.bf16 [tilespmem:s22], [sflag:$0x7], $0x20, s16, s0, $0xb8;
	[tilespmem:$0x19000] =	vst v63  }
0x169: {  	_ =	swait.ge [sflag:s29], $0x1000  }
0x16a: {  	[sflag:s29] =	ssyncset.done $0x0  }
0x16b: {  	s15 =	sadd.s32 $0x2B80, s14;
	[sflag:s29] =	ssyncadd.s32 $0xFFFFF000  }
0x16c: {  	s16 =	sadd.s32 $0x400, s14  }
0x16d: {  	[tilespmem:s2], [sflag:$0x1] =	stream.indirect.gather [hbm4b:s1+s0], $0x20, s16, s0, $0xb8;
	[tilespmem:$0x19000] =	vst v63  }
0x16e: {  	_ =	swait.ge [sflag:s4], $0x1000  }
0x16f: {  	[sflag:s4] =	ssyncset.done $0x0  }
0x170: {  	[sflag:s4] =	ssyncadd.s32 $0xFFFFF000  }
0x171: {  	[spmem:s3] =	stream.indirect.scatter.add.bf16 [tilespmem:s25], [sflag:$0x8], $0x20, s15, s0, $0xb8;
	[tilespmem:$0x19000] =	vst v63  }
.Ltmp5:
0x172: {  	_ = 	snop;
	(pc) =	sbr.rel .LBB2_5-.Ltmp5, $4  }
0x173: {  	_ =	swait.ge [sflag:s8], $0x1000  }
0x174: {  	[sflag:s8] =	ssyncset.done $0x0  }
0x175: {  	s13 =	sadd.s32 $0x800, s13;
	s16 =	sadd.s32 $0x480, s14;
	[sflag:s8] =	ssyncadd.s32 $0xFFFFF000  }
0x176: {  	[tilespmem:s5], [sflag:$0x2] =	stream.indirect.gather [hbm4b:s1+s0], $0x20, s16, s0, $0xb8;
	[tilespmem:$0x19000] =	vst v63  }
.LBB2_8:
0x177: {  	_ =	sfence.sel $0x180000  }
0x178: {  	[bflag:$0x0] =	sbarrier.arrive $0xFFFF  }
0x179: {  	_ =	strace $0x90000047  }
0x17a: {  	s0 =	stileid.u32;
	[bflag:$0x2] =	sbarrier.arrive $0xFFFF  }
0x17b: {  	p0 =	sne.s32 s0, $0x0;
	s0 =	rddreg [dreg:$0x3]  }
0x17c: {  	s0 =	sadd.s32 @!p0 $0x100000, s0  }
0x17d: {  	[sflag:s0] =	ssyncadd.tile.s32 @!p0 $0x1;
	_ =	shalt  }
.Lfunc_end2:
_tile_overlayer_lowered:
.L_overlay_start_2:
0x17e: {  	(tag) =	ssettag $0x2  }
0x17f: {  	s0 =	rddreg [dreg:$0x0];
	s2 =	stileid.u32  }
0x180: {  	s1 =	rddreg [dreg:$0x1];
	p0 =	sne.s32 s2, $0x0  }
0x181: {  	s3 =	rddreg [dreg:$0x2];
	[bflag:$0x3] =	sbarrier.arrive $0xFFFF;
	s2 =	simm.s32 @!p0 $0x1C0A  }
0x182: {  	[timem:s3], [sflag:s2] =	dma.local @!p0 [hbm:s0], s1  }
0x183: {  	s0 =	simm.s32 @!p0 $0xA  }
0x184: {  	_ =	swait.ge @!p0 [sflag:s0], s1  }
0x185: {  	s1 =	ssub.s32 @!p0 $0x0, s1;
	[sflag:s0] =	ssyncset.done @!p0 $0x0  }
0x186: {  	[sflag:s0] =	ssyncadd.s32 @!p0 s1  }
0x187: {  	[bflag:$0x3] =	sbarrier.arrive $0xFFFF  }
0x188: {  	_ =	shalt  }

</sc_bundles>
